<compile_context>
chip_gen: v7x
topology: tpu7x:2x2x1
jax: 0.10.2.dev20260603
libtpu: 0.0.44.dev20260713+nightly
codegen_flags: <defaults>
</compile_context>

<pallas_src>
import functools

import jax
import jax.numpy as jnp
from jax import lax
from jax.experimental import pallas as pl
from jax.experimental.pallas import tpu as pltpu
from jax.experimental.pallas import tpu_sc as plsc

N = 10000
F = 128
N_EDGES = 320000
NP = 10240
CHUNK = 128
NC = 2
NS = 16
NW = NC * NS
C_PER_SUB = 80
C2 = NW * C_PER_SUB
E_PAD = C2 * CHUNK
ROWS_PER_SUB = NP // NS
OUT_BIG = 632
OUT_LAST = N - (NS - 1) * OUT_BIG

_MESH = plsc.VectorSubcoreMesh(core_axis_name="c", subcore_axis_name="s",
                               num_cores=NC, num_subcores=NS)


@functools.partial(
    pl.kernel, mesh=_MESH,
    out_type=jax.ShapeDtypeStruct((NC, NP), jnp.float32),
    scratch_types=[
        pltpu.VMEM((C_PER_SUB, CHUNK), jnp.int32),
        pltpu.VMEM((CHUNK,), jnp.float32),
        pltpu.VMEM_SHARED((NP,), jnp.float32),
        pltpu.SemaphoreType.DMA,
    ],
)
def _sc_deg(dst_hbm, zeros1_hbm, out_hbm, didx, ones, acc, sem):
    c = lax.axis_index("c")
    s = lax.axis_index("s")
    w = c * NS + s
    for i in range(CHUNK // 16):
        ones[pl.ds(i * 16, 16)] = jnp.ones((16,), jnp.float32)
    pltpu.sync_copy(dst_hbm.at[pl.ds(w * C_PER_SUB, C_PER_SUB)], didx)
    pltpu.sync_copy(zeros1_hbm.at[pl.ds(s * ROWS_PER_SUB, ROWS_PER_SUB)],
                    acc.at[pl.ds(s * ROWS_PER_SUB, ROWS_PER_SUB)])
    plsc.subcore_barrier()

    LAG = 8

    def body(i, _):
        pltpu.async_copy(ones, acc.at[didx.at[i]], sem, add=True)

        @pl.when(i >= LAG)
        def _():
            pltpu.make_async_copy(ones, acc.at[didx.at[i - LAG]], sem).wait()

        return 0

    lax.fori_loop(0, C_PER_SUB, body, 0)

    def drain(i, _):
        pltpu.make_async_copy(ones, acc.at[didx.at[i]], sem).wait()
        return 0

    lax.fori_loop(C_PER_SUB - LAG, C_PER_SUB, drain, 0)
    plsc.subcore_barrier()
    pltpu.sync_copy(acc.at[pl.ds(s * ROWS_PER_SUB, ROWS_PER_SUB)],
                    out_hbm.at[c, pl.ds(s * ROWS_PER_SUB, ROWS_PER_SUB)])


@functools.partial(
    pl.kernel, mesh=_MESH,
    out_type=jax.ShapeDtypeStruct((NC, N, F), jnp.float32),
    scratch_types=[
        pltpu.VMEM((C_PER_SUB // 2, CHUNK), jnp.int32),
        pltpu.VMEM((C_PER_SUB // 2, CHUNK), jnp.int32),
        pltpu.VMEM((CHUNK, F), jnp.float32),
        pltpu.VMEM((CHUNK, F), jnp.float32),
        pltpu.VMEM_SHARED((NP, F), jnp.float32),
        pltpu.SemaphoreType.DMA,
        pltpu.SemaphoreType.DMA,
    ],
)
def _sc_agg(src_hbm, dst_hbm, tab_hbm, out_hbm,
            sidx, didx, rows0, rows1, acc, gsem0, gsem1):
    c = lax.axis_index("c")
    s = lax.axis_index("s")
    w = c * NS + s

    def zrow(r, _):
        for j in range(F // 16):
            rows0[r, pl.ds(j * 16, 16)] = jnp.zeros((16,), jnp.float32)
        return 0

    lax.fori_loop(0, CHUNK, zrow, 0)
    for j in range(ROWS_PER_SUB // CHUNK):
        pltpu.sync_copy(
            rows0, acc.at[pl.ds(s * ROWS_PER_SUB + j * CHUNK, CHUNK)])
    plsc.subcore_barrier()

    CP = C_PER_SUB // 2
    n_outer = CP // 2
    for p in range(2):
        base = w * C_PER_SUB + p * CP
        pltpu.sync_copy(src_hbm.at[pl.ds(base, CP)], sidx)
        pltpu.sync_copy(dst_hbm.at[pl.ds(base, CP)], didx)
        pltpu.async_copy(tab_hbm.at[sidx.at[0]], rows0, gsem0)

        def body(k, _):
            i = 2 * k
            d1 = pltpu.async_copy(tab_hbm.at[sidx.at[i + 1]], rows1, gsem1)
            pltpu.make_async_copy(tab_hbm.at[sidx.at[i]], rows0, gsem0).wait()
            pltpu.sync_copy(rows0, acc.at[didx.at[i]], add=True)

            @pl.when(k < n_outer - 1)
            def _():
                pltpu.async_copy(tab_hbm.at[sidx.at[i + 2]], rows0, gsem0)

            d1.wait()
            pltpu.sync_copy(rows1, acc.at[didx.at[i + 1]], add=True)
            return 0

        lax.fori_loop(0, n_outer, body, 0)
    plsc.subcore_barrier()

    @pl.when(s < NS - 1)
    def _():
        pltpu.sync_copy(acc.at[pl.ds(s * OUT_BIG, OUT_BIG)],
                        out_hbm.at[c, pl.ds(s * OUT_BIG, OUT_BIG)])

    @pl.when(s == NS - 1)
    def _():
        pltpu.sync_copy(acc.at[pl.ds(s * OUT_BIG, OUT_LAST)],
                        out_hbm.at[c, pl.ds(s * OUT_BIG, OUT_LAST)])



BLK = 1000
GRID = N // BLK


def _tc1_body(x_ref, w_ref, dg_ref, o_ref):
    t = jnp.dot(x_ref[...], w_ref[...], preferred_element_type=jnp.float32)
    o_ref[...] = t * lax.rsqrt(dg_ref[...])


def _tc1(x, W1, dg):
    return pl.pallas_call(
        _tc1_body,
        grid=(GRID,),
        in_specs=[
            pl.BlockSpec((BLK, F), lambda i: (i, 0)),
            pl.BlockSpec((F, F), lambda i: (0, 0)),
            pl.BlockSpec((BLK, 1), lambda i: (i, 0)),
        ],
        out_specs=pl.BlockSpec((BLK, F), lambda i: (i, 0)),
        out_shape=jax.ShapeDtypeStruct((N, F), jnp.float32),
    )(x, W1, dg)


def _tc2_body(p0_ref, p1_ref, g1_ref, dg_ref, b_ref, gm_ref, bt_ref, o_ref):
    dinv = lax.rsqrt(dg_ref[...])
    hpre = (p0_ref[...] + p1_ref[...] + g1_ref[...]) * dinv + b_ref[...][None, :]
    h = jnp.maximum(hpre, 0.0)
    mu = jnp.mean(h, axis=1, keepdims=True)
    var = jnp.mean((h - mu) * (h - mu), axis=1, keepdims=True)
    hn = (h - mu) * lax.rsqrt(var + 1e-5) * gm_ref[...][None, :] + bt_ref[...][None, :]
    o_ref[...] = hn * dinv


def _tc2(p0, p1, g1, dg, b1, gamma, beta):
    return pl.pallas_call(
        _tc2_body,
        grid=(GRID,),
        in_specs=[
            pl.BlockSpec((BLK, F), lambda i: (i, 0)),
            pl.BlockSpec((BLK, F), lambda i: (i, 0)),
            pl.BlockSpec((BLK, F), lambda i: (i, 0)),
            pl.BlockSpec((BLK, 1), lambda i: (i, 0)),
            pl.BlockSpec((F,), lambda i: (0,)),
            pl.BlockSpec((F,), lambda i: (0,)),
            pl.BlockSpec((F,), lambda i: (0,)),
        ],
        out_specs=pl.BlockSpec((BLK, F), lambda i: (i, 0)),
        out_shape=jax.ShapeDtypeStruct((N, F), jnp.float32),
    )(p0, p1, g1, dg, b1, gamma, beta)


def _tc3_body(q0_ref, q1_ref, g2_ref, dg_ref, w2_ref, w3_ref, b2_ref, b3_ref,
              mu_ref, lv_ref):
    ph = (q0_ref[...] + q1_ref[...] + g2_ref[...]) * lax.rsqrt(dg_ref[...])
    mu_ref[...] = (jnp.dot(ph, w2_ref[...], preferred_element_type=jnp.float32)
                   + b2_ref[...][None, :])
    lv_ref[...] = (jnp.dot(ph, w3_ref[...], preferred_element_type=jnp.float32)
                   + b3_ref[...][None, :])


def _tc3(q0, q1, g2, dg, W2, W3, b2, b3):
    return pl.pallas_call(
        _tc3_body,
        grid=(GRID,),
        in_specs=[
            pl.BlockSpec((BLK, F), lambda i: (i, 0)),
            pl.BlockSpec((BLK, F), lambda i: (i, 0)),
            pl.BlockSpec((BLK, F), lambda i: (i, 0)),
            pl.BlockSpec((BLK, 1), lambda i: (i, 0)),
            pl.BlockSpec((F, 64), lambda i: (0, 0)),
            pl.BlockSpec((F, 64), lambda i: (0, 0)),
            pl.BlockSpec((64,), lambda i: (0,)),
            pl.BlockSpec((64,), lambda i: (0,)),
        ],
        out_specs=[
            pl.BlockSpec((BLK, 64), lambda i: (i, 0)),
            pl.BlockSpec((BLK, 64), lambda i: (i, 0)),
        ],
        out_shape=[
            jax.ShapeDtypeStruct((N, 64), jnp.float32),
            jax.ShapeDtypeStruct((N, 64), jnp.float32),
        ],
    )(q0, q1, g2, dg, W2, W3, b2, b3)


def kernel(x, edge_index, W1, b1, gamma, beta, W2, b2, W3, b3):
    n_dummy = E_PAD - N_EDGES
    ar = jnp.arange(n_dummy, dtype=jnp.int32)
    pad_src = ar % N
    pad_dst = ar % (NP - N) + N
    src2d = jnp.concatenate([edge_index[0], pad_src]).reshape(C2, CHUNK)
    dst2d = jnp.concatenate([edge_index[1], pad_dst]).reshape(C2, CHUNK)
    zeros1 = jnp.zeros((NP,), jnp.float32)

    degp = _sc_deg(dst2d, zeros1)
    dg = (degp[0, :N] + degp[1, :N] + 1.0)[:, None]

    g1 = _tc1(x, W1, dg)
    p = _sc_agg(src2d, dst2d, g1)
    g2 = _tc2(p[0], p[1], g1, dg, b1, gamma, beta)
    q = _sc_agg(src2d, dst2d, g2)

    mu, logvar = _tc3(q[0], q[1], g2, dg, W2, W3, b2, b3)
    return mu, logvar

# --- scband reference (transcript-rebuilt; emitter-appended) ---
"""Pipeline reference for scband-vgae-encoder-72189810312082 (READ-ONLY COPY).

The authoritative reference and input builder live on the scoring server;
editing this copy changes nothing except your own understanding.
"""

import jax, jax.numpy as jnp
import numpy as np

N = 10000
E = 320000
F_IN = 128
HID = 128
OUT = 64


def setup_inputs(seed: int = 0) -> dict:
    key = jax.random.key(seed)
    ks = jax.random.split(key, 12)
    x = jax.random.normal(ks[0], (N, F_IN), dtype=jnp.float32)
    edge_index = jax.random.randint(ks[1], (2, E), 0, N, dtype=jnp.int32)
    W1 = jax.random.normal(ks[2], (F_IN, HID), dtype=jnp.float32) * (1.0 / np.sqrt(F_IN))
    b1 = jnp.zeros((HID,), dtype=jnp.float32)
    gamma = jnp.ones((HID,), dtype=jnp.float32)
    beta = jnp.zeros((HID,), dtype=jnp.float32)
    W2 = jax.random.normal(ks[3], (HID, OUT), dtype=jnp.float32) * (1.0 / np.sqrt(HID))
    b2 = jnp.zeros((OUT,), dtype=jnp.float32)
    W3 = jax.random.normal(ks[4], (HID, OUT), dtype=jnp.float32) * (1.0 / np.sqrt(HID))
    b3 = jnp.zeros((OUT,), dtype=jnp.float32)
    return {"x": x, "edge_index": edge_index, "W1": W1, "b1": b1,
            "gamma": gamma, "beta": beta, "W2": W2, "b2": b2, "W3": W3, "b3": b3}


def gcn_conv(x, edge_index, W, b):
    # PyG-style GCNConv: add self-loops, symmetric normalization, scatter-add aggregation
    n = x.shape[0]
    src = edge_index[0]
    dst = edge_index[1]
    loop = jnp.arange(n, dtype=src.dtype)
    src = jnp.concatenate([src, loop])
    dst = jnp.concatenate([dst, loop])
    deg = jnp.zeros((n,), dtype=x.dtype).at[dst].add(1.0)
    dinv = jnp.where(deg > 0, jax.lax.rsqrt(deg), 0.0)
    norm = dinv[src] * dinv[dst]
    h = x @ W
    msgs = h[src] * norm[:, None]
    out = jnp.zeros((n, W.shape[1]), dtype=x.dtype).at[dst].add(msgs)
    return out + b


def layer_norm(x, gamma, beta, eps=1e-5):
    mu = jnp.mean(x, axis=-1, keepdims=True)
    var = jnp.var(x, axis=-1, keepdims=True)
    return (x - mu) * jax.lax.rsqrt(var + eps) * gamma + beta


def reference(x, edge_index, W1, b1, gamma, beta, W2, b2, W3, b3):
    h = jax.nn.relu(gcn_conv(x, edge_index, W1, b1))
    h = layer_norm(h, gamma, beta)
    mu = gcn_conv(h, edge_index, W2, b2)
    logvar = gcn_conv(h, edge_index, W3, b3)
    return (mu, logvar)

if __name__ == "__main__":
    import jax
    _d = setup_inputs()
    print(jax.jit(kernel)(*tuple(_d.values())))

</pallas_src>

<mosaic_0001>
#map = affine_map<(d0, d1) -> (0, 0)>
#map1 = affine_map<(d0, d1) -> (0)>
module attributes {stable_mosaic.version = 14 : i64} {
  func.func @_sc_deg(%arg0: i32, %arg1: i32, %arg2: memref<2560x128xi32, #tpu.memory_space<hbm>>, %arg3: memref<10240xf32, #tpu.memory_space<hbm>>, %arg4: memref<2x10240xf32, #tpu.memory_space<hbm>>, %arg5: memref<80x128xi32, #tpu.memory_space<vmem>>, %arg6: memref<128xf32, #tpu.memory_space<vmem>>, %arg7: memref<10240xf32, #tpu.memory_space<vmem_shared>>, %arg8: memref<!tpu.dma_semaphore, #tpu.memory_space<semaphore_mem>>) attributes {dimension_semantics = [#tpu.dimension_semantics<core_parallel>, #tpu.dimension_semantics<subcore_parallel>], iteration_bounds = array<i64: 2, 16>, scalar_prefetch = 0 : i64, scratch_operands = 4 : i64, tpu.core_type = #tpu.core_type<sc_vector_subcore>, window_params = [{transform_indices = #map}, {transform_indices = #map1}, {transform_indices = #map}]} {
    %mul3A = arith.constant 16 : i32
    %mul3A_0 = arith.muli %arg0, %mul3A : i32
    %add3A = arith.addi %mul3A_0, %arg1 : i32
    %broadcast_in_dim3A = arith.constant 1.000000e+00 : f32
    %broadcast_in_dim3A_1 = vector.broadcast %broadcast_in_dim3A : f32 to vector<16xf32>
    %swap3A = arith.constant 0 : index
    %swap3A_2 = tpu.vector_load %arg6[%swap3A] {strides = array<i32>} : memref<128xf32, #tpu.memory_space<vmem>>, vector<16xf32>,
    %swap3A_3 = vector.shape_cast %swap3A_2 : vector<16xf32> to vector<16xf32>
    %swap3A_4 = vector.shape_cast %broadcast_in_dim3A_1 : vector<16xf32> to vector<16xf32>
    tpu.vector_store %arg6[%swap3A], %swap3A_4 {strides = array<i32>} : memref<128xf32, #tpu.memory_space<vmem>>, vector<16xf32>,
    %broadcast_in_dim3A_5 = arith.constant 1.000000e+00 : f32
    %broadcast_in_dim3A_6 = vector.broadcast %broadcast_in_dim3A_5 : f32 to vector<16xf32>
    %swap3A_7 = arith.constant 16 : index
    %swap3A_8 = tpu.vector_load %arg6[%swap3A_7] {strides = array<i32>} : memref<128xf32, #tpu.memory_space<vmem>>, vector<16xf32>,
    %swap3A_9 = vector.shape_cast %swap3A_8 : vector<16xf32> to vector<16xf32>
    %swap3A_10 = vector.shape_cast %broadcast_in_dim3A_6 : vector<16xf32> to vector<16xf32>
    tpu.vector_store %arg6[%swap3A_7], %swap3A_10 {strides = array<i32>} : memref<128xf32, #tpu.memory_space<vmem>>, vector<16xf32>,
    %broadcast_in_dim3A_11 = arith.constant 1.000000e+00 : f32
    %broadcast_in_dim3A_12 = vector.broadcast %broadcast_in_dim3A_11 : f32 to vector<16xf32>
    %swap3A_13 = arith.constant 32 : index
    %swap3A_14 = tpu.vector_load %arg6[%swap3A_13] {strides = array<i32>} : memref<128xf32, #tpu.memory_space<vmem>>, vector<16xf32>,
    %swap3A_15 = vector.shape_cast %swap3A_14 : vector<16xf32> to vector<16xf32>
    %swap3A_16 = vector.shape_cast %broadcast_in_dim3A_12 : vector<16xf32> to vector<16xf32>
    tpu.vector_store %arg6[%swap3A_13], %swap3A_16 {strides = array<i32>} : memref<128xf32, #tpu.memory_space<vmem>>, vector<16xf32>,
    %broadcast_in_dim3A_17 = arith.constant 1.000000e+00 : f32
    %broadcast_in_dim3A_18 = vector.broadcast %broadcast_in_dim3A_17 : f32 to vector<16xf32>
    %swap3A_19 = arith.constant 48 : index
    %swap3A_20 = tpu.vector_load %arg6[%swap3A_19] {strides = array<i32>} : memref<128xf32, #tpu.memory_space<vmem>>, vector<16xf32>,
    %swap3A_21 = vector.shape_cast %swap3A_20 : vector<16xf32> to vector<16xf32>
    %swap3A_22 = vector.shape_cast %broadcast_in_dim3A_18 : vector<16xf32> to vector<16xf32>
    tpu.vector_store %arg6[%swap3A_19], %swap3A_22 {strides = array<i32>} : memref<128xf32, #tpu.memory_space<vmem>>, vector<16xf32>,
    %broadcast_in_dim3A_23 = arith.constant 1.000000e+00 : f32
    %broadcast_in_dim3A_24 = vector.broadcast %broadcast_in_dim3A_23 : f32 to vector<16xf32>
    %swap3A_25 = arith.constant 64 : index
    %swap3A_26 = tpu.vector_load %arg6[%swap3A_25] {strides = array<i32>} : memref<128xf32, #tpu.memory_space<vmem>>, vector<16xf32>,
    %swap3A_27 = vector.shape_cast %swap3A_26 : vector<16xf32> to vector<16xf32>
    %swap3A_28 = vector.shape_cast %broadcast_in_dim3A_24 : vector<16xf32> to vector<16xf32>
    tpu.vector_store %arg6[%swap3A_25], %swap3A_28 {strides = array<i32>} : memref<128xf32, #tpu.memory_space<vmem>>, vector<16xf32>,
    %broadcast_in_dim3A_29 = arith.constant 1.000000e+00 : f32
    %broadcast_in_dim3A_30 = vector.broadcast %broadcast_in_dim3A_29 : f32 to vector<16xf32>
    %swap3A_31 = arith.constant 80 : index
    %swap3A_32 = tpu.vector_load %arg6[%swap3A_31] {strides = array<i32>} : memref<128xf32, #tpu.memory_space<vmem>>, vector<16xf32>,
    %swap3A_33 = vector.shape_cast %swap3A_32 : vector<16xf32> to vector<16xf32>
    %swap3A_34 = vector.shape_cast %broadcast_in_dim3A_30 : vector<16xf32> to vector<16xf32>
    tpu.vector_store %arg6[%swap3A_31], %swap3A_34 {strides = array<i32>} : memref<128xf32, #tpu.memory_space<vmem>>, vector<16xf32>,
    %broadcast_in_dim3A_35 = arith.constant 1.000000e+00 : f32
    %broadcast_in_dim3A_36 = vector.broadcast %broadcast_in_dim3A_35 : f32 to vector<16xf32>
    %swap3A_37 = arith.constant 96 : index
    %swap3A_38 = tpu.vector_load %arg6[%swap3A_37] {strides = array<i32>} : memref<128xf32, #tpu.memory_space<vmem>>, vector<16xf32>,
    %swap3A_39 = vector.shape_cast %swap3A_38 : vector<16xf32> to vector<16xf32>
    %swap3A_40 = vector.shape_cast %broadcast_in_dim3A_36 : vector<16xf32> to vector<16xf32>
    tpu.vector_store %arg6[%swap3A_37], %swap3A_40 {strides = array<i32>} : memref<128xf32, #tpu.memory_space<vmem>>, vector<16xf32>,
    %broadcast_in_dim3A_41 = arith.constant 1.000000e+00 : f32
    %broadcast_in_dim3A_42 = vector.broadcast %broadcast_in_dim3A_41 : f32 to vector<16xf32>
    %swap3A_43 = arith.constant 112 : index
    %swap3A_44 = tpu.vector_load %arg6[%swap3A_43] {strides = array<i32>} : memref<128xf32, #tpu.memory_space<vmem>>, vector<16xf32>,
    %swap3A_45 = vector.shape_cast %swap3A_44 : vector<16xf32> to vector<16xf32>
    %swap3A_46 = vector.shape_cast %broadcast_in_dim3A_42 : vector<16xf32> to vector<16xf32>
    tpu.vector_store %arg6[%swap3A_43], %swap3A_46 {strides = array<i32>} : memref<128xf32, #tpu.memory_space<vmem>>, vector<16xf32>,
    %mul3A_47 = arith.constant 80 : i32
    %mul3A_48 = arith.muli %add3A, %mul3A_47 : i32
    "tpu.region"() ({
      %run_scoped3A = tpu.sem_alloc : memref<!tpu.dma_semaphore, #tpu.memory_space<semaphore_mem>>
      %dma_start3A = arith.constant 0 : i32
      %dma_start3A_71 = tpu.memref_slice %arg2[%mul3A_48, %dma_start3A] : memref<2560x128xi32, #tpu.memory_space<hbm>> -> memref<80x128xi32, #tpu.memory_space<hbm>>
      %dma_start3A_72 = arith.constant 0 : i32
      %dma_start3A_73 = tpu.memref_slice %arg2[%mul3A_48, %dma_start3A_72] : memref<2560x128xi32, #tpu.memory_space<hbm>> -> memref<80x128xi32, #tpu.memory_space<hbm>>
      tpu.enqueue_dma source(%dma_start3A_73 : memref<80x128xi32, #tpu.memory_space<hbm>>) target(%arg5 : memref<80x128xi32, #tpu.memory_space<vmem>>) target_semaphore(%run_scoped3A : memref<!tpu.dma_semaphore, #tpu.memory_space<semaphore_mem>>)
      %dma_wait3A = arith.constant 0 : i32
      %dma_wait3A_74 = tpu.memref_slice %arg2[%mul3A_48, %dma_wait3A] : memref<2560x128xi32, #tpu.memory_space<hbm>> -> memref<80x128xi32, #tpu.memory_space<hbm>>
      %dma_wait3A_75 = arith.constant 0 : i32
      %dma_wait3A_76 = tpu.memref_slice %arg2[%mul3A_48, %dma_wait3A_75] : memref<2560x128xi32, #tpu.memory_space<hbm>> -> memref<80x128xi32, #tpu.memory_space<hbm>>
      tpu.wait_dma2 semaphore(%run_scoped3A : memref<!tpu.dma_semaphore, #tpu.memory_space<semaphore_mem>>) src(%dma_wait3A_76 : memref<80x128xi32, #tpu.memory_space<hbm>>) dst(%arg5 : memref<80x128xi32, #tpu.memory_space<vmem>>)
      tpu.yield
    }) : () -> ()
    %mul3A_49 = arith.constant 640 : i32
    %mul3A_50 = arith.muli %arg1, %mul3A_49 : i32
    %mul3A_51 = arith.constant 640 : i32
    %mul3A_52 = arith.muli %arg1, %mul3A_51 : i32
    "tpu.region"() ({
      %run_scoped3A = tpu.sem_alloc : memref<!tpu.dma_semaphore, #tpu.memory_space<semaphore_mem>>
      %dma_start3A = tpu.memref_slice %arg7[%mul3A_52] : memref<10240xf32, #tpu.memory_space<vmem_shared>> -> memref<640xf32, #tpu.memory_space<vmem_shared>>
      %dma_start3A_71 = tpu.memref_slice %arg3[%mul3A_50] : memref<10240xf32, #tpu.memory_space<hbm>> -> memref<640xf32, #tpu.memory_space<hbm>>
      tpu.enqueue_dma source(%dma_start3A_71 : memref<640xf32, #tpu.memory_space<hbm>>) target(%dma_start3A : memref<640xf32, #tpu.memory_space<vmem_shared>>) target_semaphore(%run_scoped3A : memref<!tpu.dma_semaphore, #tpu.memory_space<semaphore_mem>>)
      %dma_wait3A = tpu.memref_slice %arg7[%mul3A_52] : memref<10240xf32, #tpu.memory_space<vmem_shared>> -> memref<640xf32, #tpu.memory_space<vmem_shared>>
      %dma_wait3A_72 = tpu.memref_slice %arg3[%mul3A_50] : memref<10240xf32, #tpu.memory_space<hbm>> -> memref<640xf32, #tpu.memory_space<hbm>>
      tpu.wait_dma2 semaphore(%run_scoped3A : memref<!tpu.dma_semaphore, #tpu.memory_space<semaphore_mem>>) src(%dma_wait3A_72 : memref<640xf32, #tpu.memory_space<hbm>>) dst(%dma_wait3A : memref<640xf32, #tpu.memory_space<vmem_shared>>)
      tpu.yield
    }) : () -> ()
    %barrier3A = arith.constant 0 : index
    tpu.barrier barrier_id(%barrier3A)
    %scan3A = arith.constant 0 : i32
    %scan3A_53 = arith.constant 0 : i32
    %scan3A_54 = arith.constant 80 : i32
    %scan3A_55 = arith.addi %scan3A_53, %scan3A_54 : i32
    %scan3A_56 = arith.constant 1 : i32
    %scan3A_57 = scf.for %scan3A_71 = %scan3A_53 to %scan3A_55 step %scan3A_56 iter_args(%scan3A_72 = %scan3A) -> (i32)  : i32 {
      %dma_start3A = arith.constant 0 : i32
      %dma_start3A_73 = tpu.memref_slice %arg5[%scan3A_71, %dma_start3A] : memref<80x128xi32, #tpu.memory_space<vmem>> -> memref<1x128xi32, #tpu.memory_space<vmem>>
      %dma_start3A_74 = tpu.memref_squeeze %dma_start3A_73 : memref<1x128xi32, #tpu.memory_space<vmem>> -> memref<128xi32, #tpu.memory_space<vmem>>
      %dma_start3A_75 = arith.constant 0 : i32
      %dma_start3A_76 = tpu.memref_slice %arg7[%dma_start3A_75] : memref<10240xf32, #tpu.memory_space<vmem_shared>> -> memref<10240xf32, #tpu.memory_space<vmem_shared>>
      tpu.enqueue_indirect_dma source(%arg6 : memref<128xf32, #tpu.memory_space<vmem>>) target(%dma_start3A_76 : memref<10240xf32, #tpu.memory_space<vmem_shared>>) offsets(%dma_start3A_74 : memref<128xi32, #tpu.memory_space<vmem>>) semaphore(%arg8 : memref<!tpu.dma_semaphore, #tpu.memory_space<semaphore_mem>>) {add = true}
      %ge3A = arith.constant 8 : i32
      %ge3A_77 = arith.cmpi sge, %scan3A_71, %ge3A : i32
      %convert_element_type3A = arith.extui %ge3A_77 : i1 to i32
      %cond3A = arith.constant 0 : i32
      %cond3A_78 = arith.cmpi ne, %convert_element_type3A, %cond3A : i32
      scf.if %cond3A_78 {
        %sub3A = arith.constant 8 : i32
        %sub3A_80 = arith.subi %scan3A_71, %sub3A : i32
        %dma_wait3A = arith.constant 0 : i32
        %dma_wait3A_81 = tpu.memref_slice %arg5[%sub3A_80, %dma_wait3A] : memref<80x128xi32, #tpu.memory_space<vmem>> -> memref<1x128xi32, #tpu.memory_space<vmem>>
        %dma_wait3A_82 = tpu.memref_squeeze %dma_wait3A_81 : memref<1x128xi32, #tpu.memory_space<vmem>> -> memref<128xi32, #tpu.memory_space<vmem>>
        %dma_wait3A_83 = arith.constant 0 : i32
        %dma_wait3A_84 = tpu.memref_slice %arg7[%dma_wait3A_83] : memref<10240xf32, #tpu.memory_space<vmem_shared>> -> memref<10240xf32, #tpu.memory_space<vmem_shared>>
        tpu.wait_indirect_dma semaphore(%arg8 : memref<!tpu.dma_semaphore, #tpu.memory_space<semaphore_mem>>) src(%arg6 : memref<128xf32, #tpu.memory_space<vmem>>) dst(%dma_wait3A_84 : memref<10240xf32, #tpu.memory_space<vmem_shared>>)
      } else {
      }
      %scan3A_79 = arith.constant 0 : i32
      scf.yield %scan3A_79 : i32
    }
    %scan3A_58 = arith.constant 80 : i32
    %scan3A_59 = arith.constant 0 : i32
    %scan3A_60 = arith.constant 72 : i32
    %scan3A_61 = arith.constant 8 : i32
    %scan3A_62 = arith.addi %scan3A_60, %scan3A_61 : i32
    %scan3A_63 = arith.constant 1 : i32
    %scan3A_64 = scf.for %scan3A_71 = %scan3A_60 to %scan3A_62 step %scan3A_63 iter_args(%scan3A_72 = %scan3A_59) -> (i32)  : i32 {
      %dma_wait3A = arith.constant 0 : i32
      %dma_wait3A_73 = tpu.memref_slice %arg5[%scan3A_71, %dma_wait3A] : memref<80x128xi32, #tpu.memory_space<vmem>> -> memref<1x128xi32, #tpu.memory_space<vmem>>
      %dma_wait3A_74 = tpu.memref_squeeze %dma_wait3A_73 : memref<1x128xi32, #tpu.memory_space<vmem>> -> memref<128xi32, #tpu.memory_space<vmem>>
      %dma_wait3A_75 = arith.constant 0 : i32
      %dma_wait3A_76 = tpu.memref_slice %arg7[%dma_wait3A_75] : memref<10240xf32, #tpu.memory_space<vmem_shared>> -> memref<10240xf32, #tpu.memory_space<vmem_shared>>
      tpu.wait_indirect_dma semaphore(%arg8 : memref<!tpu.dma_semaphore, #tpu.memory_space<semaphore_mem>>) src(%arg6 : memref<128xf32, #tpu.memory_space<vmem>>) dst(%dma_wait3A_76 : memref<10240xf32, #tpu.memory_space<vmem_shared>>)
      %scan3A_77 = arith.constant 0 : i32
      scf.yield %scan3A_77 : i32
    }
    %scan3A_65 = arith.constant 8 : i32
    %barrier3A_66 = arith.constant 0 : index
    tpu.barrier barrier_id(%barrier3A_66)
    %mul3A_67 = arith.constant 640 : i32
    %mul3A_68 = arith.muli %arg1, %mul3A_67 : i32
    %mul3A_69 = arith.constant 640 : i32
    %mul3A_70 = arith.muli %arg1, %mul3A_69 : i32
    "tpu.region"() ({
      %run_scoped3A = tpu.sem_alloc : memref<!tpu.dma_semaphore, #tpu.memory_space<semaphore_mem>>
      %dma_start3A = tpu.memref_slice %arg4[%arg0, %mul3A_70] : memref<2x10240xf32, #tpu.memory_space<hbm>> -> memref<1x640xf32, #tpu.memory_space<hbm>>
      %dma_start3A_71 = tpu.memref_squeeze %dma_start3A : memref<1x640xf32, #tpu.memory_space<hbm>> -> memref<640xf32, #tpu.memory_space<hbm>>
      %dma_start3A_72 = tpu.memref_slice %arg7[%mul3A_68] : memref<10240xf32, #tpu.memory_space<vmem_shared>> -> memref<640xf32, #tpu.memory_space<vmem_shared>>
      tpu.enqueue_dma source(%dma_start3A_72 : memref<640xf32, #tpu.memory_space<vmem_shared>>) target(%dma_start3A_71 : memref<640xf32, #tpu.memory_space<hbm>>) target_semaphore(%run_scoped3A : memref<!tpu.dma_semaphore, #tpu.memory_space<semaphore_mem>>)
      %dma_wait3A = tpu.memref_slice %arg4[%arg0, %mul3A_70] : memref<2x10240xf32, #tpu.memory_space<hbm>> -> memref<1x640xf32, #tpu.memory_space<hbm>>
      %dma_wait3A_73 = tpu.memref_squeeze %dma_wait3A : memref<1x640xf32, #tpu.memory_space<hbm>> -> memref<640xf32, #tpu.memory_space<hbm>>
      %dma_wait3A_74 = tpu.memref_slice %arg7[%mul3A_68] : memref<10240xf32, #tpu.memory_space<vmem_shared>> -> memref<640xf32, #tpu.memory_space<vmem_shared>>
      tpu.wait_dma2 semaphore(%run_scoped3A : memref<!tpu.dma_semaphore, #tpu.memory_space<semaphore_mem>>) src(%dma_wait3A_74 : memref<640xf32, #tpu.memory_space<vmem_shared>>) dst(%dma_wait3A_73 : memref<640xf32, #tpu.memory_space<hbm>>)
      tpu.yield
    }) : () -> ()
    return
  }
}

#map = affine_map<(d0, d1) -> (0, 0)>
#map1 = affine_map<(d0, d1) -> (0, 0, 0)>
module attributes {stable_mosaic.version = 14 : i64} {
  func.func @_sc_agg(%arg0: i32, %arg1: i32, %arg2: memref<2560x128xi32, #tpu.memory_space<hbm>>, %arg3: memref<2560x128xi32, #tpu.memory_space<hbm>>, %arg4: memref<10000x128xf32, #tpu.memory_space<hbm>>, %arg5: memref<2x10000x128xf32, #tpu.memory_space<hbm>>, %arg6: memref<40x128xi32, #tpu.memory_space<vmem>>, %arg7: memref<40x128xi32, #tpu.memory_space<vmem>>, %arg8: memref<128x128xf32, #tpu.memory_space<vmem>>, %arg9: memref<128x128xf32, #tpu.memory_space<vmem>>, %arg10: memref<10240x128xf32, #tpu.memory_space<vmem_shared>>, %arg11: memref<!tpu.dma_semaphore, #tpu.memory_space<semaphore_mem>>, %arg12: memref<!tpu.dma_semaphore, #tpu.memory_space<semaphore_mem>>) attributes {dimension_semantics = [#tpu.dimension_semantics<core_parallel>, #tpu.dimension_semantics<subcore_parallel>], iteration_bounds = array<i64: 2, 16>, scalar_prefetch = 0 : i64, scratch_operands = 7 : i64, tpu.core_type = #tpu.core_type<sc_vector_subcore>, window_params = [{transform_indices = #map}, {transform_indices = #map}, {transform_indices = #map}, {transform_indices = #map1}]} {
    %mul3A = arith.constant 16 : i32
    %mul3A_0 = arith.muli %arg0, %mul3A : i32
    %add3A = arith.addi %mul3A_0, %arg1 : i32
    %scan3A = arith.constant 0 : i32
    %scan3A_1 = arith.constant 0 : i32
    %scan3A_2 = arith.constant 128 : i32
    %scan3A_3 = arith.addi %scan3A_1, %scan3A_2 : i32
    %scan3A_4 = arith.constant 1 : i32
    %scan3A_5 = scf.for %scan3A_69 = %scan3A_1 to %scan3A_3 step %scan3A_4 iter_args(%scan3A_70 = %scan3A) -> (i32)  : i32 {
      %broadcast_in_dim3A = arith.constant 0.000000e+00 : f32
      %broadcast_in_dim3A_71 = vector.broadcast %broadcast_in_dim3A : f32 to vector<16xf32>
      %swap3A = arith.index_cast %scan3A_69 : i32 to index
      %swap3A_72 = arith.constant 0 : index
      %swap3A_73 = tpu.vector_load %arg8[%swap3A, %swap3A_72] {strides = array<i32>} : memref<128x128xf32, #tpu.memory_space<vmem>>, vector<1x16xf32>,
      %swap3A_74 = vector.shape_cast %swap3A_73 : vector<1x16xf32> to vector<16xf32>
      %swap3A_75 = vector.shape_cast %broadcast_in_dim3A_71 : vector<16xf32> to vector<1x16xf32>
      tpu.vector_store %arg8[%swap3A, %swap3A_72], %swap3A_75 {strides = array<i32>} : memref<128x128xf32, #tpu.memory_space<vmem>>, vector<1x16xf32>,
      %broadcast_in_dim3A_76 = arith.constant 0.000000e+00 : f32
      %broadcast_in_dim3A_77 = vector.broadcast %broadcast_in_dim3A_76 : f32 to vector<16xf32>
      %swap3A_78 = arith.index_cast %scan3A_69 : i32 to index
      %swap3A_79 = arith.constant 16 : index
      %swap3A_80 = tpu.vector_load %arg8[%swap3A_78, %swap3A_79] {strides = array<i32>} : memref<128x128xf32, #tpu.memory_space<vmem>>, vector<1x16xf32>,
      %swap3A_81 = vector.shape_cast %swap3A_80 : vector<1x16xf32> to vector<16xf32>
      %swap3A_82 = vector.shape_cast %broadcast_in_dim3A_77 : vector<16xf32> to vector<1x16xf32>
      tpu.vector_store %arg8[%swap3A_78, %swap3A_79], %swap3A_82 {strides = array<i32>} : memref<128x128xf32, #tpu.memory_space<vmem>>, vector<1x16xf32>,
      %broadcast_in_dim3A_83 = arith.constant 0.000000e+00 : f32
      %broadcast_in_dim3A_84 = vector.broadcast %broadcast_in_dim3A_83 : f32 to vector<16xf32>
      %swap3A_85 = arith.index_cast %scan3A_69 : i32 to index
      %swap3A_86 = arith.constant 32 : index
      %swap3A_87 = tpu.vector_load %arg8[%swap3A_85, %swap3A_86] {strides = array<i32>} : memref<128x128xf32, #tpu.memory_space<vmem>>, vector<1x16xf32>,
      %swap3A_88 = vector.shape_cast %swap3A_87 : vector<1x16xf32> to vector<16xf32>
      %swap3A_89 = vector.shape_cast %broadcast_in_dim3A_84 : vector<16xf32> to vector<1x16xf32>
      tpu.vector_store %arg8[%swap3A_85, %swap3A_86], %swap3A_89 {strides = array<i32>} : memref<128x128xf32, #tpu.memory_space<vmem>>, vector<1x16xf32>,
      %broadcast_in_dim3A_90 = arith.constant 0.000000e+00 : f32
      %broadcast_in_dim3A_91 = vector.broadcast %broadcast_in_dim3A_90 : f32 to vector<16xf32>
      %swap3A_92 = arith.index_cast %scan3A_69 : i32 to index
      %swap3A_93 = arith.constant 48 : index
      %swap3A_94 = tpu.vector_load %arg8[%swap3A_92, %swap3A_93] {strides = array<i32>} : memref<128x128xf32, #tpu.memory_space<vmem>>, vector<1x16xf32>,
      %swap3A_95 = vector.shape_cast %swap3A_94 : vector<1x16xf32> to vector<16xf32>
      %swap3A_96 = vector.shape_cast %broadcast_in_dim3A_91 : vector<16xf32> to vector<1x16xf32>
      tpu.vector_store %arg8[%swap3A_92, %swap3A_93], %swap3A_96 {strides = array<i32>} : memref<128x128xf32, #tpu.memory_space<vmem>>, vector<1x16xf32>,
      %broadcast_in_dim3A_97 = arith.constant 0.000000e+00 : f32
      %broadcast_in_dim3A_98 = vector.broadcast %broadcast_in_dim3A_97 : f32 to vector<16xf32>
      %swap3A_99 = arith.index_cast %scan3A_69 : i32 to index
      %swap3A_100 = arith.constant 64 : index
      %swap3A_101 = tpu.vector_load %arg8[%swap3A_99, %swap3A_100] {strides = array<i32>} : memref<128x128xf32, #tpu.memory_space<vmem>>, vector<1x16xf32>,
      %swap3A_102 = vector.shape_cast %swap3A_101 : vector<1x16xf32> to vector<16xf32>
      %swap3A_103 = vector.shape_cast %broadcast_in_dim3A_98 : vector<16xf32> to vector<1x16xf32>
      tpu.vector_store %arg8[%swap3A_99, %swap3A_100], %swap3A_103 {strides = array<i32>} : memref<128x128xf32, #tpu.memory_space<vmem>>, vector<1x16xf32>,
      %broadcast_in_dim3A_104 = arith.constant 0.000000e+00 : f32
      %broadcast_in_dim3A_105 = vector.broadcast %broadcast_in_dim3A_104 : f32 to vector<16xf32>
      %swap3A_106 = arith.index_cast %scan3A_69 : i32 to index
      %swap3A_107 = arith.constant 80 : index
      %swap3A_108 = tpu.vector_load %arg8[%swap3A_106, %swap3A_107] {strides = array<i32>} : memref<128x128xf32, #tpu.memory_space<vmem>>, vector<1x16xf32>,
      %swap3A_109 = vector.shape_cast %swap3A_108 : vector<1x16xf32> to vector<16xf32>
      %swap3A_110 = vector.shape_cast %broadcast_in_dim3A_105 : vector<16xf32> to vector<1x16xf32>
      tpu.vector_store %arg8[%swap3A_106, %swap3A_107], %swap3A_110 {strides = array<i32>} : memref<128x128xf32, #tpu.memory_space<vmem>>, vector<1x16xf32>,
      %broadcast_in_dim3A_111 = arith.constant 0.000000e+00 : f32
      %broadcast_in_dim3A_112 = vector.broadcast %broadcast_in_dim3A_111 : f32 to vector<16xf32>
      %swap3A_113 = arith.index_cast %scan3A_69 : i32 to index
      %swap3A_114 = arith.constant 96 : index
      %swap3A_115 = tpu.vector_load %arg8[%swap3A_113, %swap3A_114] {strides = array<i32>} : memref<128x128xf32, #tpu.memory_space<vmem>>, vector<1x16xf32>,
      %swap3A_116 = vector.shape_cast %swap3A_115 : vector<1x16xf32> to vector<16xf32>
      %swap3A_117 = vector.shape_cast %broadcast_in_dim3A_112 : vector<16xf32> to vector<1x16xf32>
      tpu.vector_store %arg8[%swap3A_113, %swap3A_114], %swap3A_117 {strides = array<i32>} : memref<128x128xf32, #tpu.memory_space<vmem>>, vector<1x16xf32>,
      %broadcast_in_dim3A_118 = arith.constant 0.000000e+00 : f32
      %broadcast_in_dim3A_119 = vector.broadcast %broadcast_in_dim3A_118 : f32 to vector<16xf32>
      %swap3A_120 = arith.index_cast %scan3A_69 : i32 to index
      %swap3A_121 = arith.constant 112 : index
      %swap3A_122 = tpu.vector_load %arg8[%swap3A_120, %swap3A_121] {strides = array<i32>} : memref<128x128xf32, #tpu.memory_space<vmem>>, vector<1x16xf32>,
      %swap3A_123 = vector.shape_cast %swap3A_122 : vector<1x16xf32> to vector<16xf32>
      %swap3A_124 = vector.shape_cast %broadcast_in_dim3A_119 : vector<16xf32> to vector<1x16xf32>
      tpu.vector_store %arg8[%swap3A_120, %swap3A_121], %swap3A_124 {strides = array<i32>} : memref<128x128xf32, #tpu.memory_space<vmem>>, vector<1x16xf32>,
      %scan3A_125 = arith.constant 0 : i32
      scf.yield %scan3A_125 : i32
    }
    %scan3A_6 = arith.constant 128 : i32
    %mul3A_7 = arith.constant 640 : i32
    %mul3A_8 = arith.muli %arg1, %mul3A_7 : i32
    %add3A_9 = arith.constant 0 : i32
    %add3A_10 = arith.addi %mul3A_8, %add3A_9 : i32
    "tpu.region"() ({
      %run_scoped3A = tpu.sem_alloc : memref<!tpu.dma_semaphore, #tpu.memory_space<semaphore_mem>>
      %dma_start3A_69 = arith.constant 0 : i32
      %dma_start3A_70 = tpu.memref_slice %arg10[%add3A_10, %dma_start3A_69] : memref<10240x128xf32, #tpu.memory_space<vmem_shared>> -> memref<128x128xf32, #tpu.memory_space<vmem_shared>>
      %dma_start3A_71 = arith.constant 0 : i32
      %dma_start3A_72 = tpu.memref_slice %arg10[%add3A_10, %dma_start3A_71] : memref<10240x128xf32, #tpu.memory_space<vmem_shared>> -> memref<128x128xf32, #tpu.memory_space<vmem_shared>>
      tpu.enqueue_dma source(%arg8 : memref<128x128xf32, #tpu.memory_space<vmem>>) target(%dma_start3A_72 : memref<128x128xf32, #tpu.memory_space<vmem_shared>>) target_semaphore(%run_scoped3A : memref<!tpu.dma_semaphore, #tpu.memory_space<semaphore_mem>>)
      %dma_wait3A = arith.constant 0 : i32
      %dma_wait3A_73 = tpu.memref_slice %arg10[%add3A_10, %dma_wait3A] : memref<10240x128xf32, #tpu.memory_space<vmem_shared>> -> memref<128x128xf32, #tpu.memory_space<vmem_shared>>
      %dma_wait3A_74 = arith.constant 0 : i32
      %dma_wait3A_75 = tpu.memref_slice %arg10[%add3A_10, %dma_wait3A_74] : memref<10240x128xf32, #tpu.memory_space<vmem_shared>> -> memref<128x128xf32, #tpu.memory_space<vmem_shared>>
      tpu.wait_dma2 semaphore(%run_scoped3A : memref<!tpu.dma_semaphore, #tpu.memory_space<semaphore_mem>>) src(%arg8 : memref<128x128xf32, #tpu.memory_space<vmem>>) dst(%dma_wait3A_75 : memref<128x128xf32, #tpu.memory_space<vmem_shared>>)
      tpu.yield
    }) : () -> ()
    %mul3A_11 = arith.constant 640 : i32
    %mul3A_12 = arith.muli %arg1, %mul3A_11 : i32
    %add3A_13 = arith.constant 128 : i32
    %add3A_14 = arith.addi %mul3A_12, %add3A_13 : i32
    "tpu.region"() ({
      %run_scoped3A = tpu.sem_alloc : memref<!tpu.dma_semaphore, #tpu.memory_space<semaphore_mem>>
      %dma_start3A_69 = arith.constant 0 : i32
      %dma_start3A_70 = tpu.memref_slice %arg10[%add3A_14, %dma_start3A_69] : memref<10240x128xf32, #tpu.memory_space<vmem_shared>> -> memref<128x128xf32, #tpu.memory_space<vmem_shared>>
      %dma_start3A_71 = arith.constant 0 : i32
      %dma_start3A_72 = tpu.memref_slice %arg10[%add3A_14, %dma_start3A_71] : memref<10240x128xf32, #tpu.memory_space<vmem_shared>> -> memref<128x128xf32, #tpu.memory_space<vmem_shared>>
      tpu.enqueue_dma source(%arg8 : memref<128x128xf32, #tpu.memory_space<vmem>>) target(%dma_start3A_72 : memref<128x128xf32, #tpu.memory_space<vmem_shared>>) target_semaphore(%run_scoped3A : memref<!tpu.dma_semaphore, #tpu.memory_space<semaphore_mem>>)
      %dma_wait3A = arith.constant 0 : i32
      %dma_wait3A_73 = tpu.memref_slice %arg10[%add3A_14, %dma_wait3A] : memref<10240x128xf32, #tpu.memory_space<vmem_shared>> -> memref<128x128xf32, #tpu.memory_space<vmem_shared>>
      %dma_wait3A_74 = arith.constant 0 : i32
      %dma_wait3A_75 = tpu.memref_slice %arg10[%add3A_14, %dma_wait3A_74] : memref<10240x128xf32, #tpu.memory_space<vmem_shared>> -> memref<128x128xf32, #tpu.memory_space<vmem_shared>>
      tpu.wait_dma2 semaphore(%run_scoped3A : memref<!tpu.dma_semaphore, #tpu.memory_space<semaphore_mem>>) src(%arg8 : memref<128x128xf32, #tpu.memory_space<vmem>>) dst(%dma_wait3A_75 : memref<128x128xf32, #tpu.memory_space<vmem_shared>>)
      tpu.yield
    }) : () -> ()
    %mul3A_15 = arith.constant 640 : i32
    %mul3A_16 = arith.muli %arg1, %mul3A_15 : i32
    %add3A_17 = arith.constant 256 : i32
    %add3A_18 = arith.addi %mul3A_16, %add3A_17 : i32
    "tpu.region"() ({
      %run_scoped3A = tpu.sem_alloc : memref<!tpu.dma_semaphore, #tpu.memory_space<semaphore_mem>>
      %dma_start3A_69 = arith.constant 0 : i32
      %dma_start3A_70 = tpu.memref_slice %arg10[%add3A_18, %dma_start3A_69] : memref<10240x128xf32, #tpu.memory_space<vmem_shared>> -> memref<128x128xf32, #tpu.memory_space<vmem_shared>>
      %dma_start3A_71 = arith.constant 0 : i32
      %dma_start3A_72 = tpu.memref_slice %arg10[%add3A_18, %dma_start3A_71] : memref<10240x128xf32, #tpu.memory_space<vmem_shared>> -> memref<128x128xf32, #tpu.memory_space<vmem_shared>>
      tpu.enqueue_dma source(%arg8 : memref<128x128xf32, #tpu.memory_space<vmem>>) target(%dma_start3A_72 : memref<128x128xf32, #tpu.memory_space<vmem_shared>>) target_semaphore(%run_scoped3A : memref<!tpu.dma_semaphore, #tpu.memory_space<semaphore_mem>>)
      %dma_wait3A = arith.constant 0 : i32
      %dma_wait3A_73 = tpu.memref_slice %arg10[%add3A_18, %dma_wait3A] : memref<10240x128xf32, #tpu.memory_space<vmem_shared>> -> memref<128x128xf32, #tpu.memory_space<vmem_shared>>
      %dma_wait3A_74 = arith.constant 0 : i32
      %dma_wait3A_75 = tpu.memref_slice %arg10[%add3A_18, %dma_wait3A_74] : memref<10240x128xf32, #tpu.memory_space<vmem_shared>> -> memref<128x128xf32, #tpu.memory_space<vmem_shared>>
      tpu.wait_dma2 semaphore(%run_scoped3A : memref<!tpu.dma_semaphore, #tpu.memory_space<semaphore_mem>>) src(%arg8 : memref<128x128xf32, #tpu.memory_space<vmem>>) dst(%dma_wait3A_75 : memref<128x128xf32, #tpu.memory_space<vmem_shared>>)
      tpu.yield
    }) : () -> ()
    %mul3A_19 = arith.constant 640 : i32
    %mul3A_20 = arith.muli %arg1, %mul3A_19 : i32
    %add3A_21 = arith.constant 384 : i32
    %add3A_22 = arith.addi %mul3A_20, %add3A_21 : i32
    "tpu.region"() ({
      %run_scoped3A = tpu.sem_alloc : memref<!tpu.dma_semaphore, #tpu.memory_space<semaphore_mem>>
      %dma_start3A_69 = arith.constant 0 : i32
      %dma_start3A_70 = tpu.memref_slice %arg10[%add3A_22, %dma_start3A_69] : memref<10240x128xf32, #tpu.memory_space<vmem_shared>> -> memref<128x128xf32, #tpu.memory_space<vmem_shared>>
      %dma_start3A_71 = arith.constant 0 : i32
      %dma_start3A_72 = tpu.memref_slice %arg10[%add3A_22, %dma_start3A_71] : memref<10240x128xf32, #tpu.memory_space<vmem_shared>> -> memref<128x128xf32, #tpu.memory_space<vmem_shared>>
      tpu.enqueue_dma source(%arg8 : memref<128x128xf32, #tpu.memory_space<vmem>>) target(%dma_start3A_72 : memref<128x128xf32, #tpu.memory_space<vmem_shared>>) target_semaphore(%run_scoped3A : memref<!tpu.dma_semaphore, #tpu.memory_space<semaphore_mem>>)
      %dma_wait3A = arith.constant 0 : i32
      %dma_wait3A_73 = tpu.memref_slice %arg10[%add3A_22, %dma_wait3A] : memref<10240x128xf32, #tpu.memory_space<vmem_shared>> -> memref<128x128xf32, #tpu.memory_space<vmem_shared>>
      %dma_wait3A_74 = arith.constant 0 : i32
      %dma_wait3A_75 = tpu.memref_slice %arg10[%add3A_22, %dma_wait3A_74] : memref<10240x128xf32, #tpu.memory_space<vmem_shared>> -> memref<128x128xf32, #tpu.memory_space<vmem_shared>>
      tpu.wait_dma2 semaphore(%run_scoped3A : memref<!tpu.dma_semaphore, #tpu.memory_space<semaphore_mem>>) src(%arg8 : memref<128x128xf32, #tpu.memory_space<vmem>>) dst(%dma_wait3A_75 : memref<128x128xf32, #tpu.memory_space<vmem_shared>>)
      tpu.yield
    }) : () -> ()
    %mul3A_23 = arith.constant 640 : i32
    %mul3A_24 = arith.muli %arg1, %mul3A_23 : i32
    %add3A_25 = arith.constant 512 : i32
    %add3A_26 = arith.addi %mul3A_24, %add3A_25 : i32
    "tpu.region"() ({
      %run_scoped3A = tpu.sem_alloc : memref<!tpu.dma_semaphore, #tpu.memory_space<semaphore_mem>>
      %dma_start3A_69 = arith.constant 0 : i32
      %dma_start3A_70 = tpu.memref_slice %arg10[%add3A_26, %dma_start3A_69] : memref<10240x128xf32, #tpu.memory_space<vmem_shared>> -> memref<128x128xf32, #tpu.memory_space<vmem_shared>>
      %dma_start3A_71 = arith.constant 0 : i32
      %dma_start3A_72 = tpu.memref_slice %arg10[%add3A_26, %dma_start3A_71] : memref<10240x128xf32, #tpu.memory_space<vmem_shared>> -> memref<128x128xf32, #tpu.memory_space<vmem_shared>>
      tpu.enqueue_dma source(%arg8 : memref<128x128xf32, #tpu.memory_space<vmem>>) target(%dma_start3A_72 : memref<128x128xf32, #tpu.memory_space<vmem_shared>>) target_semaphore(%run_scoped3A : memref<!tpu.dma_semaphore, #tpu.memory_space<semaphore_mem>>)
      %dma_wait3A = arith.constant 0 : i32
      %dma_wait3A_73 = tpu.memref_slice %arg10[%add3A_26, %dma_wait3A] : memref<10240x128xf32, #tpu.memory_space<vmem_shared>> -> memref<128x128xf32, #tpu.memory_space<vmem_shared>>
      %dma_wait3A_74 = arith.constant 0 : i32
      %dma_wait3A_75 = tpu.memref_slice %arg10[%add3A_26, %dma_wait3A_74] : memref<10240x128xf32, #tpu.memory_space<vmem_shared>> -> memref<128x128xf32, #tpu.memory_space<vmem_shared>>
      tpu.wait_dma2 semaphore(%run_scoped3A : memref<!tpu.dma_semaphore, #tpu.memory_space<semaphore_mem>>) src(%arg8 : memref<128x128xf32, #tpu.memory_space<vmem>>) dst(%dma_wait3A_75 : memref<128x128xf32, #tpu.memory_space<vmem_shared>>)
      tpu.yield
    }) : () -> ()
    %barrier3A = arith.constant 0 : index
    tpu.barrier barrier_id(%barrier3A)
    %mul3A_27 = arith.constant 80 : i32
    %mul3A_28 = arith.muli %add3A, %mul3A_27 : i32
    %add3A_29 = arith.constant 0 : i32
    %add3A_30 = arith.addi %mul3A_28, %add3A_29 : i32
    "tpu.region"() ({
      %run_scoped3A = tpu.sem_alloc : memref<!tpu.dma_semaphore, #tpu.memory_space<semaphore_mem>>
      %dma_start3A_69 = arith.constant 0 : i32
      %dma_start3A_70 = tpu.memref_slice %arg2[%add3A_30, %dma_start3A_69] : memref<2560x128xi32, #tpu.memory_space<hbm>> -> memref<40x128xi32, #tpu.memory_space<hbm>>
      %dma_start3A_71 = arith.constant 0 : i32
      %dma_start3A_72 = tpu.memref_slice %arg2[%add3A_30, %dma_start3A_71] : memref<2560x128xi32, #tpu.memory_space<hbm>> -> memref<40x128xi32, #tpu.memory_space<hbm>>
      tpu.enqueue_dma source(%dma_start3A_72 : memref<40x128xi32, #tpu.memory_space<hbm>>) target(%arg6 : memref<40x128xi32, #tpu.memory_space<vmem>>) target_semaphore(%run_scoped3A : memref<!tpu.dma_semaphore, #tpu.memory_space<semaphore_mem>>)
      %dma_wait3A = arith.constant 0 : i32
      %dma_wait3A_73 = tpu.memref_slice %arg2[%add3A_30, %dma_wait3A] : memref<2560x128xi32, #tpu.memory_space<hbm>> -> memref<40x128xi32, #tpu.memory_space<hbm>>
      %dma_wait3A_74 = arith.constant 0 : i32
      %dma_wait3A_75 = tpu.memref_slice %arg2[%add3A_30, %dma_wait3A_74] : memref<2560x128xi32, #tpu.memory_space<hbm>> -> memref<40x128xi32, #tpu.memory_space<hbm>>
      tpu.wait_dma2 semaphore(%run_scoped3A : memref<!tpu.dma_semaphore, #tpu.memory_space<semaphore_mem>>) src(%dma_wait3A_75 : memref<40x128xi32, #tpu.memory_space<hbm>>) dst(%arg6 : memref<40x128xi32, #tpu.memory_space<vmem>>)
      tpu.yield
    }) : () -> ()
    "tpu.region"() ({
      %run_scoped3A = tpu.sem_alloc : memref<!tpu.dma_semaphore, #tpu.memory_space<semaphore_mem>>
      %dma_start3A_69 = arith.constant 0 : i32
      %dma_start3A_70 = tpu.memref_slice %arg3[%add3A_30, %dma_start3A_69] : memref<2560x128xi32, #tpu.memory_space<hbm>> -> memref<40x128xi32, #tpu.memory_space<hbm>>
      %dma_start3A_71 = arith.constant 0 : i32
      %dma_start3A_72 = tpu.memref_slice %arg3[%add3A_30, %dma_start3A_71] : memref<2560x128xi32, #tpu.memory_space<hbm>> -> memref<40x128xi32, #tpu.memory_space<hbm>>
      tpu.enqueue_dma source(%dma_start3A_72 : memref<40x128xi32, #tpu.memory_space<hbm>>) target(%arg7 : memref<40x128xi32, #tpu.memory_space<vmem>>) target_semaphore(%run_scoped3A : memref<!tpu.dma_semaphore, #tpu.memory_space<semaphore_mem>>)
      %dma_wait3A = arith.constant 0 : i32
      %dma_wait3A_73 = tpu.memref_slice %arg3[%add3A_30, %dma_wait3A] : memref<2560x128xi32, #tpu.memory_space<hbm>> -> memref<40x128xi32, #tpu.memory_space<hbm>>
      %dma_wait3A_74 = arith.constant 0 : i32
      %dma_wait3A_75 = tpu.memref_slice %arg3[%add3A_30, %dma_wait3A_74] : memref<2560x128xi32, #tpu.memory_space<hbm>> -> memref<40x128xi32, #tpu.memory_space<hbm>>
      tpu.wait_dma2 semaphore(%run_scoped3A : memref<!tpu.dma_semaphore, #tpu.memory_space<semaphore_mem>>) src(%dma_wait3A_75 : memref<40x128xi32, #tpu.memory_space<hbm>>) dst(%arg7 : memref<40x128xi32, #tpu.memory_space<vmem>>)
      tpu.yield
    }) : () -> ()
    %dma_start3A = arith.constant 0 : i32
    %dma_start3A_31 = arith.constant 0 : i32
    %dma_start3A_32 = tpu.memref_slice %arg6[%dma_start3A, %dma_start3A_31] : memref<40x128xi32, #tpu.memory_space<vmem>> -> memref<1x128xi32, #tpu.memory_space<vmem>>
    %dma_start3A_33 = tpu.memref_squeeze %dma_start3A_32 : memref<1x128xi32, #tpu.memory_space<vmem>> -> memref<128xi32, #tpu.memory_space<vmem>>
    %dma_start3A_34 = arith.constant 0 : i32
    %dma_start3A_35 = arith.constant 0 : i32
    %dma_start3A_36 = tpu.memref_slice %arg4[%dma_start3A_34, %dma_start3A_35] : memref<10000x128xf32, #tpu.memory_space<hbm>> -> memref<10000x128xf32, #tpu.memory_space<hbm>>
    tpu.enqueue_indirect_dma source(%dma_start3A_36 : memref<10000x128xf32, #tpu.memory_space<hbm>>) target(%arg8 : memref<128x128xf32, #tpu.memory_space<vmem>>) offsets(%dma_start3A_33 : memref<128xi32, #tpu.memory_space<vmem>>) semaphore(%arg11 : memref<!tpu.dma_semaphore, #tpu.memory_space<semaphore_mem>>)
    %scan3A_37 = arith.constant 0 : i32
    %scan3A_38 = arith.constant 0 : i32
    %scan3A_39 = arith.constant 20 : i32
    %scan3A_40 = arith.addi %scan3A_38, %scan3A_39 : i32
    %scan3A_41 = arith.constant 1 : i32
    %scan3A_42 = scf.for %scan3A_69 = %scan3A_38 to %scan3A_40 step %scan3A_41 iter_args(%scan3A_70 = %scan3A_37) -> (i32)  : i32 {
      %mul3A_71 = arith.constant 2 : i32
      %mul3A_72 = arith.muli %mul3A_71, %scan3A_69 : i32
      %add3A_73 = arith.constant 1 : i32
      %add3A_74 = arith.addi %mul3A_72, %add3A_73 : i32
      %dma_start3A_75 = arith.constant 0 : i32
      %dma_start3A_76 = tpu.memref_slice %arg6[%add3A_74, %dma_start3A_75] : memref<40x128xi32, #tpu.memory_space<vmem>> -> memref<1x128xi32, #tpu.memory_space<vmem>>
      %dma_start3A_77 = tpu.memref_squeeze %dma_start3A_76 : memref<1x128xi32, #tpu.memory_space<vmem>> -> memref<128xi32, #tpu.memory_space<vmem>>
      %dma_start3A_78 = arith.constant 0 : i32
      %dma_start3A_79 = arith.constant 0 : i32
      %dma_start3A_80 = tpu.memref_slice %arg4[%dma_start3A_78, %dma_start3A_79] : memref<10000x128xf32, #tpu.memory_space<hbm>> -> memref<10000x128xf32, #tpu.memory_space<hbm>>
      tpu.enqueue_indirect_dma source(%dma_start3A_80 : memref<10000x128xf32, #tpu.memory_space<hbm>>) target(%arg9 : memref<128x128xf32, #tpu.memory_space<vmem>>) offsets(%dma_start3A_77 : memref<128xi32, #tpu.memory_space<vmem>>) semaphore(%arg12 : memref<!tpu.dma_semaphore, #tpu.memory_space<semaphore_mem>>)
      %dma_wait3A = arith.constant 0 : i32
      %dma_wait3A_81 = tpu.memref_slice %arg6[%mul3A_72, %dma_wait3A] : memref<40x128xi32, #tpu.memory_space<vmem>> -> memref<1x128xi32, #tpu.memory_space<vmem>>
      %dma_wait3A_82 = tpu.memref_squeeze %dma_wait3A_81 : memref<1x128xi32, #tpu.memory_space<vmem>> -> memref<128xi32, #tpu.memory_space<vmem>>
      %dma_wait3A_83 = arith.constant 0 : i32
      %dma_wait3A_84 = arith.constant 0 : i32
      %dma_wait3A_85 = tpu.memref_slice %arg4[%dma_wait3A_83, %dma_wait3A_84] : memref<10000x128xf32, #tpu.memory_space<hbm>> -> memref<10000x128xf32, #tpu.memory_space<hbm>>
      tpu.wait_indirect_dma semaphore(%arg11 : memref<!tpu.dma_semaphore, #tpu.memory_space<semaphore_mem>>) src(%dma_wait3A_85 : memref<10000x128xf32, #tpu.memory_space<hbm>>) dst(%arg8 : memref<128x128xf32, #tpu.memory_space<vmem>>)
      "tpu.region"() ({
        %run_scoped3A = tpu.sem_alloc : memref<!tpu.dma_semaphore, #tpu.memory_space<semaphore_mem>>
        %dma_start3A_100 = arith.constant 0 : i32
        %dma_start3A_101 = tpu.memref_slice %arg7[%mul3A_72, %dma_start3A_100] : memref<40x128xi32, #tpu.memory_space<vmem>> -> memref<1x128xi32, #tpu.memory_space<vmem>>
        %dma_start3A_102 = tpu.memref_squeeze %dma_start3A_101 : memref<1x128xi32, #tpu.memory_space<vmem>> -> memref<128xi32, #tpu.memory_space<vmem>>
        %dma_start3A_103 = arith.constant 0 : i32
        %dma_start3A_104 = arith.constant 0 : i32
        %dma_start3A_105 = tpu.memref_slice %arg10[%dma_start3A_103, %dma_start3A_104] : memref<10240x128xf32, #tpu.memory_space<vmem_shared>> -> memref<10240x128xf32, #tpu.memory_space<vmem_shared>>
        tpu.enqueue_indirect_dma source(%arg8 : memref<128x128xf32, #tpu.memory_space<vmem>>) target(%dma_start3A_105 : memref<10240x128xf32, #tpu.memory_space<vmem_shared>>) offsets(%dma_start3A_102 : memref<128xi32, #tpu.memory_space<vmem>>) semaphore(%run_scoped3A : memref<!tpu.dma_semaphore, #tpu.memory_space<semaphore_mem>>) {add = true}
        %dma_wait3A_106 = arith.constant 0 : i32
        %dma_wait3A_107 = tpu.memref_slice %arg7[%mul3A_72, %dma_wait3A_106] : memref<40x128xi32, #tpu.memory_space<vmem>> -> memref<1x128xi32, #tpu.memory_space<vmem>>
        %dma_wait3A_108 = tpu.memref_squeeze %dma_wait3A_107 : memref<1x128xi32, #tpu.memory_space<vmem>> -> memref<128xi32, #tpu.memory_space<vmem>>
        %dma_wait3A_109 = arith.constant 0 : i32
        %dma_wait3A_110 = arith.constant 0 : i32
        %dma_wait3A_111 = tpu.memref_slice %arg10[%dma_wait3A_109, %dma_wait3A_110] : memref<10240x128xf32, #tpu.memory_space<vmem_shared>> -> memref<10240x128xf32, #tpu.memory_space<vmem_shared>>
        tpu.wait_indirect_dma semaphore(%run_scoped3A : memref<!tpu.dma_semaphore, #tpu.memory_space<semaphore_mem>>) src(%arg8 : memref<128x128xf32, #tpu.memory_space<vmem>>) dst(%dma_wait3A_111 : memref<10240x128xf32, #tpu.memory_space<vmem_shared>>)
        tpu.yield
      }) : () -> ()
      %lt3A_86 = arith.constant 19 : i32
      %lt3A_87 = arith.cmpi slt, %scan3A_69, %lt3A_86 : i32
      %convert_element_type3A_88 = arith.extui %lt3A_87 : i1 to i32
      %cond3A_89 = arith.constant 0 : i32
      %cond3A_90 = arith.cmpi ne, %convert_element_type3A_88, %cond3A_89 : i32
      scf.if %cond3A_90 {
        %add3A_100 = arith.constant 2 : i32
        %add3A_101 = arith.addi %mul3A_72, %add3A_100 : i32
        %dma_start3A_102 = arith.constant 0 : i32
        %dma_start3A_103 = tpu.memref_slice %arg6[%add3A_101, %dma_start3A_102] : memref<40x128xi32, #tpu.memory_space<vmem>> -> memref<1x128xi32, #tpu.memory_space<vmem>>
        %dma_start3A_104 = tpu.memref_squeeze %dma_start3A_103 : memref<1x128xi32, #tpu.memory_space<vmem>> -> memref<128xi32, #tpu.memory_space<vmem>>
        %dma_start3A_105 = arith.constant 0 : i32
        %dma_start3A_106 = arith.constant 0 : i32
        %dma_start3A_107 = tpu.memref_slice %arg4[%dma_start3A_105, %dma_start3A_106] : memref<10000x128xf32, #tpu.memory_space<hbm>> -> memref<10000x128xf32, #tpu.memory_space<hbm>>
        tpu.enqueue_indirect_dma source(%dma_start3A_107 : memref<10000x128xf32, #tpu.memory_space<hbm>>) target(%arg8 : memref<128x128xf32, #tpu.memory_space<vmem>>) offsets(%dma_start3A_104 : memref<128xi32, #tpu.memory_space<vmem>>) semaphore(%arg11 : memref<!tpu.dma_semaphore, #tpu.memory_space<semaphore_mem>>)
      } else {
      }
      %dma_wait3A_91 = arith.constant 0 : i32
      %dma_wait3A_92 = tpu.memref_slice %arg6[%add3A_74, %dma_wait3A_91] : memref<40x128xi32, #tpu.memory_space<vmem>> -> memref<1x128xi32, #tpu.memory_space<vmem>>
      %dma_wait3A_93 = tpu.memref_squeeze %dma_wait3A_92 : memref<1x128xi32, #tpu.memory_space<vmem>> -> memref<128xi32, #tpu.memory_space<vmem>>
      %dma_wait3A_94 = arith.constant 0 : i32
      %dma_wait3A_95 = arith.constant 0 : i32
      %dma_wait3A_96 = tpu.memref_slice %arg4[%dma_wait3A_94, %dma_wait3A_95] : memref<10000x128xf32, #tpu.memory_space<hbm>> -> memref<10000x128xf32, #tpu.memory_space<hbm>>
      tpu.wait_indirect_dma semaphore(%arg12 : memref<!tpu.dma_semaphore, #tpu.memory_space<semaphore_mem>>) src(%dma_wait3A_96 : memref<10000x128xf32, #tpu.memory_space<hbm>>) dst(%arg9 : memref<128x128xf32, #tpu.memory_space<vmem>>)
      %add3A_97 = arith.constant 1 : i32
      %add3A_98 = arith.addi %mul3A_72, %add3A_97 : i32
      "tpu.region"() ({
        %run_scoped3A = tpu.sem_alloc : memref<!tpu.dma_semaphore, #tpu.memory_space<semaphore_mem>>
        %dma_start3A_100 = arith.constant 0 : i32
        %dma_start3A_101 = tpu.memref_slice %arg7[%add3A_98, %dma_start3A_100] : memref<40x128xi32, #tpu.memory_space<vmem>> -> memref<1x128xi32, #tpu.memory_space<vmem>>
        %dma_start3A_102 = tpu.memref_squeeze %dma_start3A_101 : memref<1x128xi32, #tpu.memory_space<vmem>> -> memref<128xi32, #tpu.memory_space<vmem>>
        %dma_start3A_103 = arith.constant 0 : i32
        %dma_start3A_104 = arith.constant 0 : i32
        %dma_start3A_105 = tpu.memref_slice %arg10[%dma_start3A_103, %dma_start3A_104] : memref<10240x128xf32, #tpu.memory_space<vmem_shared>> -> memref<10240x128xf32, #tpu.memory_space<vmem_shared>>
        tpu.enqueue_indirect_dma source(%arg9 : memref<128x128xf32, #tpu.memory_space<vmem>>) target(%dma_start3A_105 : memref<10240x128xf32, #tpu.memory_space<vmem_shared>>) offsets(%dma_start3A_102 : memref<128xi32, #tpu.memory_space<vmem>>) semaphore(%run_scoped3A : memref<!tpu.dma_semaphore, #tpu.memory_space<semaphore_mem>>) {add = true}
        %dma_wait3A_106 = arith.constant 0 : i32
        %dma_wait3A_107 = tpu.memref_slice %arg7[%add3A_98, %dma_wait3A_106] : memref<40x128xi32, #tpu.memory_space<vmem>> -> memref<1x128xi32, #tpu.memory_space<vmem>>
        %dma_wait3A_108 = tpu.memref_squeeze %dma_wait3A_107 : memref<1x128xi32, #tpu.memory_space<vmem>> -> memref<128xi32, #tpu.memory_space<vmem>>
        %dma_wait3A_109 = arith.constant 0 : i32
        %dma_wait3A_110 = arith.constant 0 : i32
        %dma_wait3A_111 = tpu.memref_slice %arg10[%dma_wait3A_109, %dma_wait3A_110] : memref<10240x128xf32, #tpu.memory_space<vmem_shared>> -> memref<10240x128xf32, #tpu.memory_space<vmem_shared>>
        tpu.wait_indirect_dma semaphore(%run_scoped3A : memref<!tpu.dma_semaphore, #tpu.memory_space<semaphore_mem>>) src(%arg9 : memref<128x128xf32, #tpu.memory_space<vmem>>) dst(%dma_wait3A_111 : memref<10240x128xf32, #tpu.memory_space<vmem_shared>>)
        tpu.yield
      }) : () -> ()
      %scan3A_99 = arith.constant 0 : i32
      scf.yield %scan3A_99 : i32
    }
    %scan3A_43 = arith.constant 20 : i32
    %mul3A_44 = arith.constant 80 : i32
    %mul3A_45 = arith.muli %add3A, %mul3A_44 : i32
    %add3A_46 = arith.constant 40 : i32
    %add3A_47 = arith.addi %mul3A_45, %add3A_46 : i32
    "tpu.region"() ({
      %run_scoped3A = tpu.sem_alloc : memref<!tpu.dma_semaphore, #tpu.memory_space<semaphore_mem>>
      %dma_start3A_69 = arith.constant 0 : i32
      %dma_start3A_70 = tpu.memref_slice %arg2[%add3A_47, %dma_start3A_69] : memref<2560x128xi32, #tpu.memory_space<hbm>> -> memref<40x128xi32, #tpu.memory_space<hbm>>
      %dma_start3A_71 = arith.constant 0 : i32
      %dma_start3A_72 = tpu.memref_slice %arg2[%add3A_47, %dma_start3A_71] : memref<2560x128xi32, #tpu.memory_space<hbm>> -> memref<40x128xi32, #tpu.memory_space<hbm>>
      tpu.enqueue_dma source(%dma_start3A_72 : memref<40x128xi32, #tpu.memory_space<hbm>>) target(%arg6 : memref<40x128xi32, #tpu.memory_space<vmem>>) target_semaphore(%run_scoped3A : memref<!tpu.dma_semaphore, #tpu.memory_space<semaphore_mem>>)
      %dma_wait3A = arith.constant 0 : i32
      %dma_wait3A_73 = tpu.memref_slice %arg2[%add3A_47, %dma_wait3A] : memref<2560x128xi32, #tpu.memory_space<hbm>> -> memref<40x128xi32, #tpu.memory_space<hbm>>
      %dma_wait3A_74 = arith.constant 0 : i32
      %dma_wait3A_75 = tpu.memref_slice %arg2[%add3A_47, %dma_wait3A_74] : memref<2560x128xi32, #tpu.memory_space<hbm>> -> memref<40x128xi32, #tpu.memory_space<hbm>>
      tpu.wait_dma2 semaphore(%run_scoped3A : memref<!tpu.dma_semaphore, #tpu.memory_space<semaphore_mem>>) src(%dma_wait3A_75 : memref<40x128xi32, #tpu.memory_space<hbm>>) dst(%arg6 : memref<40x128xi32, #tpu.memory_space<vmem>>)
      tpu.yield
    }) : () -> ()
    "tpu.region"() ({
      %run_scoped3A = tpu.sem_alloc : memref<!tpu.dma_semaphore, #tpu.memory_space<semaphore_mem>>
      %dma_start3A_69 = arith.constant 0 : i32
      %dma_start3A_70 = tpu.memref_slice %arg3[%add3A_47, %dma_start3A_69] : memref<2560x128xi32, #tpu.memory_space<hbm>> -> memref<40x128xi32, #tpu.memory_space<hbm>>
      %dma_start3A_71 = arith.constant 0 : i32
      %dma_start3A_72 = tpu.memref_slice %arg3[%add3A_47, %dma_start3A_71] : memref<2560x128xi32, #tpu.memory_space<hbm>> -> memref<40x128xi32, #tpu.memory_space<hbm>>
      tpu.enqueue_dma source(%dma_start3A_72 : memref<40x128xi32, #tpu.memory_space<hbm>>) target(%arg7 : memref<40x128xi32, #tpu.memory_space<vmem>>) target_semaphore(%run_scoped3A : memref<!tpu.dma_semaphore, #tpu.memory_space<semaphore_mem>>)
      %dma_wait3A = arith.constant 0 : i32
      %dma_wait3A_73 = tpu.memref_slice %arg3[%add3A_47, %dma_wait3A] : memref<2560x128xi32, #tpu.memory_space<hbm>> -> memref<40x128xi32, #tpu.memory_space<hbm>>
      %dma_wait3A_74 = arith.constant 0 : i32
      %dma_wait3A_75 = tpu.memref_slice %arg3[%add3A_47, %dma_wait3A_74] : memref<2560x128xi32, #tpu.memory_space<hbm>> -> memref<40x128xi32, #tpu.memory_space<hbm>>
      tpu.wait_dma2 semaphore(%run_scoped3A : memref<!tpu.dma_semaphore, #tpu.memory_space<semaphore_mem>>) src(%dma_wait3A_75 : memref<40x128xi32, #tpu.memory_space<hbm>>) dst(%arg7 : memref<40x128xi32, #tpu.memory_space<vmem>>)
      tpu.yield
    }) : () -> ()
    %dma_start3A_48 = arith.constant 0 : i32
    %dma_start3A_49 = arith.constant 0 : i32
    %dma_start3A_50 = tpu.memref_slice %arg6[%dma_start3A_48, %dma_start3A_49] : memref<40x128xi32, #tpu.memory_space<vmem>> -> memref<1x128xi32, #tpu.memory_space<vmem>>
    %dma_start3A_51 = tpu.memref_squeeze %dma_start3A_50 : memref<1x128xi32, #tpu.memory_space<vmem>> -> memref<128xi32, #tpu.memory_space<vmem>>
    %dma_start3A_52 = arith.constant 0 : i32
    %dma_start3A_53 = arith.constant 0 : i32
    %dma_start3A_54 = tpu.memref_slice %arg4[%dma_start3A_52, %dma_start3A_53] : memref<10000x128xf32, #tpu.memory_space<hbm>> -> memref<10000x128xf32, #tpu.memory_space<hbm>>
    tpu.enqueue_indirect_dma source(%dma_start3A_54 : memref<10000x128xf32, #tpu.memory_space<hbm>>) target(%arg8 : memref<128x128xf32, #tpu.memory_space<vmem>>) offsets(%dma_start3A_51 : memref<128xi32, #tpu.memory_space<vmem>>) semaphore(%arg11 : memref<!tpu.dma_semaphore, #tpu.memory_space<semaphore_mem>>)
    %scan3A_55 = arith.constant 0 : i32
    %scan3A_56 = arith.constant 0 : i32
    %scan3A_57 = arith.constant 20 : i32
    %scan3A_58 = arith.addi %scan3A_56, %scan3A_57 : i32
    %scan3A_59 = arith.constant 1 : i32
    %scan3A_60 = scf.for %scan3A_69 = %scan3A_56 to %scan3A_58 step %scan3A_59 iter_args(%scan3A_70 = %scan3A_55) -> (i32)  : i32 {
      %mul3A_71 = arith.constant 2 : i32
      %mul3A_72 = arith.muli %mul3A_71, %scan3A_69 : i32
      %add3A_73 = arith.constant 1 : i32
      %add3A_74 = arith.addi %mul3A_72, %add3A_73 : i32
      %dma_start3A_75 = arith.constant 0 : i32
      %dma_start3A_76 = tpu.memref_slice %arg6[%add3A_74, %dma_start3A_75] : memref<40x128xi32, #tpu.memory_space<vmem>> -> memref<1x128xi32, #tpu.memory_space<vmem>>
      %dma_start3A_77 = tpu.memref_squeeze %dma_start3A_76 : memref<1x128xi32, #tpu.memory_space<vmem>> -> memref<128xi32, #tpu.memory_space<vmem>>
      %dma_start3A_78 = arith.constant 0 : i32
      %dma_start3A_79 = arith.constant 0 : i32
      %dma_start3A_80 = tpu.memref_slice %arg4[%dma_start3A_78, %dma_start3A_79] : memref<10000x128xf32, #tpu.memory_space<hbm>> -> memref<10000x128xf32, #tpu.memory_space<hbm>>
      tpu.enqueue_indirect_dma source(%dma_start3A_80 : memref<10000x128xf32, #tpu.memory_space<hbm>>) target(%arg9 : memref<128x128xf32, #tpu.memory_space<vmem>>) offsets(%dma_start3A_77 : memref<128xi32, #tpu.memory_space<vmem>>) semaphore(%arg12 : memref<!tpu.dma_semaphore, #tpu.memory_space<semaphore_mem>>)
      %dma_wait3A = arith.constant 0 : i32
      %dma_wait3A_81 = tpu.memref_slice %arg6[%mul3A_72, %dma_wait3A] : memref<40x128xi32, #tpu.memory_space<vmem>> -> memref<1x128xi32, #tpu.memory_space<vmem>>
      %dma_wait3A_82 = tpu.memref_squeeze %dma_wait3A_81 : memref<1x128xi32, #tpu.memory_space<vmem>> -> memref<128xi32, #tpu.memory_space<vmem>>
      %dma_wait3A_83 = arith.constant 0 : i32
      %dma_wait3A_84 = arith.constant 0 : i32
      %dma_wait3A_85 = tpu.memref_slice %arg4[%dma_wait3A_83, %dma_wait3A_84] : memref<10000x128xf32, #tpu.memory_space<hbm>> -> memref<10000x128xf32, #tpu.memory_space<hbm>>
      tpu.wait_indirect_dma semaphore(%arg11 : memref<!tpu.dma_semaphore, #tpu.memory_space<semaphore_mem>>) src(%dma_wait3A_85 : memref<10000x128xf32, #tpu.memory_space<hbm>>) dst(%arg8 : memref<128x128xf32, #tpu.memory_space<vmem>>)
      "tpu.region"() ({
        %run_scoped3A = tpu.sem_alloc : memref<!tpu.dma_semaphore, #tpu.memory_space<semaphore_mem>>
        %dma_start3A_100 = arith.constant 0 : i32
        %dma_start3A_101 = tpu.memref_slice %arg7[%mul3A_72, %dma_start3A_100] : memref<40x128xi32, #tpu.memory_space<vmem>> -> memref<1x128xi32, #tpu.memory_space<vmem>>
        %dma_start3A_102 = tpu.memref_squeeze %dma_start3A_101 : memref<1x128xi32, #tpu.memory_space<vmem>> -> memref<128xi32, #tpu.memory_space<vmem>>
        %dma_start3A_103 = arith.constant 0 : i32
        %dma_start3A_104 = arith.constant 0 : i32
        %dma_start3A_105 = tpu.memref_slice %arg10[%dma_start3A_103, %dma_start3A_104] : memref<10240x128xf32, #tpu.memory_space<vmem_shared>> -> memref<10240x128xf32, #tpu.memory_space<vmem_shared>>
        tpu.enqueue_indirect_dma source(%arg8 : memref<128x128xf32, #tpu.memory_space<vmem>>) target(%dma_start3A_105 : memref<10240x128xf32, #tpu.memory_space<vmem_shared>>) offsets(%dma_start3A_102 : memref<128xi32, #tpu.memory_space<vmem>>) semaphore(%run_scoped3A : memref<!tpu.dma_semaphore, #tpu.memory_space<semaphore_mem>>) {add = true}
        %dma_wait3A_106 = arith.constant 0 : i32
        %dma_wait3A_107 = tpu.memref_slice %arg7[%mul3A_72, %dma_wait3A_106] : memref<40x128xi32, #tpu.memory_space<vmem>> -> memref<1x128xi32, #tpu.memory_space<vmem>>
        %dma_wait3A_108 = tpu.memref_squeeze %dma_wait3A_107 : memref<1x128xi32, #tpu.memory_space<vmem>> -> memref<128xi32, #tpu.memory_space<vmem>>
        %dma_wait3A_109 = arith.constant 0 : i32
        %dma_wait3A_110 = arith.constant 0 : i32
        %dma_wait3A_111 = tpu.memref_slice %arg10[%dma_wait3A_109, %dma_wait3A_110] : memref<10240x128xf32, #tpu.memory_space<vmem_shared>> -> memref<10240x128xf32, #tpu.memory_space<vmem_shared>>
        tpu.wait_indirect_dma semaphore(%run_scoped3A : memref<!tpu.dma_semaphore, #tpu.memory_space<semaphore_mem>>) src(%arg8 : memref<128x128xf32, #tpu.memory_space<vmem>>) dst(%dma_wait3A_111 : memref<10240x128xf32, #tpu.memory_space<vmem_shared>>)
        tpu.yield
      }) : () -> ()
      %lt3A_86 = arith.constant 19 : i32
      %lt3A_87 = arith.cmpi slt, %scan3A_69, %lt3A_86 : i32
      %convert_element_type3A_88 = arith.extui %lt3A_87 : i1 to i32
      %cond3A_89 = arith.constant 0 : i32
      %cond3A_90 = arith.cmpi ne, %convert_element_type3A_88, %cond3A_89 : i32
      scf.if %cond3A_90 {
        %add3A_100 = arith.constant 2 : i32
        %add3A_101 = arith.addi %mul3A_72, %add3A_100 : i32
        %dma_start3A_102 = arith.constant 0 : i32
        %dma_start3A_103 = tpu.memref_slice %arg6[%add3A_101, %dma_start3A_102] : memref<40x128xi32, #tpu.memory_space<vmem>> -> memref<1x128xi32, #tpu.memory_space<vmem>>
        %dma_start3A_104 = tpu.memref_squeeze %dma_start3A_103 : memref<1x128xi32, #tpu.memory_space<vmem>> -> memref<128xi32, #tpu.memory_space<vmem>>
        %dma_start3A_105 = arith.constant 0 : i32
        %dma_start3A_106 = arith.constant 0 : i32
        %dma_start3A_107 = tpu.memref_slice %arg4[%dma_start3A_105, %dma_start3A_106] : memref<10000x128xf32, #tpu.memory_space<hbm>> -> memref<10000x128xf32, #tpu.memory_space<hbm>>
        tpu.enqueue_indirect_dma source(%dma_start3A_107 : memref<10000x128xf32, #tpu.memory_space<hbm>>) target(%arg8 : memref<128x128xf32, #tpu.memory_space<vmem>>) offsets(%dma_start3A_104 : memref<128xi32, #tpu.memory_space<vmem>>) semaphore(%arg11 : memref<!tpu.dma_semaphore, #tpu.memory_space<semaphore_mem>>)
      } else {
      }
      %dma_wait3A_91 = arith.constant 0 : i32
      %dma_wait3A_92 = tpu.memref_slice %arg6[%add3A_74, %dma_wait3A_91] : memref<40x128xi32, #tpu.memory_space<vmem>> -> memref<1x128xi32, #tpu.memory_space<vmem>>
      %dma_wait3A_93 = tpu.memref_squeeze %dma_wait3A_92 : memref<1x128xi32, #tpu.memory_space<vmem>> -> memref<128xi32, #tpu.memory_space<vmem>>
      %dma_wait3A_94 = arith.constant 0 : i32
      %dma_wait3A_95 = arith.constant 0 : i32
      %dma_wait3A_96 = tpu.memref_slice %arg4[%dma_wait3A_94, %dma_wait3A_95] : memref<10000x128xf32, #tpu.memory_space<hbm>> -> memref<10000x128xf32, #tpu.memory_space<hbm>>
      tpu.wait_indirect_dma semaphore(%arg12 : memref<!tpu.dma_semaphore, #tpu.memory_space<semaphore_mem>>) src(%dma_wait3A_96 : memref<10000x128xf32, #tpu.memory_space<hbm>>) dst(%arg9 : memref<128x128xf32, #tpu.memory_space<vmem>>)
      %add3A_97 = arith.constant 1 : i32
      %add3A_98 = arith.addi %mul3A_72, %add3A_97 : i32
      "tpu.region"() ({
        %run_scoped3A = tpu.sem_alloc : memref<!tpu.dma_semaphore, #tpu.memory_space<semaphore_mem>>
        %dma_start3A_100 = arith.constant 0 : i32
        %dma_start3A_101 = tpu.memref_slice %arg7[%add3A_98, %dma_start3A_100] : memref<40x128xi32, #tpu.memory_space<vmem>> -> memref<1x128xi32, #tpu.memory_space<vmem>>
        %dma_start3A_102 = tpu.memref_squeeze %dma_start3A_101 : memref<1x128xi32, #tpu.memory_space<vmem>> -> memref<128xi32, #tpu.memory_space<vmem>>
        %dma_start3A_103 = arith.constant 0 : i32
        %dma_start3A_104 = arith.constant 0 : i32
        %dma_start3A_105 = tpu.memref_slice %arg10[%dma_start3A_103, %dma_start3A_104] : memref<10240x128xf32, #tpu.memory_space<vmem_shared>> -> memref<10240x128xf32, #tpu.memory_space<vmem_shared>>
        tpu.enqueue_indirect_dma source(%arg9 : memref<128x128xf32, #tpu.memory_space<vmem>>) target(%dma_start3A_105 : memref<10240x128xf32, #tpu.memory_space<vmem_shared>>) offsets(%dma_start3A_102 : memref<128xi32, #tpu.memory_space<vmem>>) semaphore(%run_scoped3A : memref<!tpu.dma_semaphore, #tpu.memory_space<semaphore_mem>>) {add = true}
        %dma_wait3A_106 = arith.constant 0 : i32
        %dma_wait3A_107 = tpu.memref_slice %arg7[%add3A_98, %dma_wait3A_106] : memref<40x128xi32, #tpu.memory_space<vmem>> -> memref<1x128xi32, #tpu.memory_space<vmem>>
        %dma_wait3A_108 = tpu.memref_squeeze %dma_wait3A_107 : memref<1x128xi32, #tpu.memory_space<vmem>> -> memref<128xi32, #tpu.memory_space<vmem>>
        %dma_wait3A_109 = arith.constant 0 : i32
        %dma_wait3A_110 = arith.constant 0 : i32
        %dma_wait3A_111 = tpu.memref_slice %arg10[%dma_wait3A_109, %dma_wait3A_110] : memref<10240x128xf32, #tpu.memory_space<vmem_shared>> -> memref<10240x128xf32, #tpu.memory_space<vmem_shared>>
        tpu.wait_indirect_dma semaphore(%run_scoped3A : memref<!tpu.dma_semaphore, #tpu.memory_space<semaphore_mem>>) src(%arg9 : memref<128x128xf32, #tpu.memory_space<vmem>>) dst(%dma_wait3A_111 : memref<10240x128xf32, #tpu.memory_space<vmem_shared>>)
        tpu.yield
      }) : () -> ()
      %scan3A_99 = arith.constant 0 : i32
      scf.yield %scan3A_99 : i32
    }
    %scan3A_61 = arith.constant 20 : i32
    %barrier3A_62 = arith.constant 0 : index
    tpu.barrier barrier_id(%barrier3A_62)
    %lt3A = arith.constant 15 : i32
    %lt3A_63 = arith.cmpi slt, %arg1, %lt3A : i32
    %convert_element_type3A = arith.extui %lt3A_63 : i1 to i32
    %cond3A = arith.constant 0 : i32
    %cond3A_64 = arith.cmpi ne, %convert_element_type3A, %cond3A : i32
    scf.if %cond3A_64 {
      %mul3A_69 = arith.constant 632 : i32
      %mul3A_70 = arith.muli %arg1, %mul3A_69 : i32
      %mul3A_71 = arith.constant 632 : i32
      %mul3A_72 = arith.muli %arg1, %mul3A_71 : i32
      "tpu.region"() ({
        %run_scoped3A = tpu.sem_alloc : memref<!tpu.dma_semaphore, #tpu.memory_space<semaphore_mem>>
        %dma_start3A_73 = arith.constant 0 : i32
        %dma_start3A_74 = tpu.memref_slice %arg5[%arg0, %mul3A_72, %dma_start3A_73] : memref<2x10000x128xf32, #tpu.memory_space<hbm>> -> memref<1x632x128xf32, #tpu.memory_space<hbm>>
        %dma_start3A_75 = tpu.memref_squeeze %dma_start3A_74 : memref<1x632x128xf32, #tpu.memory_space<hbm>> -> memref<632x128xf32, #tpu.memory_space<hbm>>
        %dma_start3A_76 = arith.constant 0 : i32
        %dma_start3A_77 = tpu.memref_slice %arg10[%mul3A_70, %dma_start3A_76] : memref<10240x128xf32, #tpu.memory_space<vmem_shared>> -> memref<632x128xf32, #tpu.memory_space<vmem_shared>>
        tpu.enqueue_dma source(%dma_start3A_77 : memref<632x128xf32, #tpu.memory_space<vmem_shared>>) target(%dma_start3A_75 : memref<632x128xf32, #tpu.memory_space<hbm>>) target_semaphore(%run_scoped3A : memref<!tpu.dma_semaphore, #tpu.memory_space<semaphore_mem>>)
        %dma_wait3A = arith.constant 0 : i32
        %dma_wait3A_78 = tpu.memref_slice %arg5[%arg0, %mul3A_72, %dma_wait3A] : memref<2x10000x128xf32, #tpu.memory_space<hbm>> -> memref<1x632x128xf32, #tpu.memory_space<hbm>>
        %dma_wait3A_79 = tpu.memref_squeeze %dma_wait3A_78 : memref<1x632x128xf32, #tpu.memory_space<hbm>> -> memref<632x128xf32, #tpu.memory_space<hbm>>
        %dma_wait3A_80 = arith.constant 0 : i32
        %dma_wait3A_81 = tpu.memref_slice %arg10[%mul3A_70, %dma_wait3A_80] : memref<10240x128xf32, #tpu.memory_space<vmem_shared>> -> memref<632x128xf32, #tpu.memory_space<vmem_shared>>
        tpu.wait_dma2 semaphore(%run_scoped3A : memref<!tpu.dma_semaphore, #tpu.memory_space<semaphore_mem>>) src(%dma_wait3A_81 : memref<632x128xf32, #tpu.memory_space<vmem_shared>>) dst(%dma_wait3A_79 : memref<632x128xf32, #tpu.memory_space<hbm>>)
        tpu.yield
      }) : () -> ()
    } else {
    }
    %eq3A = arith.constant 15 : i32
    %eq3A_65 = arith.cmpi eq, %arg1, %eq3A : i32
    %convert_element_type3A_66 = arith.extui %eq3A_65 : i1 to i32
    %cond3A_67 = arith.constant 0 : i32
    %cond3A_68 = arith.cmpi ne, %convert_element_type3A_66, %cond3A_67 : i32
    scf.if %cond3A_68 {
      %mul3A_69 = arith.constant 632 : i32
      %mul3A_70 = arith.muli %arg1, %mul3A_69 : i32
      %mul3A_71 = arith.constant 632 : i32
      %mul3A_72 = arith.muli %arg1, %mul3A_71 : i32
      "tpu.region"() ({
        %run_scoped3A = tpu.sem_alloc : memref<!tpu.dma_semaphore, #tpu.memory_space<semaphore_mem>>
        %dma_start3A_73 = arith.constant 0 : i32
        %dma_start3A_74 = tpu.memref_slice %arg5[%arg0, %mul3A_72, %dma_start3A_73] : memref<2x10000x128xf32, #tpu.memory_space<hbm>> -> memref<1x520x128xf32, #tpu.memory_space<hbm>>
        %dma_start3A_75 = tpu.memref_squeeze %dma_start3A_74 : memref<1x520x128xf32, #tpu.memory_space<hbm>> -> memref<520x128xf32, #tpu.memory_space<hbm>>
        %dma_start3A_76 = arith.constant 0 : i32
        %dma_start3A_77 = tpu.memref_slice %arg10[%mul3A_70, %dma_start3A_76] : memref<10240x128xf32, #tpu.memory_space<vmem_shared>> -> memref<520x128xf32, #tpu.memory_space<vmem_shared>>
        tpu.enqueue_dma source(%dma_start3A_77 : memref<520x128xf32, #tpu.memory_space<vmem_shared>>) target(%dma_start3A_75 : memref<520x128xf32, #tpu.memory_space<hbm>>) target_semaphore(%run_scoped3A : memref<!tpu.dma_semaphore, #tpu.memory_space<semaphore_mem>>)
        %dma_wait3A = arith.constant 0 : i32
        %dma_wait3A_78 = tpu.memref_slice %arg5[%arg0, %mul3A_72, %dma_wait3A] : memref<2x10000x128xf32, #tpu.memory_space<hbm>> -> memref<1x520x128xf32, #tpu.memory_space<hbm>>
        %dma_wait3A_79 = tpu.memref_squeeze %dma_wait3A_78 : memref<1x520x128xf32, #tpu.memory_space<hbm>> -> memref<520x128xf32, #tpu.memory_space<hbm>>
        %dma_wait3A_80 = arith.constant 0 : i32
        %dma_wait3A_81 = tpu.memref_slice %arg10[%mul3A_70, %dma_wait3A_80] : memref<10240x128xf32, #tpu.memory_space<vmem_shared>> -> memref<520x128xf32, #tpu.memory_space<vmem_shared>>
        tpu.wait_dma2 semaphore(%run_scoped3A : memref<!tpu.dma_semaphore, #tpu.memory_space<semaphore_mem>>) src(%dma_wait3A_81 : memref<520x128xf32, #tpu.memory_space<vmem_shared>>) dst(%dma_wait3A_79 : memref<520x128xf32, #tpu.memory_space<hbm>>)
        tpu.yield
      }) : () -> ()
    } else {
    }
    return
  }
}

#map = affine_map<(d0, d1) -> (0, 0)>
#map1 = affine_map<(d0, d1) -> (0, 0, 0)>
module attributes {stable_mosaic.version = 14 : i64} {
  func.func @_sc_agg(%arg0: i32, %arg1: i32, %arg2: memref<2560x128xi32, #tpu.memory_space<hbm>>, %arg3: memref<2560x128xi32, #tpu.memory_space<hbm>>, %arg4: memref<10000x128xf32, #tpu.memory_space<hbm>>, %arg5: memref<2x10000x128xf32, #tpu.memory_space<hbm>>, %arg6: memref<40x128xi32, #tpu.memory_space<vmem>>, %arg7: memref<40x128xi32, #tpu.memory_space<vmem>>, %arg8: memref<128x128xf32, #tpu.memory_space<vmem>>, %arg9: memref<128x128xf32, #tpu.memory_space<vmem>>, %arg10: memref<10240x128xf32, #tpu.memory_space<vmem_shared>>, %arg11: memref<!tpu.dma_semaphore, #tpu.memory_space<semaphore_mem>>, %arg12: memref<!tpu.dma_semaphore, #tpu.memory_space<semaphore_mem>>) attributes {dimension_semantics = [#tpu.dimension_semantics<core_parallel>, #tpu.dimension_semantics<subcore_parallel>], iteration_bounds = array<i64: 2, 16>, scalar_prefetch = 0 : i64, scratch_operands = 7 : i64, tpu.core_type = #tpu.core_type<sc_vector_subcore>, window_params = [{transform_indices = #map}, {transform_indices = #map}, {transform_indices = #map}, {transform_indices = #map1}]} {
    %mul3A = arith.constant 16 : i32
    %mul3A_0 = arith.muli %arg0, %mul3A : i32
    %add3A = arith.addi %mul3A_0, %arg1 : i32
    %scan3A = arith.constant 0 : i32
    %scan3A_1 = arith.constant 0 : i32
    %scan3A_2 = arith.constant 128 : i32
    %scan3A_3 = arith.addi %scan3A_1, %scan3A_2 : i32
    %scan3A_4 = arith.constant 1 : i32
    %scan3A_5 = scf.for %scan3A_69 = %scan3A_1 to %scan3A_3 step %scan3A_4 iter_args(%scan3A_70 = %scan3A) -> (i32)  : i32 {
      %broadcast_in_dim3A = arith.constant 0.000000e+00 : f32
      %broadcast_in_dim3A_71 = vector.broadcast %broadcast_in_dim3A : f32 to vector<16xf32>
      %swap3A = arith.index_cast %scan3A_69 : i32 to index
      %swap3A_72 = arith.constant 0 : index
      %swap3A_73 = tpu.vector_load %arg8[%swap3A, %swap3A_72] {strides = array<i32>} : memref<128x128xf32, #tpu.memory_space<vmem>>, vector<1x16xf32>,
      %swap3A_74 = vector.shape_cast %swap3A_73 : vector<1x16xf32> to vector<16xf32>
      %swap3A_75 = vector.shape_cast %broadcast_in_dim3A_71 : vector<16xf32> to vector<1x16xf32>
      tpu.vector_store %arg8[%swap3A, %swap3A_72], %swap3A_75 {strides = array<i32>} : memref<128x128xf32, #tpu.memory_space<vmem>>, vector<1x16xf32>,
      %broadcast_in_dim3A_76 = arith.constant 0.000000e+00 : f32
      %broadcast_in_dim3A_77 = vector.broadcast %broadcast_in_dim3A_76 : f32 to vector<16xf32>
      %swap3A_78 = arith.index_cast %scan3A_69 : i32 to index
      %swap3A_79 = arith.constant 16 : index
      %swap3A_80 = tpu.vector_load %arg8[%swap3A_78, %swap3A_79] {strides = array<i32>} : memref<128x128xf32, #tpu.memory_space<vmem>>, vector<1x16xf32>,
      %swap3A_81 = vector.shape_cast %swap3A_80 : vector<1x16xf32> to vector<16xf32>
      %swap3A_82 = vector.shape_cast %broadcast_in_dim3A_77 : vector<16xf32> to vector<1x16xf32>
      tpu.vector_store %arg8[%swap3A_78, %swap3A_79], %swap3A_82 {strides = array<i32>} : memref<128x128xf32, #tpu.memory_space<vmem>>, vector<1x16xf32>,
      %broadcast_in_dim3A_83 = arith.constant 0.000000e+00 : f32
      %broadcast_in_dim3A_84 = vector.broadcast %broadcast_in_dim3A_83 : f32 to vector<16xf32>
      %swap3A_85 = arith.index_cast %scan3A_69 : i32 to index
      %swap3A_86 = arith.constant 32 : index
      %swap3A_87 = tpu.vector_load %arg8[%swap3A_85, %swap3A_86] {strides = array<i32>} : memref<128x128xf32, #tpu.memory_space<vmem>>, vector<1x16xf32>,
      %swap3A_88 = vector.shape_cast %swap3A_87 : vector<1x16xf32> to vector<16xf32>
      %swap3A_89 = vector.shape_cast %broadcast_in_dim3A_84 : vector<16xf32> to vector<1x16xf32>
      tpu.vector_store %arg8[%swap3A_85, %swap3A_86], %swap3A_89 {strides = array<i32>} : memref<128x128xf32, #tpu.memory_space<vmem>>, vector<1x16xf32>,
      %broadcast_in_dim3A_90 = arith.constant 0.000000e+00 : f32
      %broadcast_in_dim3A_91 = vector.broadcast %broadcast_in_dim3A_90 : f32 to vector<16xf32>
      %swap3A_92 = arith.index_cast %scan3A_69 : i32 to index
      %swap3A_93 = arith.constant 48 : index
      %swap3A_94 = tpu.vector_load %arg8[%swap3A_92, %swap3A_93] {strides = array<i32>} : memref<128x128xf32, #tpu.memory_space<vmem>>, vector<1x16xf32>,
      %swap3A_95 = vector.shape_cast %swap3A_94 : vector<1x16xf32> to vector<16xf32>
      %swap3A_96 = vector.shape_cast %broadcast_in_dim3A_91 : vector<16xf32> to vector<1x16xf32>
      tpu.vector_store %arg8[%swap3A_92, %swap3A_93], %swap3A_96 {strides = array<i32>} : memref<128x128xf32, #tpu.memory_space<vmem>>, vector<1x16xf32>,
      %broadcast_in_dim3A_97 = arith.constant 0.000000e+00 : f32
      %broadcast_in_dim3A_98 = vector.broadcast %broadcast_in_dim3A_97 : f32 to vector<16xf32>
      %swap3A_99 = arith.index_cast %scan3A_69 : i32 to index
      %swap3A_100 = arith.constant 64 : index
      %swap3A_101 = tpu.vector_load %arg8[%swap3A_99, %swap3A_100] {strides = array<i32>} : memref<128x128xf32, #tpu.memory_space<vmem>>, vector<1x16xf32>,
      %swap3A_102 = vector.shape_cast %swap3A_101 : vector<1x16xf32> to vector<16xf32>
      %swap3A_103 = vector.shape_cast %broadcast_in_dim3A_98 : vector<16xf32> to vector<1x16xf32>
      tpu.vector_store %arg8[%swap3A_99, %swap3A_100], %swap3A_103 {strides = array<i32>} : memref<128x128xf32, #tpu.memory_space<vmem>>, vector<1x16xf32>,
      %broadcast_in_dim3A_104 = arith.constant 0.000000e+00 : f32
      %broadcast_in_dim3A_105 = vector.broadcast %broadcast_in_dim3A_104 : f32 to vector<16xf32>
      %swap3A_106 = arith.index_cast %scan3A_69 : i32 to index
      %swap3A_107 = arith.constant 80 : index
      %swap3A_108 = tpu.vector_load %arg8[%swap3A_106, %swap3A_107] {strides = array<i32>} : memref<128x128xf32, #tpu.memory_space<vmem>>, vector<1x16xf32>,
      %swap3A_109 = vector.shape_cast %swap3A_108 : vector<1x16xf32> to vector<16xf32>
      %swap3A_110 = vector.shape_cast %broadcast_in_dim3A_105 : vector<16xf32> to vector<1x16xf32>
      tpu.vector_store %arg8[%swap3A_106, %swap3A_107], %swap3A_110 {strides = array<i32>} : memref<128x128xf32, #tpu.memory_space<vmem>>, vector<1x16xf32>,
      %broadcast_in_dim3A_111 = arith.constant 0.000000e+00 : f32
      %broadcast_in_dim3A_112 = vector.broadcast %broadcast_in_dim3A_111 : f32 to vector<16xf32>
      %swap3A_113 = arith.index_cast %scan3A_69 : i32 to index
      %swap3A_114 = arith.constant 96 : index
      %swap3A_115 = tpu.vector_load %arg8[%swap3A_113, %swap3A_114] {strides = array<i32>} : memref<128x128xf32, #tpu.memory_space<vmem>>, vector<1x16xf32>,
      %swap3A_116 = vector.shape_cast %swap3A_115 : vector<1x16xf32> to vector<16xf32>
      %swap3A_117 = vector.shape_cast %broadcast_in_dim3A_112 : vector<16xf32> to vector<1x16xf32>
      tpu.vector_store %arg8[%swap3A_113, %swap3A_114], %swap3A_117 {strides = array<i32>} : memref<128x128xf32, #tpu.memory_space<vmem>>, vector<1x16xf32>,
      %broadcast_in_dim3A_118 = arith.constant 0.000000e+00 : f32
      %broadcast_in_dim3A_119 = vector.broadcast %broadcast_in_dim3A_118 : f32 to vector<16xf32>
      %swap3A_120 = arith.index_cast %scan3A_69 : i32 to index
      %swap3A_121 = arith.constant 112 : index
      %swap3A_122 = tpu.vector_load %arg8[%swap3A_120, %swap3A_121] {strides = array<i32>} : memref<128x128xf32, #tpu.memory_space<vmem>>, vector<1x16xf32>,
      %swap3A_123 = vector.shape_cast %swap3A_122 : vector<1x16xf32> to vector<16xf32>
      %swap3A_124 = vector.shape_cast %broadcast_in_dim3A_119 : vector<16xf32> to vector<1x16xf32>
      tpu.vector_store %arg8[%swap3A_120, %swap3A_121], %swap3A_124 {strides = array<i32>} : memref<128x128xf32, #tpu.memory_space<vmem>>, vector<1x16xf32>,
      %scan3A_125 = arith.constant 0 : i32
      scf.yield %scan3A_125 : i32
    }
    %scan3A_6 = arith.constant 128 : i32
    %mul3A_7 = arith.constant 640 : i32
    %mul3A_8 = arith.muli %arg1, %mul3A_7 : i32
    %add3A_9 = arith.constant 0 : i32
    %add3A_10 = arith.addi %mul3A_8, %add3A_9 : i32
    "tpu.region"() ({
      %run_scoped3A = tpu.sem_alloc : memref<!tpu.dma_semaphore, #tpu.memory_space<semaphore_mem>>
      %dma_start3A_69 = arith.constant 0 : i32
      %dma_start3A_70 = tpu.memref_slice %arg10[%add3A_10, %dma_start3A_69] : memref<10240x128xf32, #tpu.memory_space<vmem_shared>> -> memref<128x128xf32, #tpu.memory_space<vmem_shared>>
      %dma_start3A_71 = arith.constant 0 : i32
      %dma_start3A_72 = tpu.memref_slice %arg10[%add3A_10, %dma_start3A_71] : memref<10240x128xf32, #tpu.memory_space<vmem_shared>> -> memref<128x128xf32, #tpu.memory_space<vmem_shared>>
      tpu.enqueue_dma source(%arg8 : memref<128x128xf32, #tpu.memory_space<vmem>>) target(%dma_start3A_72 : memref<128x128xf32, #tpu.memory_space<vmem_shared>>) target_semaphore(%run_scoped3A : memref<!tpu.dma_semaphore, #tpu.memory_space<semaphore_mem>>)
      %dma_wait3A = arith.constant 0 : i32
      %dma_wait3A_73 = tpu.memref_slice %arg10[%add3A_10, %dma_wait3A] : memref<10240x128xf32, #tpu.memory_space<vmem_shared>> -> memref<128x128xf32, #tpu.memory_space<vmem_shared>>
      %dma_wait3A_74 = arith.constant 0 : i32
      %dma_wait3A_75 = tpu.memref_slice %arg10[%add3A_10, %dma_wait3A_74] : memref<10240x128xf32, #tpu.memory_space<vmem_shared>> -> memref<128x128xf32, #tpu.memory_space<vmem_shared>>
      tpu.wait_dma2 semaphore(%run_scoped3A : memref<!tpu.dma_semaphore, #tpu.memory_space<semaphore_mem>>) src(%arg8 : memref<128x128xf32, #tpu.memory_space<vmem>>) dst(%dma_wait3A_75 : memref<128x128xf32, #tpu.memory_space<vmem_shared>>)
      tpu.yield
    }) : () -> ()
    %mul3A_11 = arith.constant 640 : i32
    %mul3A_12 = arith.muli %arg1, %mul3A_11 : i32
    %add3A_13 = arith.constant 128 : i32
    %add3A_14 = arith.addi %mul3A_12, %add3A_13 : i32
    "tpu.region"() ({
      %run_scoped3A = tpu.sem_alloc : memref<!tpu.dma_semaphore, #tpu.memory_space<semaphore_mem>>
      %dma_start3A_69 = arith.constant 0 : i32
      %dma_start3A_70 = tpu.memref_slice %arg10[%add3A_14, %dma_start3A_69] : memref<10240x128xf32, #tpu.memory_space<vmem_shared>> -> memref<128x128xf32, #tpu.memory_space<vmem_shared>>
      %dma_start3A_71 = arith.constant 0 : i32
      %dma_start3A_72 = tpu.memref_slice %arg10[%add3A_14, %dma_start3A_71] : memref<10240x128xf32, #tpu.memory_space<vmem_shared>> -> memref<128x128xf32, #tpu.memory_space<vmem_shared>>
      tpu.enqueue_dma source(%arg8 : memref<128x128xf32, #tpu.memory_space<vmem>>) target(%dma_start3A_72 : memref<128x128xf32, #tpu.memory_space<vmem_shared>>) target_semaphore(%run_scoped3A : memref<!tpu.dma_semaphore, #tpu.memory_space<semaphore_mem>>)
      %dma_wait3A = arith.constant 0 : i32
      %dma_wait3A_73 = tpu.memref_slice %arg10[%add3A_14, %dma_wait3A] : memref<10240x128xf32, #tpu.memory_space<vmem_shared>> -> memref<128x128xf32, #tpu.memory_space<vmem_shared>>
      %dma_wait3A_74 = arith.constant 0 : i32
      %dma_wait3A_75 = tpu.memref_slice %arg10[%add3A_14, %dma_wait3A_74] : memref<10240x128xf32, #tpu.memory_space<vmem_shared>> -> memref<128x128xf32, #tpu.memory_space<vmem_shared>>
      tpu.wait_dma2 semaphore(%run_scoped3A : memref<!tpu.dma_semaphore, #tpu.memory_space<semaphore_mem>>) src(%arg8 : memref<128x128xf32, #tpu.memory_space<vmem>>) dst(%dma_wait3A_75 : memref<128x128xf32, #tpu.memory_space<vmem_shared>>)
      tpu.yield
    }) : () -> ()
    %mul3A_15 = arith.constant 640 : i32
    %mul3A_16 = arith.muli %arg1, %mul3A_15 : i32
    %add3A_17 = arith.constant 256 : i32
    %add3A_18 = arith.addi %mul3A_16, %add3A_17 : i32
    "tpu.region"() ({
      %run_scoped3A = tpu.sem_alloc : memref<!tpu.dma_semaphore, #tpu.memory_space<semaphore_mem>>
      %dma_start3A_69 = arith.constant 0 : i32
      %dma_start3A_70 = tpu.memref_slice %arg10[%add3A_18, %dma_start3A_69] : memref<10240x128xf32, #tpu.memory_space<vmem_shared>> -> memref<128x128xf32, #tpu.memory_space<vmem_shared>>
      %dma_start3A_71 = arith.constant 0 : i32
      %dma_start3A_72 = tpu.memref_slice %arg10[%add3A_18, %dma_start3A_71] : memref<10240x128xf32, #tpu.memory_space<vmem_shared>> -> memref<128x128xf32, #tpu.memory_space<vmem_shared>>
      tpu.enqueue_dma source(%arg8 : memref<128x128xf32, #tpu.memory_space<vmem>>) target(%dma_start3A_72 : memref<128x128xf32, #tpu.memory_space<vmem_shared>>) target_semaphore(%run_scoped3A : memref<!tpu.dma_semaphore, #tpu.memory_space<semaphore_mem>>)
      %dma_wait3A = arith.constant 0 : i32
      %dma_wait3A_73 = tpu.memref_slice %arg10[%add3A_18, %dma_wait3A] : memref<10240x128xf32, #tpu.memory_space<vmem_shared>> -> memref<128x128xf32, #tpu.memory_space<vmem_shared>>
      %dma_wait3A_74 = arith.constant 0 : i32
      %dma_wait3A_75 = tpu.memref_slice %arg10[%add3A_18, %dma_wait3A_74] : memref<10240x128xf32, #tpu.memory_space<vmem_shared>> -> memref<128x128xf32, #tpu.memory_space<vmem_shared>>
      tpu.wait_dma2 semaphore(%run_scoped3A : memref<!tpu.dma_semaphore, #tpu.memory_space<semaphore_mem>>) src(%arg8 : memref<128x128xf32, #tpu.memory_space<vmem>>) dst(%dma_wait3A_75 : memref<128x128xf32, #tpu.memory_space<vmem_shared>>)
      tpu.yield
    }) : () -> ()
    %mul3A_19 = arith.constant 640 : i32
    %mul3A_20 = arith.muli %arg1, %mul3A_19 : i32
    %add3A_21 = arith.constant 384 : i32
    %add3A_22 = arith.addi %mul3A_20, %add3A_21 : i32
    "tpu.region"() ({
      %run_scoped3A = tpu.sem_alloc : memref<!tpu.dma_semaphore, #tpu.memory_space<semaphore_mem>>
      %dma_start3A_69 = arith.constant 0 : i32
      %dma_start3A_70 = tpu.memref_slice %arg10[%add3A_22, %dma_start3A_69] : memref<10240x128xf32, #tpu.memory_space<vmem_shared>> -> memref<128x128xf32, #tpu.memory_space<vmem_shared>>
      %dma_start3A_71 = arith.constant 0 : i32
      %dma_start3A_72 = tpu.memref_slice %arg10[%add3A_22, %dma_start3A_71] : memref<10240x128xf32, #tpu.memory_space<vmem_shared>> -> memref<128x128xf32, #tpu.memory_space<vmem_shared>>
      tpu.enqueue_dma source(%arg8 : memref<128x128xf32, #tpu.memory_space<vmem>>) target(%dma_start3A_72 : memref<128x128xf32, #tpu.memory_space<vmem_shared>>) target_semaphore(%run_scoped3A : memref<!tpu.dma_semaphore, #tpu.memory_space<semaphore_mem>>)
      %dma_wait3A = arith.constant 0 : i32
      %dma_wait3A_73 = tpu.memref_slice %arg10[%add3A_22, %dma_wait3A] : memref<10240x128xf32, #tpu.memory_space<vmem_shared>> -> memref<128x128xf32, #tpu.memory_space<vmem_shared>>
      %dma_wait3A_74 = arith.constant 0 : i32
      %dma_wait3A_75 = tpu.memref_slice %arg10[%add3A_22, %dma_wait3A_74] : memref<10240x128xf32, #tpu.memory_space<vmem_shared>> -> memref<128x128xf32, #tpu.memory_space<vmem_shared>>
      tpu.wait_dma2 semaphore(%run_scoped3A : memref<!tpu.dma_semaphore, #tpu.memory_space<semaphore_mem>>) src(%arg8 : memref<128x128xf32, #tpu.memory_space<vmem>>) dst(%dma_wait3A_75 : memref<128x128xf32, #tpu.memory_space<vmem_shared>>)
      tpu.yield
    }) : () -> ()
    %mul3A_23 = arith.constant 640 : i32
    %mul3A_24 = arith.muli %arg1, %mul3A_23 : i32
    %add3A_25 = arith.constant 512 : i32
    %add3A_26 = arith.addi %mul3A_24, %add3A_25 : i32
    "tpu.region"() ({
      %run_scoped3A = tpu.sem_alloc : memref<!tpu.dma_semaphore, #tpu.memory_space<semaphore_mem>>
      %dma_start3A_69 = arith.constant 0 : i32
      %dma_start3A_70 = tpu.memref_slice %arg10[%add3A_26, %dma_start3A_69] : memref<10240x128xf32, #tpu.memory_space<vmem_shared>> -> memref<128x128xf32, #tpu.memory_space<vmem_shared>>
      %dma_start3A_71 = arith.constant 0 : i32
      %dma_start3A_72 = tpu.memref_slice %arg10[%add3A_26, %dma_start3A_71] : memref<10240x128xf32, #tpu.memory_space<vmem_shared>> -> memref<128x128xf32, #tpu.memory_space<vmem_shared>>
      tpu.enqueue_dma source(%arg8 : memref<128x128xf32, #tpu.memory_space<vmem>>) target(%dma_start3A_72 : memref<128x128xf32, #tpu.memory_space<vmem_shared>>) target_semaphore(%run_scoped3A : memref<!tpu.dma_semaphore, #tpu.memory_space<semaphore_mem>>)
      %dma_wait3A = arith.constant 0 : i32
      %dma_wait3A_73 = tpu.memref_slice %arg10[%add3A_26, %dma_wait3A] : memref<10240x128xf32, #tpu.memory_space<vmem_shared>> -> memref<128x128xf32, #tpu.memory_space<vmem_shared>>
      %dma_wait3A_74 = arith.constant 0 : i32
      %dma_wait3A_75 = tpu.memref_slice %arg10[%add3A_26, %dma_wait3A_74] : memref<10240x128xf32, #tpu.memory_space<vmem_shared>> -> memref<128x128xf32, #tpu.memory_space<vmem_shared>>
      tpu.wait_dma2 semaphore(%run_scoped3A : memref<!tpu.dma_semaphore, #tpu.memory_space<semaphore_mem>>) src(%arg8 : memref<128x128xf32, #tpu.memory_space<vmem>>) dst(%dma_wait3A_75 : memref<128x128xf32, #tpu.memory_space<vmem_shared>>)
      tpu.yield
    }) : () -> ()
    %barrier3A = arith.constant 0 : index
    tpu.barrier barrier_id(%barrier3A)
    %mul3A_27 = arith.constant 80 : i32
    %mul3A_28 = arith.muli %add3A, %mul3A_27 : i32
    %add3A_29 = arith.constant 0 : i32
    %add3A_30 = arith.addi %mul3A_28, %add3A_29 : i32
    "tpu.region"() ({
      %run_scoped3A = tpu.sem_alloc : memref<!tpu.dma_semaphore, #tpu.memory_space<semaphore_mem>>
      %dma_start3A_69 = arith.constant 0 : i32
      %dma_start3A_70 = tpu.memref_slice %arg2[%add3A_30, %dma_start3A_69] : memref<2560x128xi32, #tpu.memory_space<hbm>> -> memref<40x128xi32, #tpu.memory_space<hbm>>
      %dma_start3A_71 = arith.constant 0 : i32
      %dma_start3A_72 = tpu.memref_slice %arg2[%add3A_30, %dma_start3A_71] : memref<2560x128xi32, #tpu.memory_space<hbm>> -> memref<40x128xi32, #tpu.memory_space<hbm>>
      tpu.enqueue_dma source(%dma_start3A_72 : memref<40x128xi32, #tpu.memory_space<hbm>>) target(%arg6 : memref<40x128xi32, #tpu.memory_space<vmem>>) target_semaphore(%run_scoped3A : memref<!tpu.dma_semaphore, #tpu.memory_space<semaphore_mem>>)
      %dma_wait3A = arith.constant 0 : i32
      %dma_wait3A_73 = tpu.memref_slice %arg2[%add3A_30, %dma_wait3A] : memref<2560x128xi32, #tpu.memory_space<hbm>> -> memref<40x128xi32, #tpu.memory_space<hbm>>
      %dma_wait3A_74 = arith.constant 0 : i32
      %dma_wait3A_75 = tpu.memref_slice %arg2[%add3A_30, %dma_wait3A_74] : memref<2560x128xi32, #tpu.memory_space<hbm>> -> memref<40x128xi32, #tpu.memory_space<hbm>>
      tpu.wait_dma2 semaphore(%run_scoped3A : memref<!tpu.dma_semaphore, #tpu.memory_space<semaphore_mem>>) src(%dma_wait3A_75 : memref<40x128xi32, #tpu.memory_space<hbm>>) dst(%arg6 : memref<40x128xi32, #tpu.memory_space<vmem>>)
      tpu.yield
    }) : () -> ()
    "tpu.region"() ({
      %run_scoped3A = tpu.sem_alloc : memref<!tpu.dma_semaphore, #tpu.memory_space<semaphore_mem>>
      %dma_start3A_69 = arith.constant 0 : i32
      %dma_start3A_70 = tpu.memref_slice %arg3[%add3A_30, %dma_start3A_69] : memref<2560x128xi32, #tpu.memory_space<hbm>> -> memref<40x128xi32, #tpu.memory_space<hbm>>
      %dma_start3A_71 = arith.constant 0 : i32
      %dma_start3A_72 = tpu.memref_slice %arg3[%add3A_30, %dma_start3A_71] : memref<2560x128xi32, #tpu.memory_space<hbm>> -> memref<40x128xi32, #tpu.memory_space<hbm>>
      tpu.enqueue_dma source(%dma_start3A_72 : memref<40x128xi32, #tpu.memory_space<hbm>>) target(%arg7 : memref<40x128xi32, #tpu.memory_space<vmem>>) target_semaphore(%run_scoped3A : memref<!tpu.dma_semaphore, #tpu.memory_space<semaphore_mem>>)
      %dma_wait3A = arith.constant 0 : i32
      %dma_wait3A_73 = tpu.memref_slice %arg3[%add3A_30, %dma_wait3A] : memref<2560x128xi32, #tpu.memory_space<hbm>> -> memref<40x128xi32, #tpu.memory_space<hbm>>
      %dma_wait3A_74 = arith.constant 0 : i32
      %dma_wait3A_75 = tpu.memref_slice %arg3[%add3A_30, %dma_wait3A_74] : memref<2560x128xi32, #tpu.memory_space<hbm>> -> memref<40x128xi32, #tpu.memory_space<hbm>>
      tpu.wait_dma2 semaphore(%run_scoped3A : memref<!tpu.dma_semaphore, #tpu.memory_space<semaphore_mem>>) src(%dma_wait3A_75 : memref<40x128xi32, #tpu.memory_space<hbm>>) dst(%arg7 : memref<40x128xi32, #tpu.memory_space<vmem>>)
      tpu.yield
    }) : () -> ()
    %dma_start3A = arith.constant 0 : i32
    %dma_start3A_31 = arith.constant 0 : i32
    %dma_start3A_32 = tpu.memref_slice %arg6[%dma_start3A, %dma_start3A_31] : memref<40x128xi32, #tpu.memory_space<vmem>> -> memref<1x128xi32, #tpu.memory_space<vmem>>
    %dma_start3A_33 = tpu.memref_squeeze %dma_start3A_32 : memref<1x128xi32, #tpu.memory_space<vmem>> -> memref<128xi32, #tpu.memory_space<vmem>>
    %dma_start3A_34 = arith.constant 0 : i32
    %dma_start3A_35 = arith.constant 0 : i32
    %dma_start3A_36 = tpu.memref_slice %arg4[%dma_start3A_34, %dma_start3A_35] : memref<10000x128xf32, #tpu.memory_space<hbm>> -> memref<10000x128xf32, #tpu.memory_space<hbm>>
    tpu.enqueue_indirect_dma source(%dma_start3A_36 : memref<10000x128xf32, #tpu.memory_space<hbm>>) target(%arg8 : memref<128x128xf32, #tpu.memory_space<vmem>>) offsets(%dma_start3A_33 : memref<128xi32, #tpu.memory_space<vmem>>) semaphore(%arg11 : memref<!tpu.dma_semaphore, #tpu.memory_space<semaphore_mem>>)
    %scan3A_37 = arith.constant 0 : i32
    %scan3A_38 = arith.constant 0 : i32
    %scan3A_39 = arith.constant 20 : i32
    %scan3A_40 = arith.addi %scan3A_38, %scan3A_39 : i32
    %scan3A_41 = arith.constant 1 : i32
    %scan3A_42 = scf.for %scan3A_69 = %scan3A_38 to %scan3A_40 step %scan3A_41 iter_args(%scan3A_70 = %scan3A_37) -> (i32)  : i32 {
      %mul3A_71 = arith.constant 2 : i32
      %mul3A_72 = arith.muli %mul3A_71, %scan3A_69 : i32
      %add3A_73 = arith.constant 1 : i32
      %add3A_74 = arith.addi %mul3A_72, %add3A_73 : i32
      %dma_start3A_75 = arith.constant 0 : i32
      %dma_start3A_76 = tpu.memref_slice %arg6[%add3A_74, %dma_start3A_75] : memref<40x128xi32, #tpu.memory_space<vmem>> -> memref<1x128xi32, #tpu.memory_space<vmem>>
      %dma_start3A_77 = tpu.memref_squeeze %dma_start3A_76 : memref<1x128xi32, #tpu.memory_space<vmem>> -> memref<128xi32, #tpu.memory_space<vmem>>
      %dma_start3A_78 = arith.constant 0 : i32
      %dma_start3A_79 = arith.constant 0 : i32
      %dma_start3A_80 = tpu.memref_slice %arg4[%dma_start3A_78, %dma_start3A_79] : memref<10000x128xf32, #tpu.memory_space<hbm>> -> memref<10000x128xf32, #tpu.memory_space<hbm>>
      tpu.enqueue_indirect_dma source(%dma_start3A_80 : memref<10000x128xf32, #tpu.memory_space<hbm>>) target(%arg9 : memref<128x128xf32, #tpu.memory_space<vmem>>) offsets(%dma_start3A_77 : memref<128xi32, #tpu.memory_space<vmem>>) semaphore(%arg12 : memref<!tpu.dma_semaphore, #tpu.memory_space<semaphore_mem>>)
      %dma_wait3A = arith.constant 0 : i32
      %dma_wait3A_81 = tpu.memref_slice %arg6[%mul3A_72, %dma_wait3A] : memref<40x128xi32, #tpu.memory_space<vmem>> -> memref<1x128xi32, #tpu.memory_space<vmem>>
      %dma_wait3A_82 = tpu.memref_squeeze %dma_wait3A_81 : memref<1x128xi32, #tpu.memory_space<vmem>> -> memref<128xi32, #tpu.memory_space<vmem>>
      %dma_wait3A_83 = arith.constant 0 : i32
      %dma_wait3A_84 = arith.constant 0 : i32
      %dma_wait3A_85 = tpu.memref_slice %arg4[%dma_wait3A_83, %dma_wait3A_84] : memref<10000x128xf32, #tpu.memory_space<hbm>> -> memref<10000x128xf32, #tpu.memory_space<hbm>>
      tpu.wait_indirect_dma semaphore(%arg11 : memref<!tpu.dma_semaphore, #tpu.memory_space<semaphore_mem>>) src(%dma_wait3A_85 : memref<10000x128xf32, #tpu.memory_space<hbm>>) dst(%arg8 : memref<128x128xf32, #tpu.memory_space<vmem>>)
      "tpu.region"() ({
        %run_scoped3A = tpu.sem_alloc : memref<!tpu.dma_semaphore, #tpu.memory_space<semaphore_mem>>
        %dma_start3A_100 = arith.constant 0 : i32
        %dma_start3A_101 = tpu.memref_slice %arg7[%mul3A_72, %dma_start3A_100] : memref<40x128xi32, #tpu.memory_space<vmem>> -> memref<1x128xi32, #tpu.memory_space<vmem>>
        %dma_start3A_102 = tpu.memref_squeeze %dma_start3A_101 : memref<1x128xi32, #tpu.memory_space<vmem>> -> memref<128xi32, #tpu.memory_space<vmem>>
        %dma_start3A_103 = arith.constant 0 : i32
        %dma_start3A_104 = arith.constant 0 : i32
        %dma_start3A_105 = tpu.memref_slice %arg10[%dma_start3A_103, %dma_start3A_104] : memref<10240x128xf32, #tpu.memory_space<vmem_shared>> -> memref<10240x128xf32, #tpu.memory_space<vmem_shared>>
        tpu.enqueue_indirect_dma source(%arg8 : memref<128x128xf32, #tpu.memory_space<vmem>>) target(%dma_start3A_105 : memref<10240x128xf32, #tpu.memory_space<vmem_shared>>) offsets(%dma_start3A_102 : memref<128xi32, #tpu.memory_space<vmem>>) semaphore(%run_scoped3A : memref<!tpu.dma_semaphore, #tpu.memory_space<semaphore_mem>>) {add = true}
        %dma_wait3A_106 = arith.constant 0 : i32
        %dma_wait3A_107 = tpu.memref_slice %arg7[%mul3A_72, %dma_wait3A_106] : memref<40x128xi32, #tpu.memory_space<vmem>> -> memref<1x128xi32, #tpu.memory_space<vmem>>
        %dma_wait3A_108 = tpu.memref_squeeze %dma_wait3A_107 : memref<1x128xi32, #tpu.memory_space<vmem>> -> memref<128xi32, #tpu.memory_space<vmem>>
        %dma_wait3A_109 = arith.constant 0 : i32
        %dma_wait3A_110 = arith.constant 0 : i32
        %dma_wait3A_111 = tpu.memref_slice %arg10[%dma_wait3A_109, %dma_wait3A_110] : memref<10240x128xf32, #tpu.memory_space<vmem_shared>> -> memref<10240x128xf32, #tpu.memory_space<vmem_shared>>
        tpu.wait_indirect_dma semaphore(%run_scoped3A : memref<!tpu.dma_semaphore, #tpu.memory_space<semaphore_mem>>) src(%arg8 : memref<128x128xf32, #tpu.memory_space<vmem>>) dst(%dma_wait3A_111 : memref<10240x128xf32, #tpu.memory_space<vmem_shared>>)
        tpu.yield
      }) : () -> ()
      %lt3A_86 = arith.constant 19 : i32
      %lt3A_87 = arith.cmpi slt, %scan3A_69, %lt3A_86 : i32
      %convert_element_type3A_88 = arith.extui %lt3A_87 : i1 to i32
      %cond3A_89 = arith.constant 0 : i32
      %cond3A_90 = arith.cmpi ne, %convert_element_type3A_88, %cond3A_89 : i32
      scf.if %cond3A_90 {
        %add3A_100 = arith.constant 2 : i32
        %add3A_101 = arith.addi %mul3A_72, %add3A_100 : i32
        %dma_start3A_102 = arith.constant 0 : i32
        %dma_start3A_103 = tpu.memref_slice %arg6[%add3A_101, %dma_start3A_102] : memref<40x128xi32, #tpu.memory_space<vmem>> -> memref<1x128xi32, #tpu.memory_space<vmem>>
        %dma_start3A_104 = tpu.memref_squeeze %dma_start3A_103 : memref<1x128xi32, #tpu.memory_space<vmem>> -> memref<128xi32, #tpu.memory_space<vmem>>
        %dma_start3A_105 = arith.constant 0 : i32
        %dma_start3A_106 = arith.constant 0 : i32
        %dma_start3A_107 = tpu.memref_slice %arg4[%dma_start3A_105, %dma_start3A_106] : memref<10000x128xf32, #tpu.memory_space<hbm>> -> memref<10000x128xf32, #tpu.memory_space<hbm>>
        tpu.enqueue_indirect_dma source(%dma_start3A_107 : memref<10000x128xf32, #tpu.memory_space<hbm>>) target(%arg8 : memref<128x128xf32, #tpu.memory_space<vmem>>) offsets(%dma_start3A_104 : memref<128xi32, #tpu.memory_space<vmem>>) semaphore(%arg11 : memref<!tpu.dma_semaphore, #tpu.memory_space<semaphore_mem>>)
      } else {
      }
      %dma_wait3A_91 = arith.constant 0 : i32
      %dma_wait3A_92 = tpu.memref_slice %arg6[%add3A_74, %dma_wait3A_91] : memref<40x128xi32, #tpu.memory_space<vmem>> -> memref<1x128xi32, #tpu.memory_space<vmem>>
      %dma_wait3A_93 = tpu.memref_squeeze %dma_wait3A_92 : memref<1x128xi32, #tpu.memory_space<vmem>> -> memref<128xi32, #tpu.memory_space<vmem>>
      %dma_wait3A_94 = arith.constant 0 : i32
      %dma_wait3A_95 = arith.constant 0 : i32
      %dma_wait3A_96 = tpu.memref_slice %arg4[%dma_wait3A_94, %dma_wait3A_95] : memref<10000x128xf32, #tpu.memory_space<hbm>> -> memref<10000x128xf32, #tpu.memory_space<hbm>>
      tpu.wait_indirect_dma semaphore(%arg12 : memref<!tpu.dma_semaphore, #tpu.memory_space<semaphore_mem>>) src(%dma_wait3A_96 : memref<10000x128xf32, #tpu.memory_space<hbm>>) dst(%arg9 : memref<128x128xf32, #tpu.memory_space<vmem>>)
      %add3A_97 = arith.constant 1 : i32
      %add3A_98 = arith.addi %mul3A_72, %add3A_97 : i32
      "tpu.region"() ({
        %run_scoped3A = tpu.sem_alloc : memref<!tpu.dma_semaphore, #tpu.memory_space<semaphore_mem>>
        %dma_start3A_100 = arith.constant 0 : i32
        %dma_start3A_101 = tpu.memref_slice %arg7[%add3A_98, %dma_start3A_100] : memref<40x128xi32, #tpu.memory_space<vmem>> -> memref<1x128xi32, #tpu.memory_space<vmem>>
        %dma_start3A_102 = tpu.memref_squeeze %dma_start3A_101 : memref<1x128xi32, #tpu.memory_space<vmem>> -> memref<128xi32, #tpu.memory_space<vmem>>
        %dma_start3A_103 = arith.constant 0 : i32
        %dma_start3A_104 = arith.constant 0 : i32
        %dma_start3A_105 = tpu.memref_slice %arg10[%dma_start3A_103, %dma_start3A_104] : memref<10240x128xf32, #tpu.memory_space<vmem_shared>> -> memref<10240x128xf32, #tpu.memory_space<vmem_shared>>
        tpu.enqueue_indirect_dma source(%arg9 : memref<128x128xf32, #tpu.memory_space<vmem>>) target(%dma_start3A_105 : memref<10240x128xf32, #tpu.memory_space<vmem_shared>>) offsets(%dma_start3A_102 : memref<128xi32, #tpu.memory_space<vmem>>) semaphore(%run_scoped3A : memref<!tpu.dma_semaphore, #tpu.memory_space<semaphore_mem>>) {add = true}
        %dma_wait3A_106 = arith.constant 0 : i32
        %dma_wait3A_107 = tpu.memref_slice %arg7[%add3A_98, %dma_wait3A_106] : memref<40x128xi32, #tpu.memory_space<vmem>> -> memref<1x128xi32, #tpu.memory_space<vmem>>
        %dma_wait3A_108 = tpu.memref_squeeze %dma_wait3A_107 : memref<1x128xi32, #tpu.memory_space<vmem>> -> memref<128xi32, #tpu.memory_space<vmem>>
        %dma_wait3A_109 = arith.constant 0 : i32
        %dma_wait3A_110 = arith.constant 0 : i32
        %dma_wait3A_111 = tpu.memref_slice %arg10[%dma_wait3A_109, %dma_wait3A_110] : memref<10240x128xf32, #tpu.memory_space<vmem_shared>> -> memref<10240x128xf32, #tpu.memory_space<vmem_shared>>
        tpu.wait_indirect_dma semaphore(%run_scoped3A : memref<!tpu.dma_semaphore, #tpu.memory_space<semaphore_mem>>) src(%arg9 : memref<128x128xf32, #tpu.memory_space<vmem>>) dst(%dma_wait3A_111 : memref<10240x128xf32, #tpu.memory_space<vmem_shared>>)
        tpu.yield
      }) : () -> ()
      %scan3A_99 = arith.constant 0 : i32
      scf.yield %scan3A_99 : i32
    }
    %scan3A_43 = arith.constant 20 : i32
    %mul3A_44 = arith.constant 80 : i32
    %mul3A_45 = arith.muli %add3A, %mul3A_44 : i32
    %add3A_46 = arith.constant 40 : i32
    %add3A_47 = arith.addi %mul3A_45, %add3A_46 : i32
    "tpu.region"() ({
      %run_scoped3A = tpu.sem_alloc : memref<!tpu.dma_semaphore, #tpu.memory_space<semaphore_mem>>
      %dma_start3A_69 = arith.constant 0 : i32
      %dma_start3A_70 = tpu.memref_slice %arg2[%add3A_47, %dma_start3A_69] : memref<2560x128xi32, #tpu.memory_space<hbm>> -> memref<40x128xi32, #tpu.memory_space<hbm>>
      %dma_start3A_71 = arith.constant 0 : i32
      %dma_start3A_72 = tpu.memref_slice %arg2[%add3A_47, %dma_start3A_71] : memref<2560x128xi32, #tpu.memory_space<hbm>> -> memref<40x128xi32, #tpu.memory_space<hbm>>
      tpu.enqueue_dma source(%dma_start3A_72 : memref<40x128xi32, #tpu.memory_space<hbm>>) target(%arg6 : memref<40x128xi32, #tpu.memory_space<vmem>>) target_semaphore(%run_scoped3A : memref<!tpu.dma_semaphore, #tpu.memory_space<semaphore_mem>>)
      %dma_wait3A = arith.constant 0 : i32
      %dma_wait3A_73 = tpu.memref_slice %arg2[%add3A_47, %dma_wait3A] : memref<2560x128xi32, #tpu.memory_space<hbm>> -> memref<40x128xi32, #tpu.memory_space<hbm>>
      %dma_wait3A_74 = arith.constant 0 : i32
      %dma_wait3A_75 = tpu.memref_slice %arg2[%add3A_47, %dma_wait3A_74] : memref<2560x128xi32, #tpu.memory_space<hbm>> -> memref<40x128xi32, #tpu.memory_space<hbm>>
      tpu.wait_dma2 semaphore(%run_scoped3A : memref<!tpu.dma_semaphore, #tpu.memory_space<semaphore_mem>>) src(%dma_wait3A_75 : memref<40x128xi32, #tpu.memory_space<hbm>>) dst(%arg6 : memref<40x128xi32, #tpu.memory_space<vmem>>)
      tpu.yield
    }) : () -> ()
    "tpu.region"() ({
      %run_scoped3A = tpu.sem_alloc : memref<!tpu.dma_semaphore, #tpu.memory_space<semaphore_mem>>
      %dma_start3A_69 = arith.constant 0 : i32
      %dma_start3A_70 = tpu.memref_slice %arg3[%add3A_47, %dma_start3A_69] : memref<2560x128xi32, #tpu.memory_space<hbm>> -> memref<40x128xi32, #tpu.memory_space<hbm>>
      %dma_start3A_71 = arith.constant 0 : i32
      %dma_start3A_72 = tpu.memref_slice %arg3[%add3A_47, %dma_start3A_71] : memref<2560x128xi32, #tpu.memory_space<hbm>> -> memref<40x128xi32, #tpu.memory_space<hbm>>
      tpu.enqueue_dma source(%dma_start3A_72 : memref<40x128xi32, #tpu.memory_space<hbm>>) target(%arg7 : memref<40x128xi32, #tpu.memory_space<vmem>>) target_semaphore(%run_scoped3A : memref<!tpu.dma_semaphore, #tpu.memory_space<semaphore_mem>>)
      %dma_wait3A = arith.constant 0 : i32
      %dma_wait3A_73 = tpu.memref_slice %arg3[%add3A_47, %dma_wait3A] : memref<2560x128xi32, #tpu.memory_space<hbm>> -> memref<40x128xi32, #tpu.memory_space<hbm>>
      %dma_wait3A_74 = arith.constant 0 : i32
      %dma_wait3A_75 = tpu.memref_slice %arg3[%add3A_47, %dma_wait3A_74] : memref<2560x128xi32, #tpu.memory_space<hbm>> -> memref<40x128xi32, #tpu.memory_space<hbm>>
      tpu.wait_dma2 semaphore(%run_scoped3A : memref<!tpu.dma_semaphore, #tpu.memory_space<semaphore_mem>>) src(%dma_wait3A_75 : memref<40x128xi32, #tpu.memory_space<hbm>>) dst(%arg7 : memref<40x128xi32, #tpu.memory_space<vmem>>)
      tpu.yield
    }) : () -> ()
    %dma_start3A_48 = arith.constant 0 : i32
    %dma_start3A_49 = arith.constant 0 : i32
    %dma_start3A_50 = tpu.memref_slice %arg6[%dma_start3A_48, %dma_start3A_49] : memref<40x128xi32, #tpu.memory_space<vmem>> -> memref<1x128xi32, #tpu.memory_space<vmem>>
    %dma_start3A_51 = tpu.memref_squeeze %dma_start3A_50 : memref<1x128xi32, #tpu.memory_space<vmem>> -> memref<128xi32, #tpu.memory_space<vmem>>
    %dma_start3A_52 = arith.constant 0 : i32
    %dma_start3A_53 = arith.constant 0 : i32
    %dma_start3A_54 = tpu.memref_slice %arg4[%dma_start3A_52, %dma_start3A_53] : memref<10000x128xf32, #tpu.memory_space<hbm>> -> memref<10000x128xf32, #tpu.memory_space<hbm>>
    tpu.enqueue_indirect_dma source(%dma_start3A_54 : memref<10000x128xf32, #tpu.memory_space<hbm>>) target(%arg8 : memref<128x128xf32, #tpu.memory_space<vmem>>) offsets(%dma_start3A_51 : memref<128xi32, #tpu.memory_space<vmem>>) semaphore(%arg11 : memref<!tpu.dma_semaphore, #tpu.memory_space<semaphore_mem>>)
    %scan3A_55 = arith.constant 0 : i32
    %scan3A_56 = arith.constant 0 : i32
    %scan3A_57 = arith.constant 20 : i32
    %scan3A_58 = arith.addi %scan3A_56, %scan3A_57 : i32
    %scan3A_59 = arith.constant 1 : i32
    %scan3A_60 = scf.for %scan3A_69 = %scan3A_56 to %scan3A_58 step %scan3A_59 iter_args(%scan3A_70 = %scan3A_55) -> (i32)  : i32 {
      %mul3A_71 = arith.constant 2 : i32
      %mul3A_72 = arith.muli %mul3A_71, %scan3A_69 : i32
      %add3A_73 = arith.constant 1 : i32
      %add3A_74 = arith.addi %mul3A_72, %add3A_73 : i32
      %dma_start3A_75 = arith.constant 0 : i32
      %dma_start3A_76 = tpu.memref_slice %arg6[%add3A_74, %dma_start3A_75] : memref<40x128xi32, #tpu.memory_space<vmem>> -> memref<1x128xi32, #tpu.memory_space<vmem>>
      %dma_start3A_77 = tpu.memref_squeeze %dma_start3A_76 : memref<1x128xi32, #tpu.memory_space<vmem>> -> memref<128xi32, #tpu.memory_space<vmem>>
      %dma_start3A_78 = arith.constant 0 : i32
      %dma_start3A_79 = arith.constant 0 : i32
      %dma_start3A_80 = tpu.memref_slice %arg4[%dma_start3A_78, %dma_start3A_79] : memref<10000x128xf32, #tpu.memory_space<hbm>> -> memref<10000x128xf32, #tpu.memory_space<hbm>>
      tpu.enqueue_indirect_dma source(%dma_start3A_80 : memref<10000x128xf32, #tpu.memory_space<hbm>>) target(%arg9 : memref<128x128xf32, #tpu.memory_space<vmem>>) offsets(%dma_start3A_77 : memref<128xi32, #tpu.memory_space<vmem>>) semaphore(%arg12 : memref<!tpu.dma_semaphore, #tpu.memory_space<semaphore_mem>>)
      %dma_wait3A = arith.constant 0 : i32
      %dma_wait3A_81 = tpu.memref_slice %arg6[%mul3A_72, %dma_wait3A] : memref<40x128xi32, #tpu.memory_space<vmem>> -> memref<1x128xi32, #tpu.memory_space<vmem>>
      %dma_wait3A_82 = tpu.memref_squeeze %dma_wait3A_81 : memref<1x128xi32, #tpu.memory_space<vmem>> -> memref<128xi32, #tpu.memory_space<vmem>>
      %dma_wait3A_83 = arith.constant 0 : i32
      %dma_wait3A_84 = arith.constant 0 : i32
      %dma_wait3A_85 = tpu.memref_slice %arg4[%dma_wait3A_83, %dma_wait3A_84] : memref<10000x128xf32, #tpu.memory_space<hbm>> -> memref<10000x128xf32, #tpu.memory_space<hbm>>
      tpu.wait_indirect_dma semaphore(%arg11 : memref<!tpu.dma_semaphore, #tpu.memory_space<semaphore_mem>>) src(%dma_wait3A_85 : memref<10000x128xf32, #tpu.memory_space<hbm>>) dst(%arg8 : memref<128x128xf32, #tpu.memory_space<vmem>>)
      "tpu.region"() ({
        %run_scoped3A = tpu.sem_alloc : memref<!tpu.dma_semaphore, #tpu.memory_space<semaphore_mem>>
        %dma_start3A_100 = arith.constant 0 : i32
        %dma_start3A_101 = tpu.memref_slice %arg7[%mul3A_72, %dma_start3A_100] : memref<40x128xi32, #tpu.memory_space<vmem>> -> memref<1x128xi32, #tpu.memory_space<vmem>>
        %dma_start3A_102 = tpu.memref_squeeze %dma_start3A_101 : memref<1x128xi32, #tpu.memory_space<vmem>> -> memref<128xi32, #tpu.memory_space<vmem>>
        %dma_start3A_103 = arith.constant 0 : i32
        %dma_start3A_104 = arith.constant 0 : i32
        %dma_start3A_105 = tpu.memref_slice %arg10[%dma_start3A_103, %dma_start3A_104] : memref<10240x128xf32, #tpu.memory_space<vmem_shared>> -> memref<10240x128xf32, #tpu.memory_space<vmem_shared>>
        tpu.enqueue_indirect_dma source(%arg8 : memref<128x128xf32, #tpu.memory_space<vmem>>) target(%dma_start3A_105 : memref<10240x128xf32, #tpu.memory_space<vmem_shared>>) offsets(%dma_start3A_102 : memref<128xi32, #tpu.memory_space<vmem>>) semaphore(%run_scoped3A : memref<!tpu.dma_semaphore, #tpu.memory_space<semaphore_mem>>) {add = true}
        %dma_wait3A_106 = arith.constant 0 : i32
        %dma_wait3A_107 = tpu.memref_slice %arg7[%mul3A_72, %dma_wait3A_106] : memref<40x128xi32, #tpu.memory_space<vmem>> -> memref<1x128xi32, #tpu.memory_space<vmem>>
        %dma_wait3A_108 = tpu.memref_squeeze %dma_wait3A_107 : memref<1x128xi32, #tpu.memory_space<vmem>> -> memref<128xi32, #tpu.memory_space<vmem>>
        %dma_wait3A_109 = arith.constant 0 : i32
        %dma_wait3A_110 = arith.constant 0 : i32
        %dma_wait3A_111 = tpu.memref_slice %arg10[%dma_wait3A_109, %dma_wait3A_110] : memref<10240x128xf32, #tpu.memory_space<vmem_shared>> -> memref<10240x128xf32, #tpu.memory_space<vmem_shared>>
        tpu.wait_indirect_dma semaphore(%run_scoped3A : memref<!tpu.dma_semaphore, #tpu.memory_space<semaphore_mem>>) src(%arg8 : memref<128x128xf32, #tpu.memory_space<vmem>>) dst(%dma_wait3A_111 : memref<10240x128xf32, #tpu.memory_space<vmem_shared>>)
        tpu.yield
      }) : () -> ()
      %lt3A_86 = arith.constant 19 : i32
      %lt3A_87 = arith.cmpi slt, %scan3A_69, %lt3A_86 : i32
      %convert_element_type3A_88 = arith.extui %lt3A_87 : i1 to i32
      %cond3A_89 = arith.constant 0 : i32
      %cond3A_90 = arith.cmpi ne, %convert_element_type3A_88, %cond3A_89 : i32
      scf.if %cond3A_90 {
        %add3A_100 = arith.constant 2 : i32
        %add3A_101 = arith.addi %mul3A_72, %add3A_100 : i32
        %dma_start3A_102 = arith.constant 0 : i32
        %dma_start3A_103 = tpu.memref_slice %arg6[%add3A_101, %dma_start3A_102] : memref<40x128xi32, #tpu.memory_space<vmem>> -> memref<1x128xi32, #tpu.memory_space<vmem>>
        %dma_start3A_104 = tpu.memref_squeeze %dma_start3A_103 : memref<1x128xi32, #tpu.memory_space<vmem>> -> memref<128xi32, #tpu.memory_space<vmem>>
        %dma_start3A_105 = arith.constant 0 : i32
        %dma_start3A_106 = arith.constant 0 : i32
        %dma_start3A_107 = tpu.memref_slice %arg4[%dma_start3A_105, %dma_start3A_106] : memref<10000x128xf32, #tpu.memory_space<hbm>> -> memref<10000x128xf32, #tpu.memory_space<hbm>>
        tpu.enqueue_indirect_dma source(%dma_start3A_107 : memref<10000x128xf32, #tpu.memory_space<hbm>>) target(%arg8 : memref<128x128xf32, #tpu.memory_space<vmem>>) offsets(%dma_start3A_104 : memref<128xi32, #tpu.memory_space<vmem>>) semaphore(%arg11 : memref<!tpu.dma_semaphore, #tpu.memory_space<semaphore_mem>>)
      } else {
      }
      %dma_wait3A_91 = arith.constant 0 : i32
      %dma_wait3A_92 = tpu.memref_slice %arg6[%add3A_74, %dma_wait3A_91] : memref<40x128xi32, #tpu.memory_space<vmem>> -> memref<1x128xi32, #tpu.memory_space<vmem>>
      %dma_wait3A_93 = tpu.memref_squeeze %dma_wait3A_92 : memref<1x128xi32, #tpu.memory_space<vmem>> -> memref<128xi32, #tpu.memory_space<vmem>>
      %dma_wait3A_94 = arith.constant 0 : i32
      %dma_wait3A_95 = arith.constant 0 : i32
      %dma_wait3A_96 = tpu.memref_slice %arg4[%dma_wait3A_94, %dma_wait3A_95] : memref<10000x128xf32, #tpu.memory_space<hbm>> -> memref<10000x128xf32, #tpu.memory_space<hbm>>
      tpu.wait_indirect_dma semaphore(%arg12 : memref<!tpu.dma_semaphore, #tpu.memory_space<semaphore_mem>>) src(%dma_wait3A_96 : memref<10000x128xf32, #tpu.memory_space<hbm>>) dst(%arg9 : memref<128x128xf32, #tpu.memory_space<vmem>>)
      %add3A_97 = arith.constant 1 : i32
      %add3A_98 = arith.addi %mul3A_72, %add3A_97 : i32
      "tpu.region"() ({
        %run_scoped3A = tpu.sem_alloc : memref<!tpu.dma_semaphore, #tpu.memory_space<semaphore_mem>>
        %dma_start3A_100 = arith.constant 0 : i32
        %dma_start3A_101 = tpu.memref_slice %arg7[%add3A_98, %dma_start3A_100] : memref<40x128xi32, #tpu.memory_space<vmem>> -> memref<1x128xi32, #tpu.memory_space<vmem>>
        %dma_start3A_102 = tpu.memref_squeeze %dma_start3A_101 : memref<1x128xi32, #tpu.memory_space<vmem>> -> memref<128xi32, #tpu.memory_space<vmem>>
        %dma_start3A_103 = arith.constant 0 : i32
        %dma_start3A_104 = arith.constant 0 : i32
        %dma_start3A_105 = tpu.memref_slice %arg10[%dma_start3A_103, %dma_start3A_104] : memref<10240x128xf32, #tpu.memory_space<vmem_shared>> -> memref<10240x128xf32, #tpu.memory_space<vmem_shared>>
        tpu.enqueue_indirect_dma source(%arg9 : memref<128x128xf32, #tpu.memory_space<vmem>>) target(%dma_start3A_105 : memref<10240x128xf32, #tpu.memory_space<vmem_shared>>) offsets(%dma_start3A_102 : memref<128xi32, #tpu.memory_space<vmem>>) semaphore(%run_scoped3A : memref<!tpu.dma_semaphore, #tpu.memory_space<semaphore_mem>>) {add = true}
        %dma_wait3A_106 = arith.constant 0 : i32
        %dma_wait3A_107 = tpu.memref_slice %arg7[%add3A_98, %dma_wait3A_106] : memref<40x128xi32, #tpu.memory_space<vmem>> -> memref<1x128xi32, #tpu.memory_space<vmem>>
        %dma_wait3A_108 = tpu.memref_squeeze %dma_wait3A_107 : memref<1x128xi32, #tpu.memory_space<vmem>> -> memref<128xi32, #tpu.memory_space<vmem>>
        %dma_wait3A_109 = arith.constant 0 : i32
        %dma_wait3A_110 = arith.constant 0 : i32
        %dma_wait3A_111 = tpu.memref_slice %arg10[%dma_wait3A_109, %dma_wait3A_110] : memref<10240x128xf32, #tpu.memory_space<vmem_shared>> -> memref<10240x128xf32, #tpu.memory_space<vmem_shared>>
        tpu.wait_indirect_dma semaphore(%run_scoped3A : memref<!tpu.dma_semaphore, #tpu.memory_space<semaphore_mem>>) src(%arg9 : memref<128x128xf32, #tpu.memory_space<vmem>>) dst(%dma_wait3A_111 : memref<10240x128xf32, #tpu.memory_space<vmem_shared>>)
        tpu.yield
      }) : () -> ()
      %scan3A_99 = arith.constant 0 : i32
      scf.yield %scan3A_99 : i32
    }
    %scan3A_61 = arith.constant 20 : i32
    %barrier3A_62 = arith.constant 0 : index
    tpu.barrier barrier_id(%barrier3A_62)
    %lt3A = arith.constant 15 : i32
    %lt3A_63 = arith.cmpi slt, %arg1, %lt3A : i32
    %convert_element_type3A = arith.extui %lt3A_63 : i1 to i32
    %cond3A = arith.constant 0 : i32
    %cond3A_64 = arith.cmpi ne, %convert_element_type3A, %cond3A : i32
    scf.if %cond3A_64 {
      %mul3A_69 = arith.constant 632 : i32
      %mul3A_70 = arith.muli %arg1, %mul3A_69 : i32
      %mul3A_71 = arith.constant 632 : i32
      %mul3A_72 = arith.muli %arg1, %mul3A_71 : i32
      "tpu.region"() ({
        %run_scoped3A = tpu.sem_alloc : memref<!tpu.dma_semaphore, #tpu.memory_space<semaphore_mem>>
        %dma_start3A_73 = arith.constant 0 : i32
        %dma_start3A_74 = tpu.memref_slice %arg5[%arg0, %mul3A_72, %dma_start3A_73] : memref<2x10000x128xf32, #tpu.memory_space<hbm>> -> memref<1x632x128xf32, #tpu.memory_space<hbm>>
        %dma_start3A_75 = tpu.memref_squeeze %dma_start3A_74 : memref<1x632x128xf32, #tpu.memory_space<hbm>> -> memref<632x128xf32, #tpu.memory_space<hbm>>
        %dma_start3A_76 = arith.constant 0 : i32
        %dma_start3A_77 = tpu.memref_slice %arg10[%mul3A_70, %dma_start3A_76] : memref<10240x128xf32, #tpu.memory_space<vmem_shared>> -> memref<632x128xf32, #tpu.memory_space<vmem_shared>>
        tpu.enqueue_dma source(%dma_start3A_77 : memref<632x128xf32, #tpu.memory_space<vmem_shared>>) target(%dma_start3A_75 : memref<632x128xf32, #tpu.memory_space<hbm>>) target_semaphore(%run_scoped3A : memref<!tpu.dma_semaphore, #tpu.memory_space<semaphore_mem>>)
        %dma_wait3A = arith.constant 0 : i32
        %dma_wait3A_78 = tpu.memref_slice %arg5[%arg0, %mul3A_72, %dma_wait3A] : memref<2x10000x128xf32, #tpu.memory_space<hbm>> -> memref<1x632x128xf32, #tpu.memory_space<hbm>>
        %dma_wait3A_79 = tpu.memref_squeeze %dma_wait3A_78 : memref<1x632x128xf32, #tpu.memory_space<hbm>> -> memref<632x128xf32, #tpu.memory_space<hbm>>
        %dma_wait3A_80 = arith.constant 0 : i32
        %dma_wait3A_81 = tpu.memref_slice %arg10[%mul3A_70, %dma_wait3A_80] : memref<10240x128xf32, #tpu.memory_space<vmem_shared>> -> memref<632x128xf32, #tpu.memory_space<vmem_shared>>
        tpu.wait_dma2 semaphore(%run_scoped3A : memref<!tpu.dma_semaphore, #tpu.memory_space<semaphore_mem>>) src(%dma_wait3A_81 : memref<632x128xf32, #tpu.memory_space<vmem_shared>>) dst(%dma_wait3A_79 : memref<632x128xf32, #tpu.memory_space<hbm>>)
        tpu.yield
      }) : () -> ()
    } else {
    }
    %eq3A = arith.constant 15 : i32
    %eq3A_65 = arith.cmpi eq, %arg1, %eq3A : i32
    %convert_element_type3A_66 = arith.extui %eq3A_65 : i1 to i32
    %cond3A_67 = arith.constant 0 : i32
    %cond3A_68 = arith.cmpi ne, %convert_element_type3A_66, %cond3A_67 : i32
    scf.if %cond3A_68 {
      %mul3A_69 = arith.constant 632 : i32
      %mul3A_70 = arith.muli %arg1, %mul3A_69 : i32
      %mul3A_71 = arith.constant 632 : i32
      %mul3A_72 = arith.muli %arg1, %mul3A_71 : i32
      "tpu.region"() ({
        %run_scoped3A = tpu.sem_alloc : memref<!tpu.dma_semaphore, #tpu.memory_space<semaphore_mem>>
        %dma_start3A_73 = arith.constant 0 : i32
        %dma_start3A_74 = tpu.memref_slice %arg5[%arg0, %mul3A_72, %dma_start3A_73] : memref<2x10000x128xf32, #tpu.memory_space<hbm>> -> memref<1x520x128xf32, #tpu.memory_space<hbm>>
        %dma_start3A_75 = tpu.memref_squeeze %dma_start3A_74 : memref<1x520x128xf32, #tpu.memory_space<hbm>> -> memref<520x128xf32, #tpu.memory_space<hbm>>
        %dma_start3A_76 = arith.constant 0 : i32
        %dma_start3A_77 = tpu.memref_slice %arg10[%mul3A_70, %dma_start3A_76] : memref<10240x128xf32, #tpu.memory_space<vmem_shared>> -> memref<520x128xf32, #tpu.memory_space<vmem_shared>>
        tpu.enqueue_dma source(%dma_start3A_77 : memref<520x128xf32, #tpu.memory_space<vmem_shared>>) target(%dma_start3A_75 : memref<520x128xf32, #tpu.memory_space<hbm>>) target_semaphore(%run_scoped3A : memref<!tpu.dma_semaphore, #tpu.memory_space<semaphore_mem>>)
        %dma_wait3A = arith.constant 0 : i32
        %dma_wait3A_78 = tpu.memref_slice %arg5[%arg0, %mul3A_72, %dma_wait3A] : memref<2x10000x128xf32, #tpu.memory_space<hbm>> -> memref<1x520x128xf32, #tpu.memory_space<hbm>>
        %dma_wait3A_79 = tpu.memref_squeeze %dma_wait3A_78 : memref<1x520x128xf32, #tpu.memory_space<hbm>> -> memref<520x128xf32, #tpu.memory_space<hbm>>
        %dma_wait3A_80 = arith.constant 0 : i32
        %dma_wait3A_81 = tpu.memref_slice %arg10[%mul3A_70, %dma_wait3A_80] : memref<10240x128xf32, #tpu.memory_space<vmem_shared>> -> memref<520x128xf32, #tpu.memory_space<vmem_shared>>
        tpu.wait_dma2 semaphore(%run_scoped3A : memref<!tpu.dma_semaphore, #tpu.memory_space<semaphore_mem>>) src(%dma_wait3A_81 : memref<520x128xf32, #tpu.memory_space<vmem_shared>>) dst(%dma_wait3A_79 : memref<520x128xf32, #tpu.memory_space<hbm>>)
        tpu.yield
      }) : () -> ()
    } else {
    }
    return
  }
}

module attributes {stable_mosaic.version = 14 : i64} {
  func.func @_tc1_body(%arg0: i32, %arg1: memref<1000x128xf32, #tpu.memory_space<vmem>>, %arg2: memref<128x128xf32, #tpu.memory_space<vmem>>, %arg3: memref<1000x1xf32, #tpu.memory_space<vmem>>, %arg4: memref<1000x128xf32, #tpu.memory_space<vmem>>) attributes {dimension_semantics = [#tpu.dimension_semantics<arbitrary>], iteration_bounds = array<i64: 10>, scalar_prefetch = 0 : i64, scratch_operands = 0 : i64, tpu.core_type = #tpu.core_type<tc>, window_params = [{transform_indices = @transform_0, window_bounds = array<i64: 1000, 128>}, {pipeline_mode = #tpu.pipeline_mode<synchronous>, transform_indices = @transform_1, window_bounds = array<i64: 128, 128>}, {transform_indices = @transform_2, window_bounds = array<i64: 1000, 1>}, {transform_indices = @transform_3, window_bounds = array<i64: 1000, 128>}]} {
    %get3A = arith.constant 0 : index
    %get3A_0 = arith.constant 0 : index
    %get3A_1 = vector.load %arg1[%get3A, %get3A_0] : memref<1000x128xf32, #tpu.memory_space<vmem>>, vector<1000x128xf32>
    %get3A_2 = arith.constant 0 : index
    %get3A_3 = arith.constant 0 : index
    %get3A_4 = vector.load %arg2[%get3A_2, %get3A_3] : memref<128x128xf32, #tpu.memory_space<vmem>>, vector<128x128xf32>
    %dot_general3A = arith.constant dense<0.000000e+00> : vector<1000x128xf32>
    %dot_general3A_5 = tpu.matmul %get3A_1, %get3A_4, %dot_general3A {dimension_numbers = #tpu.dot_dimension_numbers<[1], [0], [0], [1], [0, 0, 1, 1], [], []>, transpose_lhs_hint = false} : vector<1000x128xf32>, vector<128x128xf32>, vector<1000x128xf32> -> vector<1000x128xf32>
    %get3A_6 = arith.constant 0 : index
    %get3A_7 = arith.constant 0 : index
    %get3A_8 = vector.load %arg3[%get3A_6, %get3A_7] : memref<1000x1xf32, #tpu.memory_space<vmem>>, vector<1000x1xf32>
    %rsqrt3A = math.rsqrt %get3A_8 : vector<1000x1xf32>
    %mul3A = vector.broadcast %rsqrt3A : vector<1000x1xf32> to vector<1000x128xf32>
    %mul3A_9 = arith.mulf %dot_general3A_5, %mul3A : vector<1000x128xf32>
    %swap3A = arith.constant 0 : index
    %swap3A_10 = arith.constant 0 : index
    %swap3A_11 = vector.load %arg4[%swap3A, %swap3A_10] : memref<1000x128xf32, #tpu.memory_space<vmem>>, vector<1000x128xf32>
    tpu.vector_store %arg4[%swap3A, %swap3A_10], %mul3A_9 {strides = array<i32>} : memref<1000x128xf32, #tpu.memory_space<vmem>>, vector<1000x128xf32>,
    return
  }
  func.func @transform_0(%arg0: i32) -> (i32, i32) {
    %c0_i32 = arith.constant 0 : i32
    %c0_i32_0 = arith.constant 0 : i32
    return %arg0, %c0_i32 : i32, i32
  }
  func.func @transform_1(%arg0: i32) -> (i32, i32) {
    %c0_i32 = arith.constant 0 : i32
    %c0_i32_0 = arith.constant 0 : i32
    %c0_i32_1 = arith.constant 0 : i32
    return %c0_i32, %c0_i32_0 : i32, i32
  }
  func.func @transform_2(%arg0: i32) -> (i32, i32) {
    %c0_i32 = arith.constant 0 : i32
    %c0_i32_0 = arith.constant 0 : i32
    return %arg0, %c0_i32 : i32, i32
  }
  func.func @transform_3(%arg0: i32) -> (i32, i32) {
    %c0_i32 = arith.constant 0 : i32
    %c0_i32_0 = arith.constant 0 : i32
    return %arg0, %c0_i32 : i32, i32
  }
}

module attributes {stable_mosaic.version = 14 : i64} {
  func.func @_tc2_body(%arg0: i32, %arg1: memref<1000x128xf32, #tpu.memory_space<vmem>>, %arg2: memref<1000x128xf32, #tpu.memory_space<vmem>>, %arg3: memref<1000x128xf32, #tpu.memory_space<vmem>>, %arg4: memref<1000x1xf32, #tpu.memory_space<vmem>>, %arg5: memref<128xf32, #tpu.memory_space<vmem>>, %arg6: memref<128xf32, #tpu.memory_space<vmem>>, %arg7: memref<128xf32, #tpu.memory_space<vmem>>, %arg8: memref<1000x128xf32, #tpu.memory_space<vmem>>) attributes {dimension_semantics = [#tpu.dimension_semantics<arbitrary>], iteration_bounds = array<i64: 10>, scalar_prefetch = 0 : i64, scratch_operands = 0 : i64, tpu.core_type = #tpu.core_type<tc>, window_params = [{transform_indices = @transform_0, window_bounds = array<i64: 1000, 128>}, {transform_indices = @transform_1, window_bounds = array<i64: 1000, 128>}, {transform_indices = @transform_2, window_bounds = array<i64: 1000, 128>}, {transform_indices = @transform_3, window_bounds = array<i64: 1000, 1>}, {pipeline_mode = #tpu.pipeline_mode<synchronous>, transform_indices = @transform_4, window_bounds = array<i64: 128>}, {pipeline_mode = #tpu.pipeline_mode<synchronous>, transform_indices = @transform_5, window_bounds = array<i64: 128>}, {pipeline_mode = #tpu.pipeline_mode<synchronous>, transform_indices = @transform_6, window_bounds = array<i64: 128>}, {transform_indices = @transform_7, window_bounds = array<i64: 1000, 128>}]} {
    %get3A = arith.constant 0 : index
    %get3A_0 = arith.constant 0 : index
    %get3A_1 = vector.load %arg4[%get3A, %get3A_0] : memref<1000x1xf32, #tpu.memory_space<vmem>>, vector<1000x1xf32>
    %rsqrt3A = math.rsqrt %get3A_1 : vector<1000x1xf32>
    %get3A_2 = arith.constant 0 : index
    %get3A_3 = arith.constant 0 : index
    %get3A_4 = vector.load %arg1[%get3A_2, %get3A_3] : memref<1000x128xf32, #tpu.memory_space<vmem>>, vector<1000x128xf32>
    %get3A_5 = arith.constant 0 : index
    %get3A_6 = arith.constant 0 : index
    %get3A_7 = vector.load %arg2[%get3A_5, %get3A_6] : memref<1000x128xf32, #tpu.memory_space<vmem>>, vector<1000x128xf32>
    %add3A = arith.addf %get3A_4, %get3A_7 : vector<1000x128xf32>
    %get3A_8 = arith.constant 0 : index
    %get3A_9 = arith.constant 0 : index
    %get3A_10 = vector.load %arg3[%get3A_8, %get3A_9] : memref<1000x128xf32, #tpu.memory_space<vmem>>, vector<1000x128xf32>
    %add3A_11 = arith.addf %add3A, %get3A_10 : vector<1000x128xf32>
    %mul3A = vector.broadcast %rsqrt3A : vector<1000x1xf32> to vector<1000x128xf32>
    %mul3A_12 = arith.mulf %add3A_11, %mul3A : vector<1000x128xf32>
    %get3A_13 = arith.constant 0 : index
    %get3A_14 = vector.load %arg5[%get3A_13] : memref<128xf32, #tpu.memory_space<vmem>>, vector<128xf32>
    %broadcast_in_dim3A = vector.shape_cast %get3A_14 : vector<128xf32> to vector<1x128xf32>
    %add3A_15 = vector.broadcast %broadcast_in_dim3A : vector<1x128xf32> to vector<1000x128xf32>
    %add3A_16 = arith.addf %mul3A_12, %add3A_15 : vector<1000x128xf32>
    %max3A = arith.constant 0.000000e+00 : f32
    %max3A_17 = vector.broadcast %max3A : f32 to vector<1000x128xf32>
    %max3A_18 = arith.maximumf %add3A_16, %max3A_17 : vector<1000x128xf32>
    %reduce_sum3A = arith.constant dense<0.000000e+00> : vector<1000xf32>
    %reduce_sum3A_19 = vector.multi_reduction <add>, %max3A_18, %reduce_sum3A [1] : vector<1000x128xf32> to vector<1000xf32>
    %broadcast_in_dim3A_20 = vector.shape_cast %reduce_sum3A_19 : vector<1000xf32> to vector<1000x1xf32>
    %div3A = arith.constant 1.280000e+02 : f32
    %div3A_21 = vector.broadcast %div3A : f32 to vector<1000x1xf32>
    %div3A_22 = arith.divf %broadcast_in_dim3A_20, %div3A_21 : vector<1000x1xf32>
    %sub3A = vector.broadcast %div3A_22 : vector<1000x1xf32> to vector<1000x128xf32>
    %sub3A_23 = arith.subf %max3A_18, %sub3A : vector<1000x128xf32>
    %sub3A_24 = vector.broadcast %div3A_22 : vector<1000x1xf32> to vector<1000x128xf32>
    %sub3A_25 = arith.subf %max3A_18, %sub3A_24 : vector<1000x128xf32>
    %mul3A_26 = arith.mulf %sub3A_23, %sub3A_25 : vector<1000x128xf32>
    %reduce_sum3A_27 = arith.constant dense<0.000000e+00> : vector<1000xf32>
    %reduce_sum3A_28 = vector.multi_reduction <add>, %mul3A_26, %reduce_sum3A_27 [1] : vector<1000x128xf32> to vector<1000xf32>
    %broadcast_in_dim3A_29 = vector.shape_cast %reduce_sum3A_28 : vector<1000xf32> to vector<1000x1xf32>
    %div3A_30 = arith.constant 1.280000e+02 : f32
    %div3A_31 = vector.broadcast %div3A_30 : f32 to vector<1000x1xf32>
    %div3A_32 = arith.divf %broadcast_in_dim3A_29, %div3A_31 : vector<1000x1xf32>
    %sub3A_33 = vector.broadcast %div3A_22 : vector<1000x1xf32> to vector<1000x128xf32>
    %sub3A_34 = arith.subf %max3A_18, %sub3A_33 : vector<1000x128xf32>
    %add3A_35 = arith.constant 9.99999974E-6 : f32
    %add3A_36 = vector.broadcast %add3A_35 : f32 to vector<1000x1xf32>
    %add3A_37 = arith.addf %div3A_32, %add3A_36 : vector<1000x1xf32>
    %rsqrt3A_38 = math.rsqrt %add3A_37 : vector<1000x1xf32>
    %mul3A_39 = vector.broadcast %rsqrt3A_38 : vector<1000x1xf32> to vector<1000x128xf32>
    %mul3A_40 = arith.mulf %sub3A_34, %mul3A_39 : vector<1000x128xf32>
    %get3A_41 = arith.constant 0 : index
    %get3A_42 = vector.load %arg6[%get3A_41] : memref<128xf32, #tpu.memory_space<vmem>>, vector<128xf32>
    %broadcast_in_dim3A_43 = vector.shape_cast %get3A_42 : vector<128xf32> to vector<1x128xf32>
    %mul3A_44 = vector.broadcast %broadcast_in_dim3A_43 : vector<1x128xf32> to vector<1000x128xf32>
    %mul3A_45 = arith.mulf %mul3A_40, %mul3A_44 : vector<1000x128xf32>
    %get3A_46 = arith.constant 0 : index
    %get3A_47 = vector.load %arg7[%get3A_46] : memref<128xf32, #tpu.memory_space<vmem>>, vector<128xf32>
    %broadcast_in_dim3A_48 = vector.shape_cast %get3A_47 : vector<128xf32> to vector<1x128xf32>
    %add3A_49 = vector.broadcast %broadcast_in_dim3A_48 : vector<1x128xf32> to vector<1000x128xf32>
    %add3A_50 = arith.addf %mul3A_45, %add3A_49 : vector<1000x128xf32>
    %mul3A_51 = vector.broadcast %rsqrt3A : vector<1000x1xf32> to vector<1000x128xf32>
    %mul3A_52 = arith.mulf %add3A_50, %mul3A_51 : vector<1000x128xf32>
    %swap3A = arith.constant 0 : index
    %swap3A_53 = arith.constant 0 : index
    %swap3A_54 = vector.load %arg8[%swap3A, %swap3A_53] : memref<1000x128xf32, #tpu.memory_space<vmem>>, vector<1000x128xf32>
    tpu.vector_store %arg8[%swap3A, %swap3A_53], %mul3A_52 {strides = array<i32>} : memref<1000x128xf32, #tpu.memory_space<vmem>>, vector<1000x128xf32>,
    return
  }
  func.func @transform_0(%arg0: i32) -> (i32, i32) {
    %c0_i32 = arith.constant 0 : i32
    %c0_i32_0 = arith.constant 0 : i32
    return %arg0, %c0_i32 : i32, i32
  }
  func.func @transform_1(%arg0: i32) -> (i32, i32) {
    %c0_i32 = arith.constant 0 : i32
    %c0_i32_0 = arith.constant 0 : i32
    return %arg0, %c0_i32 : i32, i32
  }
  func.func @transform_2(%arg0: i32) -> (i32, i32) {
    %c0_i32 = arith.constant 0 : i32
    %c0_i32_0 = arith.constant 0 : i32
    return %arg0, %c0_i32 : i32, i32
  }
  func.func @transform_3(%arg0: i32) -> (i32, i32) {
    %c0_i32 = arith.constant 0 : i32
    %c0_i32_0 = arith.constant 0 : i32
    return %arg0, %c0_i32 : i32, i32
  }
  func.func @transform_4(%arg0: i32) -> i32 {
    %c0_i32 = arith.constant 0 : i32
    %c0_i32_0 = arith.constant 0 : i32
    return %c0_i32 : i32
  }
  func.func @transform_5(%arg0: i32) -> i32 {
    %c0_i32 = arith.constant 0 : i32
    %c0_i32_0 = arith.constant 0 : i32
    return %c0_i32 : i32
  }
  func.func @transform_6(%arg0: i32) -> i32 {
    %c0_i32 = arith.constant 0 : i32
    %c0_i32_0 = arith.constant 0 : i32
    return %c0_i32 : i32
  }
  func.func @transform_7(%arg0: i32) -> (i32, i32) {
    %c0_i32 = arith.constant 0 : i32
    %c0_i32_0 = arith.constant 0 : i32
    return %arg0, %c0_i32 : i32, i32
  }
}

module attributes {stable_mosaic.version = 14 : i64} {
  func.func @_tc3_body(%arg0: i32, %arg1: memref<1000x128xf32, #tpu.memory_space<vmem>>, %arg2: memref<1000x128xf32, #tpu.memory_space<vmem>>, %arg3: memref<1000x128xf32, #tpu.memory_space<vmem>>, %arg4: memref<1000x1xf32, #tpu.memory_space<vmem>>, %arg5: memref<128x64xf32, #tpu.memory_space<vmem>>, %arg6: memref<128x64xf32, #tpu.memory_space<vmem>>, %arg7: memref<64xf32, #tpu.memory_space<vmem>>, %arg8: memref<64xf32, #tpu.memory_space<vmem>>, %arg9: memref<1000x64xf32, #tpu.memory_space<vmem>>, %arg10: memref<1000x64xf32, #tpu.memory_space<vmem>>) attributes {dimension_semantics = [#tpu.dimension_semantics<arbitrary>], iteration_bounds = array<i64: 10>, scalar_prefetch = 0 : i64, scratch_operands = 0 : i64, tpu.core_type = #tpu.core_type<tc>, window_params = [{transform_indices = @transform_0, window_bounds = array<i64: 1000, 128>}, {transform_indices = @transform_1, window_bounds = array<i64: 1000, 128>}, {transform_indices = @transform_2, window_bounds = array<i64: 1000, 128>}, {transform_indices = @transform_3, window_bounds = array<i64: 1000, 1>}, {pipeline_mode = #tpu.pipeline_mode<synchronous>, transform_indices = @transform_4, window_bounds = array<i64: 128, 64>}, {pipeline_mode = #tpu.pipeline_mode<synchronous>, transform_indices = @transform_5, window_bounds = array<i64: 128, 64>}, {pipeline_mode = #tpu.pipeline_mode<synchronous>, transform_indices = @transform_6, window_bounds = array<i64: 64>}, {pipeline_mode = #tpu.pipeline_mode<synchronous>, transform_indices = @transform_7, window_bounds = array<i64: 64>}, {transform_indices = @transform_8, window_bounds = array<i64: 1000, 64>}, {transform_indices = @transform_9, window_bounds = array<i64: 1000, 64>}]} {
    %get3A = arith.constant 0 : index
    %get3A_0 = arith.constant 0 : index
    %get3A_1 = vector.load %arg1[%get3A, %get3A_0] : memref<1000x128xf32, #tpu.memory_space<vmem>>, vector<1000x128xf32>
    %get3A_2 = arith.constant 0 : index
    %get3A_3 = arith.constant 0 : index
    %get3A_4 = vector.load %arg2[%get3A_2, %get3A_3] : memref<1000x128xf32, #tpu.memory_space<vmem>>, vector<1000x128xf32>
    %add3A = arith.addf %get3A_1, %get3A_4 : vector<1000x128xf32>
    %get3A_5 = arith.constant 0 : index
    %get3A_6 = arith.constant 0 : index
    %get3A_7 = vector.load %arg3[%get3A_5, %get3A_6] : memref<1000x128xf32, #tpu.memory_space<vmem>>, vector<1000x128xf32>
    %add3A_8 = arith.addf %add3A, %get3A_7 : vector<1000x128xf32>
    %get3A_9 = arith.constant 0 : index
    %get3A_10 = arith.constant 0 : index
    %get3A_11 = vector.load %arg4[%get3A_9, %get3A_10] : memref<1000x1xf32, #tpu.memory_space<vmem>>, vector<1000x1xf32>
    %rsqrt3A = math.rsqrt %get3A_11 : vector<1000x1xf32>
    %mul3A = vector.broadcast %rsqrt3A : vector<1000x1xf32> to vector<1000x128xf32>
    %mul3A_12 = arith.mulf %add3A_8, %mul3A : vector<1000x128xf32>
    %get3A_13 = arith.constant 0 : index
    %get3A_14 = arith.constant 0 : index
    %get3A_15 = vector.load %arg5[%get3A_13, %get3A_14] : memref<128x64xf32, #tpu.memory_space<vmem>>, vector<128x64xf32>
    %dot_general3A = arith.constant dense<0.000000e+00> : vector<1000x64xf32>
    %dot_general3A_16 = tpu.matmul %mul3A_12, %get3A_15, %dot_general3A {dimension_numbers = #tpu.dot_dimension_numbers<[1], [0], [0], [1], [0, 0, 1, 1], [], []>, transpose_lhs_hint = false} : vector<1000x128xf32>, vector<128x64xf32>, vector<1000x64xf32> -> vector<1000x64xf32>
    %get3A_17 = arith.constant 0 : index
    %get3A_18 = vector.load %arg7[%get3A_17] : memref<64xf32, #tpu.memory_space<vmem>>, vector<64xf32>
    %broadcast_in_dim3A = vector.shape_cast %get3A_18 : vector<64xf32> to vector<1x64xf32>
    %add3A_19 = vector.broadcast %broadcast_in_dim3A : vector<1x64xf32> to vector<1000x64xf32>
    %add3A_20 = arith.addf %dot_general3A_16, %add3A_19 : vector<1000x64xf32>
    %swap3A = arith.constant 0 : index
    %swap3A_21 = arith.constant 0 : index
    %swap3A_22 = vector.load %arg9[%swap3A, %swap3A_21] : memref<1000x64xf32, #tpu.memory_space<vmem>>, vector<1000x64xf32>
    tpu.vector_store %arg9[%swap3A, %swap3A_21], %add3A_20 {strides = array<i32>} : memref<1000x64xf32, #tpu.memory_space<vmem>>, vector<1000x64xf32>,
    %get3A_23 = arith.constant 0 : index
    %get3A_24 = arith.constant 0 : index
    %get3A_25 = vector.load %arg6[%get3A_23, %get3A_24] : memref<128x64xf32, #tpu.memory_space<vmem>>, vector<128x64xf32>
    %dot_general3A_26 = arith.constant dense<0.000000e+00> : vector<1000x64xf32>
    %dot_general3A_27 = tpu.matmul %mul3A_12, %get3A_25, %dot_general3A_26 {dimension_numbers = #tpu.dot_dimension_numbers<[1], [0], [0], [1], [0, 0, 1, 1], [], []>, transpose_lhs_hint = false} : vector<1000x128xf32>, vector<128x64xf32>, vector<1000x64xf32> -> vector<1000x64xf32>
    %get3A_28 = arith.constant 0 : index
    %get3A_29 = vector.load %arg8[%get3A_28] : memref<64xf32, #tpu.memory_space<vmem>>, vector<64xf32>
    %broadcast_in_dim3A_30 = vector.shape_cast %get3A_29 : vector<64xf32> to vector<1x64xf32>
    %add3A_31 = vector.broadcast %broadcast_in_dim3A_30 : vector<1x64xf32> to vector<1000x64xf32>
    %add3A_32 = arith.addf %dot_general3A_27, %add3A_31 : vector<1000x64xf32>
    %swap3A_33 = arith.constant 0 : index
    %swap3A_34 = arith.constant 0 : index
    %swap3A_35 = vector.load %arg10[%swap3A_33, %swap3A_34] : memref<1000x64xf32, #tpu.memory_space<vmem>>, vector<1000x64xf32>
    tpu.vector_store %arg10[%swap3A_33, %swap3A_34], %add3A_32 {strides = array<i32>} : memref<1000x64xf32, #tpu.memory_space<vmem>>, vector<1000x64xf32>,
    return
  }
  func.func @transform_0(%arg0: i32) -> (i32, i32) {
    %c0_i32 = arith.constant 0 : i32
    %c0_i32_0 = arith.constant 0 : i32
    return %arg0, %c0_i32 : i32, i32
  }
  func.func @transform_1(%arg0: i32) -> (i32, i32) {
    %c0_i32 = arith.constant 0 : i32
    %c0_i32_0 = arith.constant 0 : i32
    return %arg0, %c0_i32 : i32, i32
  }
  func.func @transform_2(%arg0: i32) -> (i32, i32) {
    %c0_i32 = arith.constant 0 : i32
    %c0_i32_0 = arith.constant 0 : i32
    return %arg0, %c0_i32 : i32, i32
  }
  func.func @transform_3(%arg0: i32) -> (i32, i32) {
    %c0_i32 = arith.constant 0 : i32
    %c0_i32_0 = arith.constant 0 : i32
    return %arg0, %c0_i32 : i32, i32
  }
  func.func @transform_4(%arg0: i32) -> (i32, i32) {
    %c0_i32 = arith.constant 0 : i32
    %c0_i32_0 = arith.constant 0 : i32
    %c0_i32_1 = arith.constant 0 : i32
    return %c0_i32, %c0_i32_0 : i32, i32
  }
  func.func @transform_5(%arg0: i32) -> (i32, i32) {
    %c0_i32 = arith.constant 0 : i32
    %c0_i32_0 = arith.constant 0 : i32
    %c0_i32_1 = arith.constant 0 : i32
    return %c0_i32, %c0_i32_0 : i32, i32
  }
  func.func @transform_6(%arg0: i32) -> i32 {
    %c0_i32 = arith.constant 0 : i32
    %c0_i32_0 = arith.constant 0 : i32
    return %c0_i32 : i32
  }
  func.func @transform_7(%arg0: i32) -> i32 {
    %c0_i32 = arith.constant 0 : i32
    %c0_i32_0 = arith.constant 0 : i32
    return %c0_i32 : i32
  }
  func.func @transform_8(%arg0: i32) -> (i32, i32) {
    %c0_i32 = arith.constant 0 : i32
    %c0_i32_0 = arith.constant 0 : i32
    return %arg0, %c0_i32 : i32, i32
  }
  func.func @transform_9(%arg0: i32) -> (i32, i32) {
    %c0_i32 = arith.constant 0 : i32
    %c0_i32_0 = arith.constant 0 : i32
    return %arg0, %c0_i32 : i32, i32
  }
}

</mosaic_0001>

<sc_bundles>
// kernel: kernel.11.cloned.1.call-start
scs
__scs_entry_jumppad:
0x0: {  	(pc) =	sbr.rel $0x88, $3  }
0x1: {  	(tag) =	ssettag $0x0;
	lr =	simm.s32 $0x1  }
0x2: {  	[smem:$0x3F97] =	sst lr;
	_ =	strace $0xD0000000  }
0x3: {  	_ = 	snop  }
0x4: {  	_ = 	snop  }
0x5: {  	_ = 	snop  }
0x6: {  	_ = 	snop  }
0x7: {  	_ = 	snop  }
__scs_overlays_trampoline_lowered:
0x8: {  	[smem:$0x3FA6] =	sst s0  }
0x9: {  	[smem:$0x3FA7] =	sst s1  }
0xa: {  	[smem:$0x3FA8] =	sst s2  }
0xb: {  	[smem:$0x3FA9] =	sst s3  }
0xc: {  	[smem:$0x3FAA] =	sst s4  }
0xd: {  	[smem:$0x3FAB] =	sst s5  }
0xe: {  	[smem:$0x3FAC] =	sst s6  }
0xf: {  	[smem:$0x3FAD] =	sst s7  }
0x10: {  	[smem:$0x3FAE] =	sst s8  }
0x11: {  	[smem:$0x3FAF] =	sst s9;
	s0 =	simm.s32 @!p0 $0x0  }
0x12: {  	s1 =	sld [smem:$0x3F95];
	s0 =	simm.s32 @p0 $0x1  }
0x13: {  	[smem:$0x3FB0] =	sst s0;
	s0 =	simm.s32 @!p1 $0x0  }
0x14: {  	s2 =	sld [smem:$0x3F94];
	s0 =	simm.s32 @p1 $0x1  }
0x15: {  	[smem:$0x3FB1] =	sst s0;
	s0 =	simm.s32 @!p2 $0x0  }
0x16: {  	s3 =	sld [smem:$0x3FDB];
	s0 =	simm.s32 @p2 $0x1  }
0x17: {  	s4 =	simm.s32 $0x1BF5;
	[smem:$0x3FB3] =	sst s0  }
0x18: {  	s0 =	sld [smem:$0x3F96];
	_ =	swait.ge [sflag:s4], $0x0  }
0x19: {  	s7 =	sld [smem:$0x3F97]  }
0x1a: {  	s8 =	sadd.s32 $0xFFFFE003, lr  }
0x1b: {  	s9 =	sadd.s32 $0xFFFFFEF7, lr;
	s5 =	simm.s32 $0xFFFFFFFF;
	p2 =	slt.u32 s8, $0xFFFFF086  }
0x1c: {  	p1 =	slt.u32 s9, $0xF7A;
	s5 =	simm.s32 @!p2 $0x0  }
0x1d: {  	s5 =	simm.s32 @p1 $0x1;
	p0 =	seq.s32 s7, s2  }
0x1e: {  	s7 =	smul.u32 @!p0 $0xF7A, s2;
	p2 =	seq.s32 @!p0 s5, $0x0  }
0x1f: {  	s9 =	smul.u32 $0xF7A, s1;
	s8 =	simm.s32 @!p0 $0x1BF5;
	p2 =	por !p2, p0  }
0x20: {  	[sflag:s8] =	ssyncset.s32 @!p0 $0xFFFFF086;
	s6 =	sadd.s32 @!p0 s3, s7;
	s7 =	simm.s32 @!p0 $0x108  }
0x21: {  	s3 =	sadd.s32 s3, s9;
	s6 =	sadd.s32 @!p0 $0x88, s6;
	s7 =	simm.s32 @p2 $0x1082  }
0x22: {  	[simem:s7], [sflag:s8] =	dma.local @!p0 [hbm:s6], $0xF7A  }
0x23: {  	s9 =	sor.u32 $0xD0000000, s2;
	s6 =	simm.s32 $0x108;
	_ =	swait.ge @!p0 [sflag:s8], $0x0  }
0x24: {  	s3 =	sadd.s32 $0x88, s3;
	s6 =	simm.s32 @!p1 $0x1082;
	[sflag:s4] =	ssyncset.s32 $0xFFFFF086  }
0x25: {  	[simem:s6], [sflag:s4] =	dma.local [hbm:s3], $0xF7A  }
0x26: {  	[smem:$0x3F97] =	sst s1;
	(tag) =	ssettag s2;
	_ =	strace s9  }
0x27: {  	s1 =	sld [smem:$0x3FA7]  }
0x28: {  	s2 =	sld [smem:$0x3FA8]  }
0x29: {  	s4 =	sld [smem:$0x3FAA]  }
0x2a: {  	p0 =	seq.s32 s5, $0x0;
	s5 =	sld [smem:$0x3FAB]  }
0x2b: {  	s6 =	sld [smem:$0x3FAC]  }
0x2c: {  	s7 =	sld [smem:$0x3FAD]  }
0x2d: {  	s3 =	simm.s32 $0x108;
	s8 =	sld [smem:$0x3FAE]  }
0x2e: {  	s3 =	simm.s32 @!p0 $0x1082;
	s9 =	sld [smem:$0x3FAF]  }
0x2f: {  	lr =	sadd.s32 s0, s3;
	s0 =	sld [smem:$0x3FA6]  }
0x30: {  	s3 =	sld [smem:$0x3FA9]  }
0x31: {  	[smem:$0x3FB2] =	sst s10  }
0x32: {  	s10 =	sld [smem:$0x3FB0];
	_ =	sdelay $0x3  }
0x33: {  	p0 =	seq.s32 s10, $0x1;
	s10 =	sld [smem:$0x3FB2];
	_ =	sdelay $0x3  }
0x34: {  	[smem:$0x3FB2] =	sst s10  }
0x35: {  	s10 =	sld [smem:$0x3FB1];
	_ =	sdelay $0x3  }
0x36: {  	p1 =	seq.s32 s10, $0x1;
	s10 =	sld [smem:$0x3FB2];
	_ =	sdelay $0x3  }
0x37: {  	[smem:$0x3FB2] =	sst s10  }
0x38: {  	s10 =	sld [smem:$0x3FB3]  }
0x39: {  	_ = 	snop;
	(pc) =	sbr.ind lr, $3  }
0x3a: {  	_ = 	snop  }
0x3b: {  	_ = 	snop  }
0x3c: {  	p2 =	seq.s32 s10, $0x1;
	s10 =	sld [smem:$0x3FB2]  }
0x3d: {  	_ =	shalt  }
0x3e: {  	_ =	shalt  }
0x3f: {  	_ =	shalt  }
0x40: {  	_ =	shalt  }
0x41: {  	_ =	shalt  }
0x42: {  	_ =	shalt  }
0x43: {  	_ =	shalt  }
0x44: {  	_ =	shalt  }
0x45: {  	_ =	shalt  }
0x46: {  	_ =	shalt  }
0x47: {  	_ =	shalt  }
0x48: {  	_ =	shalt  }
0x49: {  	_ =	shalt  }
0x4a: {  	_ =	shalt  }
0x4b: {  	_ =	shalt  }
0x4c: {  	_ =	shalt  }
0x4d: {  	_ =	shalt  }
0x4e: {  	_ =	shalt  }
0x4f: {  	_ =	shalt  }
0x50: {  	_ =	shalt  }
0x51: {  	_ =	shalt  }
0x52: {  	_ =	shalt  }
0x53: {  	_ =	shalt  }
0x54: {  	_ =	shalt  }
0x55: {  	_ =	shalt  }
0x56: {  	_ =	shalt  }
0x57: {  	_ =	shalt  }
0x58: {  	_ =	shalt  }
0x59: {  	_ =	shalt  }
0x5a: {  	_ =	shalt  }
0x5b: {  	_ =	shalt  }
0x5c: {  	_ =	shalt  }
0x5d: {  	_ =	shalt  }
0x5e: {  	_ =	shalt  }
0x5f: {  	_ =	shalt  }
0x60: {  	_ =	shalt  }
0x61: {  	_ =	shalt  }
0x62: {  	_ =	shalt  }
0x63: {  	_ =	shalt  }
0x64: {  	_ =	shalt  }
0x65: {  	_ =	shalt  }
0x66: {  	_ =	shalt  }
0x67: {  	_ =	shalt  }
0x68: {  	_ =	shalt  }
0x69: {  	_ =	shalt  }
0x6a: {  	_ =	shalt  }
0x6b: {  	_ =	shalt  }
0x6c: {  	_ =	shalt  }
0x6d: {  	_ =	shalt  }
0x6e: {  	_ =	shalt  }
0x6f: {  	_ =	shalt  }
0x70: {  	_ =	shalt  }
0x71: {  	_ =	shalt  }
0x72: {  	_ =	shalt  }
0x73: {  	_ =	shalt  }
0x74: {  	_ =	shalt  }
0x75: {  	_ =	shalt  }
0x76: {  	_ =	shalt  }
0x77: {  	_ =	shalt  }
0x78: {  	_ =	shalt  }
0x79: {  	_ =	shalt  }
0x7a: {  	_ =	shalt  }
0x7b: {  	_ =	shalt  }
0x7c: {  	_ =	shalt  }
0x7d: {  	_ =	shalt  }
0x7e: {  	_ =	shalt  }
0x7f: {  	_ =	shalt  }
0x80: {  	_ =	shalt  }
0x81: {  	_ =	shalt  }
0x82: {  	_ =	shalt  }
0x83: {  	_ =	shalt  }
0x84: {  	_ =	shalt  }
0x85: {  	_ =	shalt  }
0x86: {  	_ =	shalt  }
0x87: {  	_ =	shalt  }
.Lfunc_end0:
.L_simem_size_0:
called_computation.1_lowered:
.L_overlay_start_0:
0x88: {  	s2 =	sld [smem:$0x3FD9]  }
0x89: {  	s3 =	sld [smem:$0x3FFE];
	_ =	sdelay $0x1  }
0x8a: {  	s1 =	srdreg.scid  }
0x8b: {  	s0 =	sand.u32 $0x1, s1  }
0x8c: {  	s14 =	sshll.u32 s0, $0xA;
	s2 =	sadd.s32 s3, s2  }
0x8d: {  	s2 =	sadd.s32 s2, s14  }
0x8e: {  	[smem:$0x3FBE] =	sst s2  }
0x8f: {  	_ = 	snop  }
0x90: {  	s2 =	sld [smem:$0x3FD0];
	_ =	sdelay $0x2  }
0x91: {  	s15 =	simm.s32 $0xA;
	s4 =	simm.s32 $0x10  }
0x92: {  	[smem:s4], [sflag:s15] =	dma.local [hbm:s2], $0x1  }
0x93: {  	_ =	swait.eq [sflag:s15], $0x1  }
0x94: {  	[sflag:s15] =	ssyncset.done $0x0  }
0x95: {  	s16 =	sld [smem:$0x10];
	[sflag:s15] =	ssyncadd.s32 $0xFFFFFFFF  }
0x96: {  	s17 =	sld [smem:$0x11];
	(tm) =	ssettm $0x1  }
0x97: {  	s18 =	sld [smem:$0x3FFB];
	_ =	sdelay $0x3  }
0x98: {  	_ =	strace s18  }
0x99: {  	s4 =	sld [smem:$0x3FFC];
	_ =	sdelay $0x3  }
0x9a: {  	_ =	strace s4  }
0x9b: {  	s4 =	sld [smem:$0x3FFD];
	_ =	sdelay $0x3  }
0x9c: {  	_ =	strace s4  }
0x9d: {  	_ =	strace $0x8FFFFFFF  }
0x9e: {  	s19 =	sld [smem:$0x3FDB];
	_ =	sdelay $0x1  }
0x9f: {  	s5 =	simm.s32 $_scs_section_size  }
0xa0: {  	s6 =	simm.s32 $_size__tile_overlayer_lowered;
	s7 =	simm.s32 $_tile_overlayer_lowered  }
0xa1: {  	s22 =	simm.s32 $0x1BFF;
	s21 =	sshll.u32 s7, $0x1;
	s4 =	sadd.s32 s5, s19  }
0xa2: {  	s8 =	simm.s32 $0x0;
	s20 =	sshll.u32 s6, $0x1;
	s6 =	sadd.s32 s21, s4  }
0xa3: {  	[timem:s8], [sflag:s22] =	dma.local [hbm:s6], s20  }
0xa4: {  	_ =	swait.ge [sflag:s22], s20  }
0xa5: {  	s5 =	ssub.s32 $0x0, s20;
	[sflag:s22] =	ssyncset.done $0x0  }
0xa6: {  	[sflag:s22] =	ssyncadd.s32 s5;
	_ =	sdelay $0x1  }
0xa7: {  	s23 =	simm.s32 $0x1B8B  }
0xa8: {  	_ =	swait.ge [sflag:s23], $0x1  }
0xa9: {  	[sflag:s23] =	ssyncset.done $0x0  }
0xaa: {  	s25 =	simm.s32 $0x1B8E;
	s24 =	sld [smem:$0x3FFE];
	[sflag:s23] =	ssyncadd.s32 $0xFFFFFFFF  }
0xab: {  	s26 =	simm.s32 $execute0_lowered;
	[smem:$0x3FD2] =	sst s25  }
0xac: {  	s6 =	sshll.u32 s26, $0x1;
	_ =	strace $0x80000049;
	[dreg:$0x1] =	wrdreg $0xFFFFFFFF  }
0xad: {  	s28 =	simm.s32 $_size_execute0_lowered;
	s4 =	sadd.s32 s4, s6;
	[dreg:$0x0] =	wrdreg $0x0  }
0xae: {  	s6 =	sshll.u32 s28, $0x1;
	[dreg:$0x2] =	wrdreg s4  }
0xaf: {  	[dreg:$0x3] =	wrdreg s6  }
0xb0: {  	[dreg:$0x4] =	wrdreg $0xC0  }
0xb1: {  	_ =	task [dreg:s8], $0x5FFFF  }
0xb2: {  	[dreg:$0x1] =	wrdreg $0xFFFFFFFF  }
0xb3: {  	[dreg:$0x0] =	wrdreg $0x60  }
0xb4: {  	[dreg:$0x2] =	wrdreg s17  }
0xb5: {  	[dreg:$0x3] =	wrdreg s16  }
0xb6: {  	[dreg:$0x4] =	wrdreg s24  }
0xb7: {  	[dreg:$0x5] =	wrdreg $0xA8000  }
0xb8: {  	[dreg:$0x6] =	wrdreg $0x9  }
0xb9: {  	_ =	task.clear_ibuf [dreg:s8], $0x7FFFF;
	_ =	strace $0x90000049  }
0xba: {  	s29 =	simm.s32 $0x9;
	_ =	strace $0x8000004B  }
0xbb: {  	_ =	swait.ge [sflag:s29], $0x1  }
0xbc: {  	[sflag:s29] =	ssyncadd.s32 $0xFFFFFFFF  }
0xbd: {  	_ =	strace $0x9000004B  }
0xbe: {  	_ =	sfence  }
0xbf: {  	s30 =	sld [smem:$0x0];
	_ =	sdelay $0x2  }
0xc0: {  	s31 =	sshll.u32 s1, $0xD;
	s1 =	sshrl.u32 s1, $0x2  }
0xc1: {  	s3 =	sand.u32 $0x4000, s31;
	s1 =	sadd.s32 s1, s30  }
0xc2: {  	s0 =	sor.u32 s3, s0;
	s1 =	sshll.u32 s1, $0x11  }
0xc3: {  	s0 =	sor.u32 s1, s0  }
0xc4: {  	s0 =	sadd.s32 $0x8F2B, s0  }
0xc5: {  	[sflag:s0] =	ssyncadd.remote.s32 $0x1  }
0xc6: {  	_ =	sfence.sel $0xFFFF  }
0xc7: {  	[dreg:$0x0] =	wrdreg $0xFFFFFFFF;
	(pc) =	sbr.abs _section_cstart, $3  }
0xc8: {  	[dreg:$0x1] =	wrdreg $0xFFFFFFFF  }
0xc9: {  	_ =	task.clear_ibuf [dreg:s8], $0x2FFFF;
	_ =	strace $0x9FFFFFFF  }
0xca: {  	(tm) =	ssettm $0x7FFFFFFF  }
0xcb: {  	_ =	shalt  }
tec
execute0_lowered:
.L_overlay_start_1:
0x0: {  	(tag) =	ssettag $0x1  }
0x1: {  	s12 =	rddreg [dreg:$0x0]  }
0x2: {  	s13 =	rddreg [dreg:$0x1]  }
0x3: {  	s5 =	rddreg [dreg:$0x2]  }
0x4: {  	s2 =	rddreg [dreg:$0x3];
	s3 =	simm.s32 $0x0  }
0x5: {  	s0 =	stileid.u32;
	s6 =	srdreg.scid;
	s20 =	simm.s32 $0x80  }
0x6: {  	s21 =	simm.s32 $0x6800;
	s22 =	simm.s32 $0x1;
	s23 =	simm.s32 $0x2  }
0x7: {  	s28 =	simm.s32 $0x2700;
	s29 =	simm.s32 $0x2780;
	[smem:$0x7FF] =	sst s3  }
0x8: {  	s7 =	smul.u32 $0x50000, s0;
	s4 =	sadd.s32 $0x29E00, s5;
	s14 =	sadd.s32 $0x51000, s5  }
0x9: {  	s10 =	sand.u32 $0x1, s6;
	s19 =	smul.u32 $0x13C00, s0;
	s24 =	sadd.s32 $0x128400, s2  }
0xa: {  	s30 =	smul.u32 $0x4F000, s0;
	p0 =	seq.s32 s0, $0xF;
	_ =	strace $0x8000004A  }
0xb: {  	s6 =	ssub.s32 $0x2, s10;
	s26 =	sshll.u32 s10, $0x4;
	s17 =	smul.u32 $0x138800, s10  }
0xc: {  	s24 =	sshrl.u32 @p0 s24, $0x3;
	s7 =	sshrl.u32 s7, $0x2;
	s9 =	sor.u32 s0, s26  }
0xd: {  	s8 =	sshrl.u32 s6, $0x1;
	s26 =	simm.s32 $0x1380;
	s11 =	smul.u32 $0x2800, s9  }
0xe: {  	s5 =	sadd.s32 s7, s2;
	s16 =	ssub.s32 s6, s8;
	s15 =	smul.u32 $0x500, s9  }
0xf: {  	s31 =	sadd.s32 s19, s17;
	s17 =	sshrl.u32 s17, $0x3;
	s19 =	simm.s32 $0x1400  }
0x10: {  	s1 =	sadd.s32 $0x4000, s5;
	s7 =	sadd.s32 $0x8000, s5;
	s8 =	sadd.s32 $0xC000, s5  }
0x11: {  	s9 =	sadd.s32 $0x10000, s5;
	s17 =	sadd.s32 s14, s17;
	s16 =	smax.u32 s16, $0x1  }
0x12: {  	[dreg:$0x5] =	wrdreg s1;
	s11 =	sshrl.u32 s11, $0x3;
	s10 =	sadd.s32 s12, s15  }
0x13: {  	s18 =	sadd.s32 $0x280, s11;
	s11 =	sadd.s32 s13, s15;
	s15 =	sshrl.u32 s30, $0x2  }
0x14: {  	s12 =	sadd.s32 s12, s18;
	s13 =	sadd.s32 s13, s18;
	s18 =	sshrl.u32 s31, $0x3  }
0x15: {  	s25 =	sadd.s32 s15, s2;
	s15 =	sadd.s32 $0x25080, s17;
	s17 =	simm.s32 $0x2800  }
0x16: {  	v0 =	vimm.f32 $0.0e+00;
	s14 =	sadd.s32 s14, s18;
	s18 =	simm.s32 $0x3;
	s25 =	sshrl.u32 @!p0 s25, $0x3  }
.LBB2_1:
0x17: {  	s30 =	simm.s32 $0x0;
	s31 =	simm.s32 $0x200  }
.LBB2_2:
0x18: {  	p1 =	sne.s32 s31, $0xFE00;
	[tilespmem:s30+$0x2870] =	vst v0  }
0x19: {  	[tilespmem:s30+$0x2800] =	vst v0  }
0x1a: {  	[tilespmem:s30+$0x2810] =	vst v0  }
.Ltmp0:
0x1b: {  	[tilespmem:s30+$0x2820] =	vst v0;
	(pc) =	sbr.rel @p1 .LBB2_2-.Ltmp0, $4  }
0x1c: {  	[tilespmem:s30+$0x2830] =	vst v0  }
0x1d: {  	[tilespmem:s30+$0x2840] =	vst v0  }
0x1e: {  	[tilespmem:s30+$0x2850] =	vst v0  }
0x1f: {  	[tilespmem:s30+$0x2860] =	vst v0;
	s30 =	sshra.s32 s31, $0x2;
	s31 =	sadd.s32 $0x200, s31  }
0x20: {  	[tilespmem:s30+$0x2870] =	vst v0  }
0x21: {  	[tilespmem:s30+$0x2800] =	vst v0  }
0x22: {  	[tilespmem:s30+$0x2810] =	vst v0  }
0x23: {  	[tilespmem:s30+$0x2820] =	vst v0  }
0x24: {  	[tilespmem:s30+$0x2830] =	vst v0  }
0x25: {  	[tilespmem:s30+$0x2840] =	vst v0  }
0x26: {  	[tilespmem:s30+$0x2850] =	vst v0  }
0x27: {  	[tilespmem:s30+$0x2860] =	vst v0  }
0x28: {  	[spmem:s5] =	stream.linear.scatter [tilespmem:s17], [sflag:$0x3], $0x4000, $0x38;
	[tilespmem:$0x1E800] =	vst v63  }
0x29: {  	_ =	swait.ge [sflag:s18], $0x4000  }
0x2a: {  	[sflag:s18] =	ssyncset.done $0x0  }
0x2b: {  	s0 =	rddreg [dreg:$0x5];
	[sflag:s18] =	ssyncadd.s32 $0xFFFFC000  }
0x2c: {  	[spmem:s0] =	stream.linear.scatter [tilespmem:s17], [sflag:$0x3], $0x4000, $0x38;
	[tilespmem:$0x1E800] =	vst v63  }
0x2d: {  	_ =	swait.ge [sflag:s18], $0x4000  }
0x2e: {  	[sflag:s18] =	ssyncset.done $0x0  }
0x2f: {  	[sflag:s18] =	ssyncadd.s32 $0xFFFFC000  }
0x30: {  	[spmem:s7] =	stream.linear.scatter [tilespmem:s17], [sflag:$0x3], $0x4000, $0x38;
	[tilespmem:$0x1E800] =	vst v63  }
0x31: {  	_ =	swait.ge [sflag:s18], $0x4000  }
0x32: {  	[sflag:s18] =	ssyncset.done $0x0  }
0x33: {  	[sflag:s18] =	ssyncadd.s32 $0xFFFFC000  }
0x34: {  	[spmem:s8] =	stream.linear.scatter [tilespmem:s17], [sflag:$0x3], $0x4000, $0x38;
	[tilespmem:$0x1E800] =	vst v63  }
0x35: {  	_ =	swait.ge [sflag:s18], $0x4000  }
0x36: {  	[sflag:s18] =	ssyncset.done $0x0  }
0x37: {  	[sflag:s18] =	ssyncadd.s32 $0xFFFFC000  }
0x38: {  	[spmem:s9] =	stream.linear.scatter [tilespmem:s17], [sflag:$0x3], $0x4000, $0x38;
	[tilespmem:$0x1E800] =	vst v63  }
0x39: {  	_ =	swait.ge [sflag:s18], $0x4000  }
0x3a: {  	[sflag:s18] =	ssyncset.done $0x0  }
0x3b: {  	[sflag:s18] =	ssyncadd.s32 $0xFFFFC000  }
0x3c: {  	s30 =	simm.s32 $0x0;
	[bflag:$0x0] =	sbarrier.arrive $0xFFFF  }
0x3d: {  	[tilespmem:s30], [sflag:$0x3] =	stream.linear.gather [hbm4b:s10+s30], $0x1400, $0x38;
	[tilespmem:$0x1E800] =	vst v63  }
0x3e: {  	_ =	swait.ge [sflag:s18], $0x1400  }
0x3f: {  	[sflag:s18] =	ssyncset.done $0x0  }
0x40: {  	[sflag:s18] =	ssyncadd.s32 $0xFFFFEC00  }
0x41: {  	[tilespmem:s19], [sflag:$0x3] =	stream.linear.gather [hbm4b:s11+s30], $0x1400, $0x38;
	[tilespmem:$0x1E800] =	vst v63  }
0x42: {  	_ =	swait.ge [sflag:s18], $0x1400  }
0x43: {  	[sflag:s18] =	ssyncset.done $0x0  }
0x44: {  	[sflag:s18] =	ssyncadd.s32 $0xFFFFEC00  }
0x45: {  	[tilespmem:s17], [sflag:$0x1] =	stream.indirect.gather [hbm4b:s4+s20], $0x80, s30, s20, $0xb8;
	[tilespmem:$0x1E800] =	vst v63  }
0x46: {  	s30 =	simm.s32 $0x80  }
0x47: {  	[tilespmem:s21], [sflag:$0x2] =	stream.indirect.gather [hbm4b:s4+s20], $0x80, s30, s20, $0xb8;
	[tilespmem:$0x1E800] =	vst v63  }
0x48: {  	_ =	swait.ge [sflag:s22], $0x4000  }
0x49: {  	[sflag:s22] =	ssyncset.done $0x0  }
0x4a: {  	s30 =	simm.s32 $0x1400;
	[sflag:s22] =	ssyncadd.s32 $0xFFFFC000  }
0x4b: {  	[spmem:s2] =	stream.indirect.scatter.add.f32 [tilespmem:s17], [sflag:$0x3], $0x80, s30, s20, $0xb8;
	[tilespmem:$0x1E800] =	vst v63  }
0x4c: {  	_ =	swait.ge [sflag:s18], $0x4000  }
0x4d: {  	[sflag:s18] =	ssyncset.done $0x0  }
0x4e: {  	s30 =	simm.s32 $0x100;
	[sflag:s18] =	ssyncadd.s32 $0xFFFFC000  }
0x4f: {  	[tilespmem:s17], [sflag:$0x1] =	stream.indirect.gather [hbm4b:s4+s20], $0x80, s30, s20, $0xb8;
	[tilespmem:$0x1E800] =	vst v63  }
0x50: {  	_ =	swait.ge [sflag:s23], $0x4000  }
0x51: {  	[sflag:s23] =	ssyncset.done $0x0  }
0x52: {  	s30 =	simm.s32 $0x1480;
	[sflag:s23] =	ssyncadd.s32 $0xFFFFC000  }
0x53: {  	[spmem:s2] =	stream.indirect.scatter.add.f32 [tilespmem:s21], [sflag:$0x3], $0x80, s30, s20, $0xb8;
	[tilespmem:$0x1E800] =	vst v63  }
0x54: {  	_ =	swait.ge [sflag:s18], $0x4000  }
0x55: {  	s31 =	simm.s32 $0x800;
	s30 =	simm.s32 $0x100;
	[sflag:s18] =	ssyncset.done $0x0  }
.LBB2_4:
0x56: {  	s0 =	sadd.s32 $0x80, s30  }
0x57: {  	[sflag:s18] =	ssyncadd.s32 $0xFFFFC000;
	s1 =	smov.u32 s31;
	s6 =	sadd.s32 $0x400, s31  }
0x58: {  	[tilespmem:s21], [sflag:$0x2] =	stream.indirect.gather [hbm4b:s4+s20], $0x80, s0, s20, $0xb8;
	[tilespmem:$0x1E800] =	vst v63  }
0x59: {  	p1 =	sne.s32 s31, $0x4800;
	_ =	swait.ge [sflag:s22], $0x4000  }
0x5a: {  	[sflag:s22] =	ssyncset.done $0x0  }
0x5b: {  	s0 =	sadd.s32 $0x1400, s30;
	[sflag:s22] =	ssyncadd.s32 $0xFFFFC000  }
0x5c: {  	[spmem:s2] =	stream.indirect.scatter.add.f32 [tilespmem:s17], [sflag:$0x3], $0x80, s0, s20, $0xb8;
	[tilespmem:$0x1E800] =	vst v63  }
0x5d: {  	_ =	swait.ge [sflag:s18], $0x4000  }
0x5e: {  	[sflag:s18] =	ssyncset.done $0x0  }
0x5f: {  	s0 =	sadd.s32 $0x100, s30;
	[sflag:s18] =	ssyncadd.s32 $0xFFFFC000  }
0x60: {  	[tilespmem:s17], [sflag:$0x1] =	stream.indirect.gather [hbm4b:s4+s20], $0x80, s0, s20, $0xb8;
	[tilespmem:$0x1E800] =	vst v63  }
0x61: {  	_ =	swait.ge [sflag:s23], $0x4000  }
.Ltmp1:
0x62: {  	[sflag:s23] =	ssyncset.done $0x0;
	(pc) =	sbr.rel @p1 .LBB2_4-.Ltmp1, $4  }
0x63: {  	s0 =	sadd.s32 $0x1480, s30;
	[sflag:s23] =	ssyncadd.s32 $0xFFFFC000  }
0x64: {  	[spmem:s2] =	stream.indirect.scatter.add.f32 [tilespmem:s21], [sflag:$0x3], $0x80, s0, s20, $0xb8;
	[tilespmem:$0x1E800] =	vst v63  }
0x65: {  	_ =	swait.ge [sflag:s18], $0x4000  }
0x66: {  	s31 =	smov.u32 s6;
	s30 =	sshra.s32 s1, $0x2;
	[sflag:s18] =	ssyncset.done $0x0  }
0x67: {  	s0 =	sadd.s32 $0x80, s30;
	[sflag:s18] =	ssyncadd.s32 $0xFFFFC000  }
0x68: {  	[tilespmem:s21], [sflag:$0x2] =	stream.indirect.gather [hbm4b:s4+s20], $0x80, s0, s20, $0xb8;
	[tilespmem:$0x1E800] =	vst v63  }
0x69: {  	_ =	swait.ge [sflag:s22], $0x4000  }
0x6a: {  	[sflag:s22] =	ssyncset.done $0x0  }
0x6b: {  	s1 =	sadd.s32 $0x1400, s30;
	[sflag:s22] =	ssyncadd.s32 $0xFFFFC000  }
0x6c: {  	[spmem:s2] =	stream.indirect.scatter.add.f32 [tilespmem:s17], [sflag:$0x3], $0x80, s1, s20, $0xb8;
	[tilespmem:$0x1E800] =	vst v63  }
0x6d: {  	_ =	swait.ge [sflag:s18], $0x4000  }
0x6e: {  	[sflag:s18] =	ssyncset.done $0x0  }
0x6f: {  	s6 =	sadd.s32 $0x100, s30;
	[sflag:s18] =	ssyncadd.s32 $0xFFFFC000  }
0x70: {  	[tilespmem:s17], [sflag:$0x1] =	stream.indirect.gather [hbm4b:s4+s20], $0x80, s6, s20, $0xb8;
	[tilespmem:$0x1E800] =	vst v63  }
0x71: {  	_ =	swait.ge [sflag:s23], $0x4000  }
0x72: {  	[sflag:s23] =	ssyncset.done $0x0  }
0x73: {  	s1 =	sadd.s32 $0x1480, s30;
	[sflag:s23] =	ssyncadd.s32 $0xFFFFC000  }
0x74: {  	[spmem:s2] =	stream.indirect.scatter.add.f32 [tilespmem:s21], [sflag:$0x3], $0x80, s1, s20, $0xb8;
	[tilespmem:$0x1E800] =	vst v63  }
0x75: {  	_ =	swait.ge [sflag:s18], $0x4000  }
0x76: {  	[sflag:s18] =	ssyncset.done $0x0  }
0x77: {  	[sflag:s18] =	ssyncadd.s32 $0xFFFFC000  }
0x78: {  	[tilespmem:s21], [sflag:$0x2] =	stream.indirect.gather [hbm4b:s4+s20], $0x80, s26, s20, $0xb8;
	[tilespmem:$0x1E800] =	vst v63  }
0x79: {  	_ =	swait.ge [sflag:s22], $0x4000  }
0x7a: {  	[sflag:s22] =	ssyncset.done $0x0  }
0x7b: {  	[sflag:s22] =	ssyncadd.s32 $0xFFFFC000  }
0x7c: {  	[spmem:s2] =	stream.indirect.scatter.add.f32 [tilespmem:s17], [sflag:$0x3], $0x80, s28, s20, $0xb8;
	[tilespmem:$0x1E800] =	vst v63  }
0x7d: {  	_ =	swait.ge [sflag:s18], $0x4000  }
0x7e: {  	[sflag:s18] =	ssyncset.done $0x0  }
0x7f: {  	[sflag:s18] =	ssyncadd.s32 $0xFFFFC000  }
0x80: {  	_ =	swait.ge [sflag:s23], $0x4000  }
0x81: {  	[sflag:s23] =	ssyncset.done $0x0  }
0x82: {  	[sflag:s23] =	ssyncadd.s32 $0xFFFFC000  }
0x83: {  	[spmem:s2] =	stream.indirect.scatter.add.f32 [tilespmem:s21], [sflag:$0x3], $0x80, s29, s20, $0xb8;
	[tilespmem:$0x1E800] =	vst v63  }
0x84: {  	_ =	swait.ge [sflag:s18], $0x4000  }
0x85: {  	[sflag:s18] =	ssyncset.done $0x0  }
0x86: {  	s6 =	simm.s32 $0x0;
	[sflag:s18] =	ssyncadd.s32 $0xFFFFC000  }
0x87: {  	[tilespmem:s6], [sflag:$0x3] =	stream.linear.gather [hbm4b:s12+s6], $0x1400, $0x38;
	[tilespmem:$0x1E800] =	vst v63  }
0x88: {  	_ =	swait.ge [sflag:s18], $0x1400  }
0x89: {  	[sflag:s18] =	ssyncset.done $0x0  }
0x8a: {  	[sflag:s18] =	ssyncadd.s32 $0xFFFFEC00  }
0x8b: {  	[tilespmem:s19], [sflag:$0x3] =	stream.linear.gather [hbm4b:s13+s6], $0x1400, $0x38;
	[tilespmem:$0x1E800] =	vst v63  }
0x8c: {  	_ =	swait.ge [sflag:s18], $0x1400  }
0x8d: {  	[sflag:s18] =	ssyncset.done $0x0  }
0x8e: {  	[sflag:s18] =	ssyncadd.s32 $0xFFFFEC00  }
0x8f: {  	[tilespmem:s17], [sflag:$0x1] =	stream.indirect.gather [hbm4b:s4+s20], $0x80, s6, s20, $0xb8;
	[tilespmem:$0x1E800] =	vst v63  }
0x90: {  	s1 =	simm.s32 $0x80  }
0x91: {  	[tilespmem:s21], [sflag:$0x2] =	stream.indirect.gather [hbm4b:s4+s20], $0x80, s1, s20, $0xb8;
	[tilespmem:$0x1E800] =	vst v63  }
0x92: {  	_ =	swait.ge [sflag:s22], $0x4000  }
0x93: {  	[sflag:s22] =	ssyncset.done $0x0  }
0x94: {  	s6 =	simm.s32 $0x1400;
	[sflag:s22] =	ssyncadd.s32 $0xFFFFC000  }
0x95: {  	[spmem:s2] =	stream.indirect.scatter.add.f32 [tilespmem:s17], [sflag:$0x3], $0x80, s6, s20, $0xb8;
	[tilespmem:$0x1E800] =	vst v63  }
0x96: {  	_ =	swait.ge [sflag:s18], $0x4000  }
0x97: {  	[sflag:s18] =	ssyncset.done $0x0  }
0x98: {  	s1 =	simm.s32 $0x100;
	[sflag:s18] =	ssyncadd.s32 $0xFFFFC000  }
0x99: {  	[tilespmem:s17], [sflag:$0x1] =	stream.indirect.gather [hbm4b:s4+s20], $0x80, s1, s20, $0xb8;
	[tilespmem:$0x1E800] =	vst v63  }
0x9a: {  	_ =	swait.ge [sflag:s23], $0x4000  }
0x9b: {  	[sflag:s23] =	ssyncset.done $0x0  }
0x9c: {  	s6 =	simm.s32 $0x1480;
	[sflag:s23] =	ssyncadd.s32 $0xFFFFC000  }
0x9d: {  	[spmem:s2] =	stream.indirect.scatter.add.f32 [tilespmem:s21], [sflag:$0x3], $0x80, s6, s20, $0xb8;
	[tilespmem:$0x1E800] =	vst v63  }
0x9e: {  	_ =	swait.ge [sflag:s18], $0x4000  }
0x9f: {  	s31 =	simm.s32 $0x800;
	s30 =	simm.s32 $0x100;
	[sflag:s18] =	ssyncset.done $0x0  }
.LBB2_6:
0xa0: {  	s0 =	sadd.s32 $0x80, s30  }
0xa1: {  	[sflag:s18] =	ssyncadd.s32 $0xFFFFC000;
	s1 =	smov.u32 s31;
	s6 =	sadd.s32 $0x400, s31  }
0xa2: {  	[tilespmem:s21], [sflag:$0x2] =	stream.indirect.gather [hbm4b:s4+s20], $0x80, s0, s20, $0xb8;
	[tilespmem:$0x1E800] =	vst v63  }
0xa3: {  	p1 =	sne.s32 s31, $0x4800;
	_ =	swait.ge [sflag:s22], $0x4000  }
0xa4: {  	[sflag:s22] =	ssyncset.done $0x0  }
0xa5: {  	s0 =	sadd.s32 $0x1400, s30;
	[sflag:s22] =	ssyncadd.s32 $0xFFFFC000  }
0xa6: {  	[spmem:s2] =	stream.indirect.scatter.add.f32 [tilespmem:s17], [sflag:$0x3], $0x80, s0, s20, $0xb8;
	[tilespmem:$0x1E800] =	vst v63  }
0xa7: {  	_ =	swait.ge [sflag:s18], $0x4000  }
0xa8: {  	[sflag:s18] =	ssyncset.done $0x0  }
0xa9: {  	s0 =	sadd.s32 $0x100, s30;
	[sflag:s18] =	ssyncadd.s32 $0xFFFFC000  }
0xaa: {  	[tilespmem:s17], [sflag:$0x1] =	stream.indirect.gather [hbm4b:s4+s20], $0x80, s0, s20, $0xb8;
	[tilespmem:$0x1E800] =	vst v63  }
0xab: {  	_ =	swait.ge [sflag:s23], $0x4000  }
.Ltmp2:
0xac: {  	[sflag:s23] =	ssyncset.done $0x0;
	(pc) =	sbr.rel @p1 .LBB2_6-.Ltmp2, $4  }
0xad: {  	s0 =	sadd.s32 $0x1480, s30;
	[sflag:s23] =	ssyncadd.s32 $0xFFFFC000  }
0xae: {  	[spmem:s2] =	stream.indirect.scatter.add.f32 [tilespmem:s21], [sflag:$0x3], $0x80, s0, s20, $0xb8;
	[tilespmem:$0x1E800] =	vst v63  }
0xaf: {  	_ =	swait.ge [sflag:s18], $0x4000  }
0xb0: {  	s31 =	smov.u32 s6;
	s30 =	sshra.s32 s1, $0x2;
	[sflag:s18] =	ssyncset.done $0x0  }
0xb1: {  	s0 =	sadd.s32 $0x80, s30;
	[sflag:s18] =	ssyncadd.s32 $0xFFFFC000  }
0xb2: {  	[tilespmem:s21], [sflag:$0x2] =	stream.indirect.gather [hbm4b:s4+s20], $0x80, s0, s20, $0xb8;
	[tilespmem:$0x1E800] =	vst v63  }
0xb3: {  	_ =	swait.ge [sflag:s22], $0x4000  }
0xb4: {  	[sflag:s22] =	ssyncset.done $0x0  }
0xb5: {  	s1 =	sadd.s32 $0x1400, s30;
	[sflag:s22] =	ssyncadd.s32 $0xFFFFC000  }
0xb6: {  	[spmem:s2] =	stream.indirect.scatter.add.f32 [tilespmem:s17], [sflag:$0x3], $0x80, s1, s20, $0xb8;
	[tilespmem:$0x1E800] =	vst v63  }
0xb7: {  	_ =	swait.ge [sflag:s18], $0x4000  }
0xb8: {  	[sflag:s18] =	ssyncset.done $0x0  }
0xb9: {  	s6 =	sadd.s32 $0x100, s30;
	[sflag:s18] =	ssyncadd.s32 $0xFFFFC000  }
0xba: {  	[tilespmem:s17], [sflag:$0x1] =	stream.indirect.gather [hbm4b:s4+s20], $0x80, s6, s20, $0xb8;
	[tilespmem:$0x1E800] =	vst v63  }
0xbb: {  	_ =	swait.ge [sflag:s23], $0x4000  }
0xbc: {  	[sflag:s23] =	ssyncset.done $0x0  }
0xbd: {  	s31 =	sadd.s32 $0x1480, s30;
	[sflag:s23] =	ssyncadd.s32 $0xFFFFC000  }
0xbe: {  	[spmem:s2] =	stream.indirect.scatter.add.f32 [tilespmem:s21], [sflag:$0x3], $0x80, s31, s20, $0xb8;
	[tilespmem:$0x1E800] =	vst v63  }
0xbf: {  	_ =	swait.ge [sflag:s18], $0x4000  }
0xc0: {  	[sflag:s18] =	ssyncset.done $0x0  }
0xc1: {  	[sflag:s18] =	ssyncadd.s32 $0xFFFFC000  }
0xc2: {  	[tilespmem:s21], [sflag:$0x2] =	stream.indirect.gather [hbm4b:s4+s20], $0x80, s26, s20, $0xb8;
	[tilespmem:$0x1E800] =	vst v63  }
0xc3: {  	_ =	swait.ge [sflag:s22], $0x4000  }
0xc4: {  	[sflag:s22] =	ssyncset.done $0x0  }
0xc5: {  	[sflag:s22] =	ssyncadd.s32 $0xFFFFC000  }
0xc6: {  	[spmem:s2] =	stream.indirect.scatter.add.f32 [tilespmem:s17], [sflag:$0x3], $0x80, s28, s20, $0xb8;
	[tilespmem:$0x1E800] =	vst v63  }
0xc7: {  	_ =	swait.ge [sflag:s18], $0x4000  }
0xc8: {  	[sflag:s18] =	ssyncset.done $0x0  }
0xc9: {  	[sflag:s18] =	ssyncadd.s32 $0xFFFFC000  }
0xca: {  	_ =	swait.ge [sflag:s23], $0x4000  }
0xcb: {  	[sflag:s23] =	ssyncset.done $0x0  }
0xcc: {  	[sflag:s23] =	ssyncadd.s32 $0xFFFFC000  }
0xcd: {  	[spmem:s2] =	stream.indirect.scatter.add.f32 [tilespmem:s21], [sflag:$0x3], $0x80, s29, s20, $0xb8;
	[tilespmem:$0x1E800] =	vst v63  }
0xce: {  	_ =	swait.ge [sflag:s18], $0x4000  }
0xcf: {  	[sflag:s18] =	ssyncset.done $0x0  }
0xd0: {  	[sflag:s18] =	ssyncadd.s32 $0xFFFFC000  }
0xd1: {  	s0 =	simm.s32 @p0 $0x1FC3;
	[bflag:$0x0] =	sbarrier.arrive $0xFFFF  }
0xd2: {  	[hbm:s15], [sflag:s0] =	dma.local @p0 [spmem:s24], $0x2080  }
0xd3: {  	s0 =	simm.s32 @p0 $0x3  }
0xd4: {  	s1 =	stileid.u32;
	_ =	swait.ge @p0 [sflag:s0], $0x2080  }
0xd5: {  	s3 =	sadd.s32 $0x1, s3;
	s1 =	sshll.u32 @!p0 s1, $0x6;
	[sflag:s0] =	ssyncset.done @p0 $0x0  }
0xd6: {  	p1 =	sne.s32 s3, s16;
	[sflag:s0] =	ssyncadd.s32 @p0 $0xFFFFDF80;
	s0 =	sor.u32 @!p0 $0x1C03, s1  }
0xd7: {  	[hbm:s14], [sflag:s0] =	dma.local @!p0 [spmem:s25], $0x2780  }
.Ltmp3:
0xd8: {  	_ = 	snop;
	(pc) =	sbr.rel @p1 .LBB2_1-.Ltmp3, $4  }
0xd9: {  	s0 =	simm.s32 @!p0 $0x3  }
0xda: {  	_ =	swait.ge @!p0 [sflag:s0], $0x2780  }
0xdb: {  	[sflag:s0] =	ssyncset.done @!p0 $0x0  }
0xdc: {  	[sflag:s0] =	ssyncadd.s32 @!p0 $0xFFFFD880  }
0xdd: {  	_ =	sfence.sel $0x180000  }
0xde: {  	[bflag:$0x0] =	sbarrier.arrive $0xFFFF  }
0xdf: {  	_ =	strace $0x9000004A  }
0xe0: {  	s0 =	stileid.u32;
	[bflag:$0x2] =	sbarrier.arrive $0xFFFF  }
0xe1: {  	p0 =	sne.s32 s0, $0x0;
	s0 =	rddreg [dreg:$0x4]  }
0xe2: {  	s0 =	sadd.s32 @!p0 $0x100000, s0  }
0xe3: {  	[sflag:s0] =	ssyncadd.tile.s32 @!p0 $0x1;
	_ =	shalt  }
.Lfunc_end2:
_tile_overlayer_lowered:
.L_overlay_start_2:
0xe4: {  	(tag) =	ssettag $0x2  }
0xe5: {  	s0 =	rddreg [dreg:$0x0];
	s2 =	stileid.u32  }
0xe6: {  	s1 =	rddreg [dreg:$0x1];
	p0 =	sne.s32 s2, $0x0  }
0xe7: {  	s3 =	rddreg [dreg:$0x2];
	[bflag:$0x3] =	sbarrier.arrive $0xFFFF;
	s2 =	simm.s32 @!p0 $0x1C03  }
0xe8: {  	[timem:s3], [sflag:s2] =	dma.local @!p0 [hbm:s0], s1  }
0xe9: {  	s0 =	simm.s32 @!p0 $0x3  }
0xea: {  	_ =	swait.ge @!p0 [sflag:s0], s1  }
0xeb: {  	s1 =	ssub.s32 @!p0 $0x0, s1;
	[sflag:s0] =	ssyncset.done @!p0 $0x0  }
0xec: {  	[sflag:s0] =	ssyncadd.s32 @!p0 s1  }
0xed: {  	[bflag:$0x3] =	sbarrier.arrive $0xFFFF  }
0xee: {  	_ =	shalt  }

// kernel: kernel.14.cloned.1.call-start
scs
__scs_entry_jumppad:
0x0: {  	(pc) =	sbr.rel $0x88, $3  }
0x1: {  	(tag) =	ssettag $0x0;
	lr =	simm.s32 $0x1  }
0x2: {  	[smem:$0x3F97] =	sst lr;
	_ =	strace $0xD0000000  }
0x3: {  	_ = 	snop  }
0x4: {  	_ = 	snop  }
0x5: {  	_ = 	snop  }
0x6: {  	_ = 	snop  }
0x7: {  	_ = 	snop  }
__scs_overlays_trampoline_lowered:
0x8: {  	[smem:$0x3FA6] =	sst s0  }
0x9: {  	[smem:$0x3FA7] =	sst s1  }
0xa: {  	[smem:$0x3FA8] =	sst s2  }
0xb: {  	[smem:$0x3FA9] =	sst s3  }
0xc: {  	[smem:$0x3FAA] =	sst s4  }
0xd: {  	[smem:$0x3FAB] =	sst s5  }
0xe: {  	[smem:$0x3FAC] =	sst s6  }
0xf: {  	[smem:$0x3FAD] =	sst s7  }
0x10: {  	[smem:$0x3FAE] =	sst s8  }
0x11: {  	[smem:$0x3FAF] =	sst s9;
	s0 =	simm.s32 @!p0 $0x0  }
0x12: {  	s1 =	sld [smem:$0x3F95];
	s0 =	simm.s32 @p0 $0x1  }
0x13: {  	[smem:$0x3FB0] =	sst s0;
	s0 =	simm.s32 @!p1 $0x0  }
0x14: {  	s2 =	sld [smem:$0x3F94];
	s0 =	simm.s32 @p1 $0x1  }
0x15: {  	[smem:$0x3FB1] =	sst s0;
	s0 =	simm.s32 @!p2 $0x0  }
0x16: {  	s3 =	sld [smem:$0x3FDB];
	s0 =	simm.s32 @p2 $0x1  }
0x17: {  	s4 =	simm.s32 $0x1BF5;
	[smem:$0x3FB3] =	sst s0  }
0x18: {  	s0 =	sld [smem:$0x3F96];
	_ =	swait.ge [sflag:s4], $0x0  }
0x19: {  	s7 =	sld [smem:$0x3F97]  }
0x1a: {  	s8 =	sadd.s32 $0xFFFFE003, lr  }
0x1b: {  	s9 =	sadd.s32 $0xFFFFFEF7, lr;
	s5 =	simm.s32 $0xFFFFFFFF;
	p2 =	slt.u32 s8, $0xFFFFF086  }
0x1c: {  	p1 =	slt.u32 s9, $0xF7A;
	s5 =	simm.s32 @!p2 $0x0  }
0x1d: {  	s5 =	simm.s32 @p1 $0x1;
	p0 =	seq.s32 s7, s2  }
0x1e: {  	s7 =	smul.u32 @!p0 $0xF7A, s2;
	p2 =	seq.s32 @!p0 s5, $0x0  }
0x1f: {  	s9 =	smul.u32 $0xF7A, s1;
	s8 =	simm.s32 @!p0 $0x1BF5;
	p2 =	por !p2, p0  }
0x20: {  	[sflag:s8] =	ssyncset.s32 @!p0 $0xFFFFF086;
	s6 =	sadd.s32 @!p0 s3, s7;
	s7 =	simm.s32 @!p0 $0x108  }
0x21: {  	s3 =	sadd.s32 s3, s9;
	s6 =	sadd.s32 @!p0 $0x88, s6;
	s7 =	simm.s32 @p2 $0x1082  }
0x22: {  	[simem:s7], [sflag:s8] =	dma.local @!p0 [hbm:s6], $0xF7A  }
0x23: {  	s9 =	sor.u32 $0xD0000000, s2;
	s6 =	simm.s32 $0x108;
	_ =	swait.ge @!p0 [sflag:s8], $0x0  }
0x24: {  	s3 =	sadd.s32 $0x88, s3;
	s6 =	simm.s32 @!p1 $0x1082;
	[sflag:s4] =	ssyncset.s32 $0xFFFFF086  }
0x25: {  	[simem:s6], [sflag:s4] =	dma.local [hbm:s3], $0xF7A  }
0x26: {  	[smem:$0x3F97] =	sst s1;
	(tag) =	ssettag s2;
	_ =	strace s9  }
0x27: {  	s1 =	sld [smem:$0x3FA7]  }
0x28: {  	s2 =	sld [smem:$0x3FA8]  }
0x29: {  	s4 =	sld [smem:$0x3FAA]  }
0x2a: {  	p0 =	seq.s32 s5, $0x0;
	s5 =	sld [smem:$0x3FAB]  }
0x2b: {  	s6 =	sld [smem:$0x3FAC]  }
0x2c: {  	s7 =	sld [smem:$0x3FAD]  }
0x2d: {  	s3 =	simm.s32 $0x108;
	s8 =	sld [smem:$0x3FAE]  }
0x2e: {  	s3 =	simm.s32 @!p0 $0x1082;
	s9 =	sld [smem:$0x3FAF]  }
0x2f: {  	lr =	sadd.s32 s0, s3;
	s0 =	sld [smem:$0x3FA6]  }
0x30: {  	s3 =	sld [smem:$0x3FA9]  }
0x31: {  	[smem:$0x3FB2] =	sst s10  }
0x32: {  	s10 =	sld [smem:$0x3FB0];
	_ =	sdelay $0x3  }
0x33: {  	p0 =	seq.s32 s10, $0x1;
	s10 =	sld [smem:$0x3FB2];
	_ =	sdelay $0x3  }
0x34: {  	[smem:$0x3FB2] =	sst s10  }
0x35: {  	s10 =	sld [smem:$0x3FB1];
	_ =	sdelay $0x3  }
0x36: {  	p1 =	seq.s32 s10, $0x1;
	s10 =	sld [smem:$0x3FB2];
	_ =	sdelay $0x3  }
0x37: {  	[smem:$0x3FB2] =	sst s10  }
0x38: {  	s10 =	sld [smem:$0x3FB3]  }
0x39: {  	_ = 	snop;
	(pc) =	sbr.ind lr, $3  }
0x3a: {  	_ = 	snop  }
0x3b: {  	_ = 	snop  }
0x3c: {  	p2 =	seq.s32 s10, $0x1;
	s10 =	sld [smem:$0x3FB2]  }
0x3d: {  	_ =	shalt  }
0x3e: {  	_ =	shalt  }
0x3f: {  	_ =	shalt  }
0x40: {  	_ =	shalt  }
0x41: {  	_ =	shalt  }
0x42: {  	_ =	shalt  }
0x43: {  	_ =	shalt  }
0x44: {  	_ =	shalt  }
0x45: {  	_ =	shalt  }
0x46: {  	_ =	shalt  }
0x47: {  	_ =	shalt  }
0x48: {  	_ =	shalt  }
0x49: {  	_ =	shalt  }
0x4a: {  	_ =	shalt  }
0x4b: {  	_ =	shalt  }
0x4c: {  	_ =	shalt  }
0x4d: {  	_ =	shalt  }
0x4e: {  	_ =	shalt  }
0x4f: {  	_ =	shalt  }
0x50: {  	_ =	shalt  }
0x51: {  	_ =	shalt  }
0x52: {  	_ =	shalt  }
0x53: {  	_ =	shalt  }
0x54: {  	_ =	shalt  }
0x55: {  	_ =	shalt  }
0x56: {  	_ =	shalt  }
0x57: {  	_ =	shalt  }
0x58: {  	_ =	shalt  }
0x59: {  	_ =	shalt  }
0x5a: {  	_ =	shalt  }
0x5b: {  	_ =	shalt  }
0x5c: {  	_ =	shalt  }
0x5d: {  	_ =	shalt  }
0x5e: {  	_ =	shalt  }
0x5f: {  	_ =	shalt  }
0x60: {  	_ =	shalt  }
0x61: {  	_ =	shalt  }
0x62: {  	_ =	shalt  }
0x63: {  	_ =	shalt  }
0x64: {  	_ =	shalt  }
0x65: {  	_ =	shalt  }
0x66: {  	_ =	shalt  }
0x67: {  	_ =	shalt  }
0x68: {  	_ =	shalt  }
0x69: {  	_ =	shalt  }
0x6a: {  	_ =	shalt  }
0x6b: {  	_ =	shalt  }
0x6c: {  	_ =	shalt  }
0x6d: {  	_ =	shalt  }
0x6e: {  	_ =	shalt  }
0x6f: {  	_ =	shalt  }
0x70: {  	_ =	shalt  }
0x71: {  	_ =	shalt  }
0x72: {  	_ =	shalt  }
0x73: {  	_ =	shalt  }
0x74: {  	_ =	shalt  }
0x75: {  	_ =	shalt  }
0x76: {  	_ =	shalt  }
0x77: {  	_ =	shalt  }
0x78: {  	_ =	shalt  }
0x79: {  	_ =	shalt  }
0x7a: {  	_ =	shalt  }
0x7b: {  	_ =	shalt  }
0x7c: {  	_ =	shalt  }
0x7d: {  	_ =	shalt  }
0x7e: {  	_ =	shalt  }
0x7f: {  	_ =	shalt  }
0x80: {  	_ =	shalt  }
0x81: {  	_ =	shalt  }
0x82: {  	_ =	shalt  }
0x83: {  	_ =	shalt  }
0x84: {  	_ =	shalt  }
0x85: {  	_ =	shalt  }
0x86: {  	_ =	shalt  }
0x87: {  	_ =	shalt  }
.Lfunc_end0:
.L_simem_size_0:
called_computation.2_lowered:
.L_overlay_start_0:
0x88: {  	s2 =	sld [smem:$0x3FD9]  }
0x89: {  	s3 =	sld [smem:$0x3FFE];
	_ =	sdelay $0x1  }
0x8a: {  	s1 =	srdreg.scid  }
0x8b: {  	s0 =	sand.u32 $0x1, s1  }
0x8c: {  	s14 =	sshll.u32 s0, $0xA;
	s2 =	sadd.s32 s3, s2  }
0x8d: {  	s2 =	sadd.s32 s2, s14  }
0x8e: {  	[smem:$0x3FBE] =	sst s2  }
0x8f: {  	_ = 	snop  }
0x90: {  	s2 =	sld [smem:$0x3FD0];
	_ =	sdelay $0x2  }
0x91: {  	s15 =	simm.s32 $0xA;
	s4 =	simm.s32 $0x10  }
0x92: {  	[smem:s4], [sflag:s15] =	dma.local [hbm:s2], $0x1  }
0x93: {  	_ =	swait.eq [sflag:s15], $0x1  }
0x94: {  	[sflag:s15] =	ssyncset.done $0x0  }
0x95: {  	s16 =	sld [smem:$0x10];
	[sflag:s15] =	ssyncadd.s32 $0xFFFFFFFF  }
0x96: {  	s17 =	sld [smem:$0x11];
	(tm) =	ssettm $0x1  }
0x97: {  	s18 =	sld [smem:$0x3FFB];
	_ =	sdelay $0x3  }
0x98: {  	_ =	strace s18  }
0x99: {  	s4 =	sld [smem:$0x3FFC];
	_ =	sdelay $0x3  }
0x9a: {  	_ =	strace s4  }
0x9b: {  	s4 =	sld [smem:$0x3FFD];
	_ =	sdelay $0x3  }
0x9c: {  	_ =	strace s4  }
0x9d: {  	_ =	strace $0x8FFFFFFF  }
0x9e: {  	s19 =	sld [smem:$0x3FDB];
	_ =	sdelay $0x1  }
0x9f: {  	s5 =	simm.s32 $_scs_section_size  }
0xa0: {  	s6 =	simm.s32 $_size__tile_overlayer_lowered;
	s7 =	simm.s32 $_tile_overlayer_lowered  }
0xa1: {  	s22 =	simm.s32 $0x1BFF;
	s21 =	sshll.u32 s7, $0x1;
	s4 =	sadd.s32 s5, s19  }
0xa2: {  	s8 =	simm.s32 $0x0;
	s20 =	sshll.u32 s6, $0x1;
	s6 =	sadd.s32 s21, s4  }
0xa3: {  	[timem:s8], [sflag:s22] =	dma.local [hbm:s6], s20  }
0xa4: {  	_ =	swait.ge [sflag:s22], s20  }
0xa5: {  	s5 =	ssub.s32 $0x0, s20;
	[sflag:s22] =	ssyncset.done $0x0  }
0xa6: {  	[sflag:s22] =	ssyncadd.s32 s5;
	_ =	sdelay $0x1  }
0xa7: {  	s23 =	simm.s32 $0x1B8B  }
0xa8: {  	_ =	swait.ge [sflag:s23], $0x1  }
0xa9: {  	[sflag:s23] =	ssyncset.done $0x0  }
0xaa: {  	s25 =	simm.s32 $0x1B8E;
	s24 =	sld [smem:$0x3FFE];
	[sflag:s23] =	ssyncadd.s32 $0xFFFFFFFF  }
0xab: {  	s26 =	simm.s32 $execute0_lowered;
	[smem:$0x3FD2] =	sst s25  }
0xac: {  	s6 =	sshll.u32 s26, $0x1;
	_ =	strace $0x8000004C;
	[dreg:$0x1] =	wrdreg $0xFFFFFFFF  }
0xad: {  	s28 =	simm.s32 $_size_execute0_lowered;
	s4 =	sadd.s32 s4, s6;
	[dreg:$0x0] =	wrdreg $0x0  }
0xae: {  	s6 =	sshll.u32 s28, $0x1;
	[dreg:$0x2] =	wrdreg s4  }
0xaf: {  	[dreg:$0x3] =	wrdreg s6  }
0xb0: {  	[dreg:$0x4] =	wrdreg $0xC0  }
0xb1: {  	_ =	task [dreg:s8], $0x5FFFF  }
0xb2: {  	[dreg:$0x1] =	wrdreg $0xFFFFFFFF  }
0xb3: {  	[dreg:$0x0] =	wrdreg $0x60  }
0xb4: {  	[dreg:$0x2] =	wrdreg s17  }
0xb5: {  	[dreg:$0x3] =	wrdreg s16  }
0xb6: {  	[dreg:$0x4] =	wrdreg s24  }
0xb7: {  	[dreg:$0x5] =	wrdreg $0xA8000  }
0xb8: {  	[dreg:$0x6] =	wrdreg $0x9  }
0xb9: {  	_ =	task.clear_ibuf [dreg:s8], $0x7FFFF;
	_ =	strace $0x9000004C  }
0xba: {  	s29 =	simm.s32 $0x9;
	_ =	strace $0x8000004E  }
0xbb: {  	_ =	swait.ge [sflag:s29], $0x1  }
0xbc: {  	[sflag:s29] =	ssyncadd.s32 $0xFFFFFFFF  }
0xbd: {  	_ =	strace $0x9000004E  }
0xbe: {  	_ =	sfence  }
0xbf: {  	s30 =	sld [smem:$0x0];
	_ =	sdelay $0x2  }
0xc0: {  	s31 =	sshll.u32 s1, $0xD;
	s1 =	sshrl.u32 s1, $0x2  }
0xc1: {  	s3 =	sand.u32 $0x4000, s31;
	s1 =	sadd.s32 s1, s30  }
0xc2: {  	s0 =	sor.u32 s3, s0;
	s1 =	sshll.u32 s1, $0x11  }
0xc3: {  	s0 =	sor.u32 s1, s0  }
0xc4: {  	s0 =	sadd.s32 $0x8F2B, s0  }
0xc5: {  	[sflag:s0] =	ssyncadd.remote.s32 $0x1  }
0xc6: {  	_ =	sfence.sel $0xFFFF  }
0xc7: {  	[dreg:$0x0] =	wrdreg $0xFFFFFFFF;
	(pc) =	sbr.abs _section_cstart, $3  }
0xc8: {  	[dreg:$0x1] =	wrdreg $0xFFFFFFFF  }
0xc9: {  	_ =	task.clear_ibuf [dreg:s8], $0x2FFFF;
	_ =	strace $0x9FFFFFFF  }
0xca: {  	(tm) =	ssettm $0x7FFFFFFF  }
0xcb: {  	_ =	shalt  }
tec
execute0_lowered:
.L_overlay_start_1:
0x0: {  	(tag) =	ssettag $0x1  }
0x1: {  	s12 =	rddreg [dreg:$0x0]  }
0x2: {  	s13 =	rddreg [dreg:$0x1]  }
0x3: {  	s5 =	rddreg [dreg:$0x2]  }
0x4: {  	s2 =	rddreg [dreg:$0x3];
	s3 =	simm.s32 $0x0  }
0x5: {  	s0 =	stileid.u32;
	s6 =	srdreg.scid;
	s20 =	simm.s32 $0x80  }
0x6: {  	s21 =	simm.s32 $0x6800;
	s22 =	simm.s32 $0x1;
	s23 =	simm.s32 $0x2  }
0x7: {  	s28 =	simm.s32 $0x2700;
	s29 =	simm.s32 $0x2780;
	[smem:$0x7FF] =	sst s3  }
0x8: {  	s7 =	smul.u32 $0x50000, s0;
	s4 =	sadd.s32 $0x29E00, s5;
	s14 =	sadd.s32 $0x51000, s5  }
0x9: {  	s10 =	sand.u32 $0x1, s6;
	s19 =	smul.u32 $0x13C00, s0;
	s24 =	sadd.s32 $0x128400, s2  }
0xa: {  	s30 =	smul.u32 $0x4F000, s0;
	p0 =	seq.s32 s0, $0xF;
	_ =	strace $0x8000004D  }
0xb: {  	s6 =	ssub.s32 $0x2, s10;
	s26 =	sshll.u32 s10, $0x4;
	s17 =	smul.u32 $0x138800, s10  }
0xc: {  	s24 =	sshrl.u32 @p0 s24, $0x3;
	s7 =	sshrl.u32 s7, $0x2;
	s9 =	sor.u32 s0, s26  }
0xd: {  	s8 =	sshrl.u32 s6, $0x1;
	s26 =	simm.s32 $0x1380;
	s11 =	smul.u32 $0x2800, s9  }
0xe: {  	s5 =	sadd.s32 s7, s2;
	s16 =	ssub.s32 s6, s8;
	s15 =	smul.u32 $0x500, s9  }
0xf: {  	s31 =	sadd.s32 s19, s17;
	s17 =	sshrl.u32 s17, $0x3;
	s19 =	simm.s32 $0x1400  }
0x10: {  	s1 =	sadd.s32 $0x4000, s5;
	s7 =	sadd.s32 $0x8000, s5;
	s8 =	sadd.s32 $0xC000, s5  }
0x11: {  	s9 =	sadd.s32 $0x10000, s5;
	s17 =	sadd.s32 s14, s17;
	s16 =	smax.u32 s16, $0x1  }
0x12: {  	[dreg:$0x5] =	wrdreg s1;
	s11 =	sshrl.u32 s11, $0x3;
	s10 =	sadd.s32 s12, s15  }
0x13: {  	s18 =	sadd.s32 $0x280, s11;
	s11 =	sadd.s32 s13, s15;
	s15 =	sshrl.u32 s30, $0x2  }
0x14: {  	s12 =	sadd.s32 s12, s18;
	s13 =	sadd.s32 s13, s18;
	s18 =	sshrl.u32 s31, $0x3  }
0x15: {  	s25 =	sadd.s32 s15, s2;
	s15 =	sadd.s32 $0x25080, s17;
	s17 =	simm.s32 $0x2800  }
0x16: {  	v0 =	vimm.f32 $0.0e+00;
	s14 =	sadd.s32 s14, s18;
	s18 =	simm.s32 $0x3;
	s25 =	sshrl.u32 @!p0 s25, $0x3  }
.LBB2_1:
0x17: {  	s30 =	simm.s32 $0x0;
	s31 =	simm.s32 $0x200  }
.LBB2_2:
0x18: {  	p1 =	sne.s32 s31, $0xFE00;
	[tilespmem:s30+$0x2870] =	vst v0  }
0x19: {  	[tilespmem:s30+$0x2800] =	vst v0  }
0x1a: {  	[tilespmem:s30+$0x2810] =	vst v0  }
.Ltmp0:
0x1b: {  	[tilespmem:s30+$0x2820] =	vst v0;
	(pc) =	sbr.rel @p1 .LBB2_2-.Ltmp0, $4  }
0x1c: {  	[tilespmem:s30+$0x2830] =	vst v0  }
0x1d: {  	[tilespmem:s30+$0x2840] =	vst v0  }
0x1e: {  	[tilespmem:s30+$0x2850] =	vst v0  }
0x1f: {  	[tilespmem:s30+$0x2860] =	vst v0;
	s30 =	sshra.s32 s31, $0x2;
	s31 =	sadd.s32 $0x200, s31  }
0x20: {  	[tilespmem:s30+$0x2870] =	vst v0  }
0x21: {  	[tilespmem:s30+$0x2800] =	vst v0  }
0x22: {  	[tilespmem:s30+$0x2810] =	vst v0  }
0x23: {  	[tilespmem:s30+$0x2820] =	vst v0  }
0x24: {  	[tilespmem:s30+$0x2830] =	vst v0  }
0x25: {  	[tilespmem:s30+$0x2840] =	vst v0  }
0x26: {  	[tilespmem:s30+$0x2850] =	vst v0  }
0x27: {  	[tilespmem:s30+$0x2860] =	vst v0  }
0x28: {  	[spmem:s5] =	stream.linear.scatter [tilespmem:s17], [sflag:$0x3], $0x4000, $0x38;
	[tilespmem:$0x1E800] =	vst v63  }
0x29: {  	_ =	swait.ge [sflag:s18], $0x4000  }
0x2a: {  	[sflag:s18] =	ssyncset.done $0x0  }
0x2b: {  	s0 =	rddreg [dreg:$0x5];
	[sflag:s18] =	ssyncadd.s32 $0xFFFFC000  }
0x2c: {  	[spmem:s0] =	stream.linear.scatter [tilespmem:s17], [sflag:$0x3], $0x4000, $0x38;
	[tilespmem:$0x1E800] =	vst v63  }
0x2d: {  	_ =	swait.ge [sflag:s18], $0x4000  }
0x2e: {  	[sflag:s18] =	ssyncset.done $0x0  }
0x2f: {  	[sflag:s18] =	ssyncadd.s32 $0xFFFFC000  }
0x30: {  	[spmem:s7] =	stream.linear.scatter [tilespmem:s17], [sflag:$0x3], $0x4000, $0x38;
	[tilespmem:$0x1E800] =	vst v63  }
0x31: {  	_ =	swait.ge [sflag:s18], $0x4000  }
0x32: {  	[sflag:s18] =	ssyncset.done $0x0  }
0x33: {  	[sflag:s18] =	ssyncadd.s32 $0xFFFFC000  }
0x34: {  	[spmem:s8] =	stream.linear.scatter [tilespmem:s17], [sflag:$0x3], $0x4000, $0x38;
	[tilespmem:$0x1E800] =	vst v63  }
0x35: {  	_ =	swait.ge [sflag:s18], $0x4000  }
0x36: {  	[sflag:s18] =	ssyncset.done $0x0  }
0x37: {  	[sflag:s18] =	ssyncadd.s32 $0xFFFFC000  }
0x38: {  	[spmem:s9] =	stream.linear.scatter [tilespmem:s17], [sflag:$0x3], $0x4000, $0x38;
	[tilespmem:$0x1E800] =	vst v63  }
0x39: {  	_ =	swait.ge [sflag:s18], $0x4000  }
0x3a: {  	[sflag:s18] =	ssyncset.done $0x0  }
0x3b: {  	[sflag:s18] =	ssyncadd.s32 $0xFFFFC000  }
0x3c: {  	s30 =	simm.s32 $0x0;
	[bflag:$0x0] =	sbarrier.arrive $0xFFFF  }
0x3d: {  	[tilespmem:s30], [sflag:$0x3] =	stream.linear.gather [hbm4b:s10+s30], $0x1400, $0x38;
	[tilespmem:$0x1E800] =	vst v63  }
0x3e: {  	_ =	swait.ge [sflag:s18], $0x1400  }
0x3f: {  	[sflag:s18] =	ssyncset.done $0x0  }
0x40: {  	[sflag:s18] =	ssyncadd.s32 $0xFFFFEC00  }
0x41: {  	[tilespmem:s19], [sflag:$0x3] =	stream.linear.gather [hbm4b:s11+s30], $0x1400, $0x38;
	[tilespmem:$0x1E800] =	vst v63  }
0x42: {  	_ =	swait.ge [sflag:s18], $0x1400  }
0x43: {  	[sflag:s18] =	ssyncset.done $0x0  }
0x44: {  	[sflag:s18] =	ssyncadd.s32 $0xFFFFEC00  }
0x45: {  	[tilespmem:s17], [sflag:$0x1] =	stream.indirect.gather [hbm4b:s4+s20], $0x80, s30, s20, $0xb8;
	[tilespmem:$0x1E800] =	vst v63  }
0x46: {  	s30 =	simm.s32 $0x80  }
0x47: {  	[tilespmem:s21], [sflag:$0x2] =	stream.indirect.gather [hbm4b:s4+s20], $0x80, s30, s20, $0xb8;
	[tilespmem:$0x1E800] =	vst v63  }
0x48: {  	_ =	swait.ge [sflag:s22], $0x4000  }
0x49: {  	[sflag:s22] =	ssyncset.done $0x0  }
0x4a: {  	s30 =	simm.s32 $0x1400;
	[sflag:s22] =	ssyncadd.s32 $0xFFFFC000  }
0x4b: {  	[spmem:s2] =	stream.indirect.scatter.add.f32 [tilespmem:s17], [sflag:$0x3], $0x80, s30, s20, $0xb8;
	[tilespmem:$0x1E800] =	vst v63  }
0x4c: {  	_ =	swait.ge [sflag:s18], $0x4000  }
0x4d: {  	[sflag:s18] =	ssyncset.done $0x0  }
0x4e: {  	s30 =	simm.s32 $0x100;
	[sflag:s18] =	ssyncadd.s32 $0xFFFFC000  }
0x4f: {  	[tilespmem:s17], [sflag:$0x1] =	stream.indirect.gather [hbm4b:s4+s20], $0x80, s30, s20, $0xb8;
	[tilespmem:$0x1E800] =	vst v63  }
0x50: {  	_ =	swait.ge [sflag:s23], $0x4000  }
0x51: {  	[sflag:s23] =	ssyncset.done $0x0  }
0x52: {  	s30 =	simm.s32 $0x1480;
	[sflag:s23] =	ssyncadd.s32 $0xFFFFC000  }
0x53: {  	[spmem:s2] =	stream.indirect.scatter.add.f32 [tilespmem:s21], [sflag:$0x3], $0x80, s30, s20, $0xb8;
	[tilespmem:$0x1E800] =	vst v63  }
0x54: {  	_ =	swait.ge [sflag:s18], $0x4000  }
0x55: {  	s31 =	simm.s32 $0x800;
	s30 =	simm.s32 $0x100;
	[sflag:s18] =	ssyncset.done $0x0  }
.LBB2_4:
0x56: {  	s0 =	sadd.s32 $0x80, s30  }
0x57: {  	[sflag:s18] =	ssyncadd.s32 $0xFFFFC000;
	s1 =	smov.u32 s31;
	s6 =	sadd.s32 $0x400, s31  }
0x58: {  	[tilespmem:s21], [sflag:$0x2] =	stream.indirect.gather [hbm4b:s4+s20], $0x80, s0, s20, $0xb8;
	[tilespmem:$0x1E800] =	vst v63  }
0x59: {  	p1 =	sne.s32 s31, $0x4800;
	_ =	swait.ge [sflag:s22], $0x4000  }
0x5a: {  	[sflag:s22] =	ssyncset.done $0x0  }
0x5b: {  	s0 =	sadd.s32 $0x1400, s30;
	[sflag:s22] =	ssyncadd.s32 $0xFFFFC000  }
0x5c: {  	[spmem:s2] =	stream.indirect.scatter.add.f32 [tilespmem:s17], [sflag:$0x3], $0x80, s0, s20, $0xb8;
	[tilespmem:$0x1E800] =	vst v63  }
0x5d: {  	_ =	swait.ge [sflag:s18], $0x4000  }
0x5e: {  	[sflag:s18] =	ssyncset.done $0x0  }
0x5f: {  	s0 =	sadd.s32 $0x100, s30;
	[sflag:s18] =	ssyncadd.s32 $0xFFFFC000  }
0x60: {  	[tilespmem:s17], [sflag:$0x1] =	stream.indirect.gather [hbm4b:s4+s20], $0x80, s0, s20, $0xb8;
	[tilespmem:$0x1E800] =	vst v63  }
0x61: {  	_ =	swait.ge [sflag:s23], $0x4000  }
.Ltmp1:
0x62: {  	[sflag:s23] =	ssyncset.done $0x0;
	(pc) =	sbr.rel @p1 .LBB2_4-.Ltmp1, $4  }
0x63: {  	s0 =	sadd.s32 $0x1480, s30;
	[sflag:s23] =	ssyncadd.s32 $0xFFFFC000  }
0x64: {  	[spmem:s2] =	stream.indirect.scatter.add.f32 [tilespmem:s21], [sflag:$0x3], $0x80, s0, s20, $0xb8;
	[tilespmem:$0x1E800] =	vst v63  }
0x65: {  	_ =	swait.ge [sflag:s18], $0x4000  }
0x66: {  	s31 =	smov.u32 s6;
	s30 =	sshra.s32 s1, $0x2;
	[sflag:s18] =	ssyncset.done $0x0  }
0x67: {  	s0 =	sadd.s32 $0x80, s30;
	[sflag:s18] =	ssyncadd.s32 $0xFFFFC000  }
0x68: {  	[tilespmem:s21], [sflag:$0x2] =	stream.indirect.gather [hbm4b:s4+s20], $0x80, s0, s20, $0xb8;
	[tilespmem:$0x1E800] =	vst v63  }
0x69: {  	_ =	swait.ge [sflag:s22], $0x4000  }
0x6a: {  	[sflag:s22] =	ssyncset.done $0x0  }
0x6b: {  	s1 =	sadd.s32 $0x1400, s30;
	[sflag:s22] =	ssyncadd.s32 $0xFFFFC000  }
0x6c: {  	[spmem:s2] =	stream.indirect.scatter.add.f32 [tilespmem:s17], [sflag:$0x3], $0x80, s1, s20, $0xb8;
	[tilespmem:$0x1E800] =	vst v63  }
0x6d: {  	_ =	swait.ge [sflag:s18], $0x4000  }
0x6e: {  	[sflag:s18] =	ssyncset.done $0x0  }
0x6f: {  	s6 =	sadd.s32 $0x100, s30;
	[sflag:s18] =	ssyncadd.s32 $0xFFFFC000  }
0x70: {  	[tilespmem:s17], [sflag:$0x1] =	stream.indirect.gather [hbm4b:s4+s20], $0x80, s6, s20, $0xb8;
	[tilespmem:$0x1E800] =	vst v63  }
0x71: {  	_ =	swait.ge [sflag:s23], $0x4000  }
0x72: {  	[sflag:s23] =	ssyncset.done $0x0  }
0x73: {  	s1 =	sadd.s32 $0x1480, s30;
	[sflag:s23] =	ssyncadd.s32 $0xFFFFC000  }
0x74: {  	[spmem:s2] =	stream.indirect.scatter.add.f32 [tilespmem:s21], [sflag:$0x3], $0x80, s1, s20, $0xb8;
	[tilespmem:$0x1E800] =	vst v63  }
0x75: {  	_ =	swait.ge [sflag:s18], $0x4000  }
0x76: {  	[sflag:s18] =	ssyncset.done $0x0  }
0x77: {  	[sflag:s18] =	ssyncadd.s32 $0xFFFFC000  }
0x78: {  	[tilespmem:s21], [sflag:$0x2] =	stream.indirect.gather [hbm4b:s4+s20], $0x80, s26, s20, $0xb8;
	[tilespmem:$0x1E800] =	vst v63  }
0x79: {  	_ =	swait.ge [sflag:s22], $0x4000  }
0x7a: {  	[sflag:s22] =	ssyncset.done $0x0  }
0x7b: {  	[sflag:s22] =	ssyncadd.s32 $0xFFFFC000  }
0x7c: {  	[spmem:s2] =	stream.indirect.scatter.add.f32 [tilespmem:s17], [sflag:$0x3], $0x80, s28, s20, $0xb8;
	[tilespmem:$0x1E800] =	vst v63  }
0x7d: {  	_ =	swait.ge [sflag:s18], $0x4000  }
0x7e: {  	[sflag:s18] =	ssyncset.done $0x0  }
0x7f: {  	[sflag:s18] =	ssyncadd.s32 $0xFFFFC000  }
0x80: {  	_ =	swait.ge [sflag:s23], $0x4000  }
0x81: {  	[sflag:s23] =	ssyncset.done $0x0  }
0x82: {  	[sflag:s23] =	ssyncadd.s32 $0xFFFFC000  }
0x83: {  	[spmem:s2] =	stream.indirect.scatter.add.f32 [tilespmem:s21], [sflag:$0x3], $0x80, s29, s20, $0xb8;
	[tilespmem:$0x1E800] =	vst v63  }
0x84: {  	_ =	swait.ge [sflag:s18], $0x4000  }
0x85: {  	[sflag:s18] =	ssyncset.done $0x0  }
0x86: {  	s6 =	simm.s32 $0x0;
	[sflag:s18] =	ssyncadd.s32 $0xFFFFC000  }
0x87: {  	[tilespmem:s6], [sflag:$0x3] =	stream.linear.gather [hbm4b:s12+s6], $0x1400, $0x38;
	[tilespmem:$0x1E800] =	vst v63  }
0x88: {  	_ =	swait.ge [sflag:s18], $0x1400  }
0x89: {  	[sflag:s18] =	ssyncset.done $0x0  }
0x8a: {  	[sflag:s18] =	ssyncadd.s32 $0xFFFFEC00  }
0x8b: {  	[tilespmem:s19], [sflag:$0x3] =	stream.linear.gather [hbm4b:s13+s6], $0x1400, $0x38;
	[tilespmem:$0x1E800] =	vst v63  }
0x8c: {  	_ =	swait.ge [sflag:s18], $0x1400  }
0x8d: {  	[sflag:s18] =	ssyncset.done $0x0  }
0x8e: {  	[sflag:s18] =	ssyncadd.s32 $0xFFFFEC00  }
0x8f: {  	[tilespmem:s17], [sflag:$0x1] =	stream.indirect.gather [hbm4b:s4+s20], $0x80, s6, s20, $0xb8;
	[tilespmem:$0x1E800] =	vst v63  }
0x90: {  	s1 =	simm.s32 $0x80  }
0x91: {  	[tilespmem:s21], [sflag:$0x2] =	stream.indirect.gather [hbm4b:s4+s20], $0x80, s1, s20, $0xb8;
	[tilespmem:$0x1E800] =	vst v63  }
0x92: {  	_ =	swait.ge [sflag:s22], $0x4000  }
0x93: {  	[sflag:s22] =	ssyncset.done $0x0  }
0x94: {  	s6 =	simm.s32 $0x1400;
	[sflag:s22] =	ssyncadd.s32 $0xFFFFC000  }
0x95: {  	[spmem:s2] =	stream.indirect.scatter.add.f32 [tilespmem:s17], [sflag:$0x3], $0x80, s6, s20, $0xb8;
	[tilespmem:$0x1E800] =	vst v63  }
0x96: {  	_ =	swait.ge [sflag:s18], $0x4000  }
0x97: {  	[sflag:s18] =	ssyncset.done $0x0  }
0x98: {  	s1 =	simm.s32 $0x100;
	[sflag:s18] =	ssyncadd.s32 $0xFFFFC000  }
0x99: {  	[tilespmem:s17], [sflag:$0x1] =	stream.indirect.gather [hbm4b:s4+s20], $0x80, s1, s20, $0xb8;
	[tilespmem:$0x1E800] =	vst v63  }
0x9a: {  	_ =	swait.ge [sflag:s23], $0x4000  }
0x9b: {  	[sflag:s23] =	ssyncset.done $0x0  }
0x9c: {  	s6 =	simm.s32 $0x1480;
	[sflag:s23] =	ssyncadd.s32 $0xFFFFC000  }
0x9d: {  	[spmem:s2] =	stream.indirect.scatter.add.f32 [tilespmem:s21], [sflag:$0x3], $0x80, s6, s20, $0xb8;
	[tilespmem:$0x1E800] =	vst v63  }
0x9e: {  	_ =	swait.ge [sflag:s18], $0x4000  }
0x9f: {  	s31 =	simm.s32 $0x800;
	s30 =	simm.s32 $0x100;
	[sflag:s18] =	ssyncset.done $0x0  }
.LBB2_6:
0xa0: {  	s0 =	sadd.s32 $0x80, s30  }
0xa1: {  	[sflag:s18] =	ssyncadd.s32 $0xFFFFC000;
	s1 =	smov.u32 s31;
	s6 =	sadd.s32 $0x400, s31  }
0xa2: {  	[tilespmem:s21], [sflag:$0x2] =	stream.indirect.gather [hbm4b:s4+s20], $0x80, s0, s20, $0xb8;
	[tilespmem:$0x1E800] =	vst v63  }
0xa3: {  	p1 =	sne.s32 s31, $0x4800;
	_ =	swait.ge [sflag:s22], $0x4000  }
0xa4: {  	[sflag:s22] =	ssyncset.done $0x0  }
0xa5: {  	s0 =	sadd.s32 $0x1400, s30;
	[sflag:s22] =	ssyncadd.s32 $0xFFFFC000  }
0xa6: {  	[spmem:s2] =	stream.indirect.scatter.add.f32 [tilespmem:s17], [sflag:$0x3], $0x80, s0, s20, $0xb8;
	[tilespmem:$0x1E800] =	vst v63  }
0xa7: {  	_ =	swait.ge [sflag:s18], $0x4000  }
0xa8: {  	[sflag:s18] =	ssyncset.done $0x0  }
0xa9: {  	s0 =	sadd.s32 $0x100, s30;
	[sflag:s18] =	ssyncadd.s32 $0xFFFFC000  }
0xaa: {  	[tilespmem:s17], [sflag:$0x1] =	stream.indirect.gather [hbm4b:s4+s20], $0x80, s0, s20, $0xb8;
	[tilespmem:$0x1E800] =	vst v63  }
0xab: {  	_ =	swait.ge [sflag:s23], $0x4000  }
.Ltmp2:
0xac: {  	[sflag:s23] =	ssyncset.done $0x0;
	(pc) =	sbr.rel @p1 .LBB2_6-.Ltmp2, $4  }
0xad: {  	s0 =	sadd.s32 $0x1480, s30;
	[sflag:s23] =	ssyncadd.s32 $0xFFFFC000  }
0xae: {  	[spmem:s2] =	stream.indirect.scatter.add.f32 [tilespmem:s21], [sflag:$0x3], $0x80, s0, s20, $0xb8;
	[tilespmem:$0x1E800] =	vst v63  }
0xaf: {  	_ =	swait.ge [sflag:s18], $0x4000  }
0xb0: {  	s31 =	smov.u32 s6;
	s30 =	sshra.s32 s1, $0x2;
	[sflag:s18] =	ssyncset.done $0x0  }
0xb1: {  	s0 =	sadd.s32 $0x80, s30;
	[sflag:s18] =	ssyncadd.s32 $0xFFFFC000  }
0xb2: {  	[tilespmem:s21], [sflag:$0x2] =	stream.indirect.gather [hbm4b:s4+s20], $0x80, s0, s20, $0xb8;
	[tilespmem:$0x1E800] =	vst v63  }
0xb3: {  	_ =	swait.ge [sflag:s22], $0x4000  }
0xb4: {  	[sflag:s22] =	ssyncset.done $0x0  }
0xb5: {  	s1 =	sadd.s32 $0x1400, s30;
	[sflag:s22] =	ssyncadd.s32 $0xFFFFC000  }
0xb6: {  	[spmem:s2] =	stream.indirect.scatter.add.f32 [tilespmem:s17], [sflag:$0x3], $0x80, s1, s20, $0xb8;
	[tilespmem:$0x1E800] =	vst v63  }
0xb7: {  	_ =	swait.ge [sflag:s18], $0x4000  }
0xb8: {  	[sflag:s18] =	ssyncset.done $0x0  }
0xb9: {  	s6 =	sadd.s32 $0x100, s30;
	[sflag:s18] =	ssyncadd.s32 $0xFFFFC000  }
0xba: {  	[tilespmem:s17], [sflag:$0x1] =	stream.indirect.gather [hbm4b:s4+s20], $0x80, s6, s20, $0xb8;
	[tilespmem:$0x1E800] =	vst v63  }
0xbb: {  	_ =	swait.ge [sflag:s23], $0x4000  }
0xbc: {  	[sflag:s23] =	ssyncset.done $0x0  }
0xbd: {  	s31 =	sadd.s32 $0x1480, s30;
	[sflag:s23] =	ssyncadd.s32 $0xFFFFC000  }
0xbe: {  	[spmem:s2] =	stream.indirect.scatter.add.f32 [tilespmem:s21], [sflag:$0x3], $0x80, s31, s20, $0xb8;
	[tilespmem:$0x1E800] =	vst v63  }
0xbf: {  	_ =	swait.ge [sflag:s18], $0x4000  }
0xc0: {  	[sflag:s18] =	ssyncset.done $0x0  }
0xc1: {  	[sflag:s18] =	ssyncadd.s32 $0xFFFFC000  }
0xc2: {  	[tilespmem:s21], [sflag:$0x2] =	stream.indirect.gather [hbm4b:s4+s20], $0x80, s26, s20, $0xb8;
	[tilespmem:$0x1E800] =	vst v63  }
0xc3: {  	_ =	swait.ge [sflag:s22], $0x4000  }
0xc4: {  	[sflag:s22] =	ssyncset.done $0x0  }
0xc5: {  	[sflag:s22] =	ssyncadd.s32 $0xFFFFC000  }
0xc6: {  	[spmem:s2] =	stream.indirect.scatter.add.f32 [tilespmem:s17], [sflag:$0x3], $0x80, s28, s20, $0xb8;
	[tilespmem:$0x1E800] =	vst v63  }
0xc7: {  	_ =	swait.ge [sflag:s18], $0x4000  }
0xc8: {  	[sflag:s18] =	ssyncset.done $0x0  }
0xc9: {  	[sflag:s18] =	ssyncadd.s32 $0xFFFFC000  }
0xca: {  	_ =	swait.ge [sflag:s23], $0x4000  }
0xcb: {  	[sflag:s23] =	ssyncset.done $0x0  }
0xcc: {  	[sflag:s23] =	ssyncadd.s32 $0xFFFFC000  }
0xcd: {  	[spmem:s2] =	stream.indirect.scatter.add.f32 [tilespmem:s21], [sflag:$0x3], $0x80, s29, s20, $0xb8;
	[tilespmem:$0x1E800] =	vst v63  }
0xce: {  	_ =	swait.ge [sflag:s18], $0x4000  }
0xcf: {  	[sflag:s18] =	ssyncset.done $0x0  }
0xd0: {  	[sflag:s18] =	ssyncadd.s32 $0xFFFFC000  }
0xd1: {  	s0 =	simm.s32 @p0 $0x1FC3;
	[bflag:$0x0] =	sbarrier.arrive $0xFFFF  }
0xd2: {  	[hbm:s15], [sflag:s0] =	dma.local @p0 [spmem:s24], $0x2080  }
0xd3: {  	s0 =	simm.s32 @p0 $0x3  }
0xd4: {  	s1 =	stileid.u32;
	_ =	swait.ge @p0 [sflag:s0], $0x2080  }
0xd5: {  	s3 =	sadd.s32 $0x1, s3;
	s1 =	sshll.u32 @!p0 s1, $0x6;
	[sflag:s0] =	ssyncset.done @p0 $0x0  }
0xd6: {  	p1 =	sne.s32 s3, s16;
	[sflag:s0] =	ssyncadd.s32 @p0 $0xFFFFDF80;
	s0 =	sor.u32 @!p0 $0x1C03, s1  }
0xd7: {  	[hbm:s14], [sflag:s0] =	dma.local @!p0 [spmem:s25], $0x2780  }
.Ltmp3:
0xd8: {  	_ = 	snop;
	(pc) =	sbr.rel @p1 .LBB2_1-.Ltmp3, $4  }
0xd9: {  	s0 =	simm.s32 @!p0 $0x3  }
0xda: {  	_ =	swait.ge @!p0 [sflag:s0], $0x2780  }
0xdb: {  	[sflag:s0] =	ssyncset.done @!p0 $0x0  }
0xdc: {  	[sflag:s0] =	ssyncadd.s32 @!p0 $0xFFFFD880  }
0xdd: {  	_ =	sfence.sel $0x180000  }
0xde: {  	[bflag:$0x0] =	sbarrier.arrive $0xFFFF  }
0xdf: {  	_ =	strace $0x9000004D  }
0xe0: {  	s0 =	stileid.u32;
	[bflag:$0x2] =	sbarrier.arrive $0xFFFF  }
0xe1: {  	p0 =	sne.s32 s0, $0x0;
	s0 =	rddreg [dreg:$0x4]  }
0xe2: {  	s0 =	sadd.s32 @!p0 $0x100000, s0  }
0xe3: {  	[sflag:s0] =	ssyncadd.tile.s32 @!p0 $0x1;
	_ =	shalt  }
.Lfunc_end2:
_tile_overlayer_lowered:
.L_overlay_start_2:
0xe4: {  	(tag) =	ssettag $0x2  }
0xe5: {  	s0 =	rddreg [dreg:$0x0];
	s2 =	stileid.u32  }
0xe6: {  	s1 =	rddreg [dreg:$0x1];
	p0 =	sne.s32 s2, $0x0  }
0xe7: {  	s3 =	rddreg [dreg:$0x2];
	[bflag:$0x3] =	sbarrier.arrive $0xFFFF;
	s2 =	simm.s32 @!p0 $0x1C03  }
0xe8: {  	[timem:s3], [sflag:s2] =	dma.local @!p0 [hbm:s0], s1  }
0xe9: {  	s0 =	simm.s32 @!p0 $0x3  }
0xea: {  	_ =	swait.ge @!p0 [sflag:s0], s1  }
0xeb: {  	s1 =	ssub.s32 @!p0 $0x0, s1;
	[sflag:s0] =	ssyncset.done @!p0 $0x0  }
0xec: {  	[sflag:s0] =	ssyncadd.s32 @!p0 s1  }
0xed: {  	[bflag:$0x3] =	sbarrier.arrive $0xFFFF  }
0xee: {  	_ =	shalt  }

// kernel: kernel.8.cloned.1.call-start
scs
__scs_entry_jumppad:
0x0: {  	(pc) =	sbr.rel $0x88, $3  }
0x1: {  	(tag) =	ssettag $0x0;
	lr =	simm.s32 $0x1  }
0x2: {  	[smem:$0x3F97] =	sst lr;
	_ =	strace $0xD0000000  }
0x3: {  	_ = 	snop  }
0x4: {  	_ = 	snop  }
0x5: {  	_ = 	snop  }
0x6: {  	_ = 	snop  }
0x7: {  	_ = 	snop  }
__scs_overlays_trampoline_lowered:
0x8: {  	[smem:$0x3FA6] =	sst s0  }
0x9: {  	[smem:$0x3FA7] =	sst s1  }
0xa: {  	[smem:$0x3FA8] =	sst s2  }
0xb: {  	[smem:$0x3FA9] =	sst s3  }
0xc: {  	[smem:$0x3FAA] =	sst s4  }
0xd: {  	[smem:$0x3FAB] =	sst s5  }
0xe: {  	[smem:$0x3FAC] =	sst s6  }
0xf: {  	[smem:$0x3FAD] =	sst s7  }
0x10: {  	[smem:$0x3FAE] =	sst s8  }
0x11: {  	[smem:$0x3FAF] =	sst s9;
	s0 =	simm.s32 @!p0 $0x0  }
0x12: {  	s1 =	sld [smem:$0x3F95];
	s0 =	simm.s32 @p0 $0x1  }
0x13: {  	[smem:$0x3FB0] =	sst s0;
	s0 =	simm.s32 @!p1 $0x0  }
0x14: {  	s2 =	sld [smem:$0x3F94];
	s0 =	simm.s32 @p1 $0x1  }
0x15: {  	[smem:$0x3FB1] =	sst s0;
	s0 =	simm.s32 @!p2 $0x0  }
0x16: {  	s3 =	sld [smem:$0x3FDB];
	s0 =	simm.s32 @p2 $0x1  }
0x17: {  	s4 =	simm.s32 $0x1BF5;
	[smem:$0x3FB3] =	sst s0  }
0x18: {  	s0 =	sld [smem:$0x3F96];
	_ =	swait.ge [sflag:s4], $0x0  }
0x19: {  	s7 =	sld [smem:$0x3F97]  }
0x1a: {  	s8 =	sadd.s32 $0xFFFFE003, lr  }
0x1b: {  	s9 =	sadd.s32 $0xFFFFFEF7, lr;
	s5 =	simm.s32 $0xFFFFFFFF;
	p2 =	slt.u32 s8, $0xFFFFF086  }
0x1c: {  	p1 =	slt.u32 s9, $0xF7A;
	s5 =	simm.s32 @!p2 $0x0  }
0x1d: {  	s5 =	simm.s32 @p1 $0x1;
	p0 =	seq.s32 s7, s2  }
0x1e: {  	s7 =	smul.u32 @!p0 $0xF7A, s2;
	p2 =	seq.s32 @!p0 s5, $0x0  }
0x1f: {  	s9 =	smul.u32 $0xF7A, s1;
	s8 =	simm.s32 @!p0 $0x1BF5;
	p2 =	por !p2, p0  }
0x20: {  	[sflag:s8] =	ssyncset.s32 @!p0 $0xFFFFF086;
	s6 =	sadd.s32 @!p0 s3, s7;
	s7 =	simm.s32 @!p0 $0x108  }
0x21: {  	s3 =	sadd.s32 s3, s9;
	s6 =	sadd.s32 @!p0 $0x88, s6;
	s7 =	simm.s32 @p2 $0x1082  }
0x22: {  	[simem:s7], [sflag:s8] =	dma.local @!p0 [hbm:s6], $0xF7A  }
0x23: {  	s9 =	sor.u32 $0xD0000000, s2;
	s6 =	simm.s32 $0x108;
	_ =	swait.ge @!p0 [sflag:s8], $0x0  }
0x24: {  	s3 =	sadd.s32 $0x88, s3;
	s6 =	simm.s32 @!p1 $0x1082;
	[sflag:s4] =	ssyncset.s32 $0xFFFFF086  }
0x25: {  	[simem:s6], [sflag:s4] =	dma.local [hbm:s3], $0xF7A  }
0x26: {  	[smem:$0x3F97] =	sst s1;
	(tag) =	ssettag s2;
	_ =	strace s9  }
0x27: {  	s1 =	sld [smem:$0x3FA7]  }
0x28: {  	s2 =	sld [smem:$0x3FA8]  }
0x29: {  	s4 =	sld [smem:$0x3FAA]  }
0x2a: {  	p0 =	seq.s32 s5, $0x0;
	s5 =	sld [smem:$0x3FAB]  }
0x2b: {  	s6 =	sld [smem:$0x3FAC]  }
0x2c: {  	s7 =	sld [smem:$0x3FAD]  }
0x2d: {  	s3 =	simm.s32 $0x108;
	s8 =	sld [smem:$0x3FAE]  }
0x2e: {  	s3 =	simm.s32 @!p0 $0x1082;
	s9 =	sld [smem:$0x3FAF]  }
0x2f: {  	lr =	sadd.s32 s0, s3;
	s0 =	sld [smem:$0x3FA6]  }
0x30: {  	s3 =	sld [smem:$0x3FA9]  }
0x31: {  	[smem:$0x3FB2] =	sst s10  }
0x32: {  	s10 =	sld [smem:$0x3FB0];
	_ =	sdelay $0x3  }
0x33: {  	p0 =	seq.s32 s10, $0x1;
	s10 =	sld [smem:$0x3FB2];
	_ =	sdelay $0x3  }
0x34: {  	[smem:$0x3FB2] =	sst s10  }
0x35: {  	s10 =	sld [smem:$0x3FB1];
	_ =	sdelay $0x3  }
0x36: {  	p1 =	seq.s32 s10, $0x1;
	s10 =	sld [smem:$0x3FB2];
	_ =	sdelay $0x3  }
0x37: {  	[smem:$0x3FB2] =	sst s10  }
0x38: {  	s10 =	sld [smem:$0x3FB3]  }
0x39: {  	_ = 	snop;
	(pc) =	sbr.ind lr, $3  }
0x3a: {  	_ = 	snop  }
0x3b: {  	_ = 	snop  }
0x3c: {  	p2 =	seq.s32 s10, $0x1;
	s10 =	sld [smem:$0x3FB2]  }
0x3d: {  	_ =	shalt  }
0x3e: {  	_ =	shalt  }
0x3f: {  	_ =	shalt  }
0x40: {  	_ =	shalt  }
0x41: {  	_ =	shalt  }
0x42: {  	_ =	shalt  }
0x43: {  	_ =	shalt  }
0x44: {  	_ =	shalt  }
0x45: {  	_ =	shalt  }
0x46: {  	_ =	shalt  }
0x47: {  	_ =	shalt  }
0x48: {  	_ =	shalt  }
0x49: {  	_ =	shalt  }
0x4a: {  	_ =	shalt  }
0x4b: {  	_ =	shalt  }
0x4c: {  	_ =	shalt  }
0x4d: {  	_ =	shalt  }
0x4e: {  	_ =	shalt  }
0x4f: {  	_ =	shalt  }
0x50: {  	_ =	shalt  }
0x51: {  	_ =	shalt  }
0x52: {  	_ =	shalt  }
0x53: {  	_ =	shalt  }
0x54: {  	_ =	shalt  }
0x55: {  	_ =	shalt  }
0x56: {  	_ =	shalt  }
0x57: {  	_ =	shalt  }
0x58: {  	_ =	shalt  }
0x59: {  	_ =	shalt  }
0x5a: {  	_ =	shalt  }
0x5b: {  	_ =	shalt  }
0x5c: {  	_ =	shalt  }
0x5d: {  	_ =	shalt  }
0x5e: {  	_ =	shalt  }
0x5f: {  	_ =	shalt  }
0x60: {  	_ =	shalt  }
0x61: {  	_ =	shalt  }
0x62: {  	_ =	shalt  }
0x63: {  	_ =	shalt  }
0x64: {  	_ =	shalt  }
0x65: {  	_ =	shalt  }
0x66: {  	_ =	shalt  }
0x67: {  	_ =	shalt  }
0x68: {  	_ =	shalt  }
0x69: {  	_ =	shalt  }
0x6a: {  	_ =	shalt  }
0x6b: {  	_ =	shalt  }
0x6c: {  	_ =	shalt  }
0x6d: {  	_ =	shalt  }
0x6e: {  	_ =	shalt  }
0x6f: {  	_ =	shalt  }
0x70: {  	_ =	shalt  }
0x71: {  	_ =	shalt  }
0x72: {  	_ =	shalt  }
0x73: {  	_ =	shalt  }
0x74: {  	_ =	shalt  }
0x75: {  	_ =	shalt  }
0x76: {  	_ =	shalt  }
0x77: {  	_ =	shalt  }
0x78: {  	_ =	shalt  }
0x79: {  	_ =	shalt  }
0x7a: {  	_ =	shalt  }
0x7b: {  	_ =	shalt  }
0x7c: {  	_ =	shalt  }
0x7d: {  	_ =	shalt  }
0x7e: {  	_ =	shalt  }
0x7f: {  	_ =	shalt  }
0x80: {  	_ =	shalt  }
0x81: {  	_ =	shalt  }
0x82: {  	_ =	shalt  }
0x83: {  	_ =	shalt  }
0x84: {  	_ =	shalt  }
0x85: {  	_ =	shalt  }
0x86: {  	_ =	shalt  }
0x87: {  	_ =	shalt  }
.Lfunc_end0:
.L_simem_size_0:
called_computation_lowered:
.L_overlay_start_0:
0x88: {  	s2 =	sld [smem:$0x3FD9]  }
0x89: {  	s3 =	sld [smem:$0x3FFE];
	_ =	sdelay $0x1  }
0x8a: {  	s1 =	srdreg.scid  }
0x8b: {  	s0 =	sand.u32 $0x1, s1  }
0x8c: {  	s14 =	sshll.u32 s0, $0xA;
	s2 =	sadd.s32 s3, s2  }
0x8d: {  	s2 =	sadd.s32 s2, s14  }
0x8e: {  	[smem:$0x3FBE] =	sst s2  }
0x8f: {  	_ = 	snop  }
0x90: {  	s2 =	sld [smem:$0x3FD0];
	_ =	sdelay $0x2  }
0x91: {  	s15 =	simm.s32 $0xA;
	s4 =	simm.s32 $0x10  }
0x92: {  	[smem:s4], [sflag:s15] =	dma.local [hbm:s2], $0x1  }
0x93: {  	_ =	swait.eq [sflag:s15], $0x1  }
0x94: {  	[sflag:s15] =	ssyncset.done $0x0  }
0x95: {  	[sflag:s15] =	ssyncadd.s32 $0xFFFFFFFF  }
0x96: {  	s16 =	sld [smem:$0x10];
	(tm) =	ssettm $0x1  }
0x97: {  	s17 =	sld [smem:$0x3FFB];
	_ =	sdelay $0x3  }
0x98: {  	_ =	strace s17  }
0x99: {  	s3 =	sld [smem:$0x3FFC];
	_ =	sdelay $0x3  }
0x9a: {  	_ =	strace s3  }
0x9b: {  	s3 =	sld [smem:$0x3FFD];
	_ =	sdelay $0x3  }
0x9c: {  	_ =	strace s3  }
0x9d: {  	_ =	strace $0x8FFFFFFF  }
0x9e: {  	s18 =	sld [smem:$0x3FDB];
	_ =	sdelay $0x1  }
0x9f: {  	s19 =	simm.s32 $_scs_section_size  }
0xa0: {  	s5 =	simm.s32 $_size__tile_overlayer_lowered;
	s6 =	simm.s32 $_tile_overlayer_lowered  }
0xa1: {  	s22 =	simm.s32 $0x1BFF;
	s21 =	sshll.u32 s6, $0x1;
	s3 =	sadd.s32 s19, s18  }
0xa2: {  	s7 =	simm.s32 $0x0;
	s20 =	sshll.u32 s5, $0x1;
	s5 =	sadd.s32 s21, s3  }
0xa3: {  	[timem:s7], [sflag:s22] =	dma.local [hbm:s5], s20  }
0xa4: {  	_ =	swait.ge [sflag:s22], s20  }
0xa5: {  	s4 =	ssub.s32 $0x0, s20;
	[sflag:s22] =	ssyncset.done $0x0  }
0xa6: {  	[sflag:s22] =	ssyncadd.s32 s4;
	_ =	sdelay $0x1  }
0xa7: {  	s23 =	simm.s32 $0x1B8B  }
0xa8: {  	_ =	swait.ge [sflag:s23], $0x1  }
0xa9: {  	[sflag:s23] =	ssyncset.done $0x0  }
0xaa: {  	s25 =	simm.s32 $0x1B8E;
	s24 =	sld [smem:$0x3FFE];
	[sflag:s23] =	ssyncadd.s32 $0xFFFFFFFF  }
0xab: {  	s26 =	simm.s32 $execute0_lowered;
	[smem:$0x3FD2] =	sst s25  }
0xac: {  	s5 =	sshll.u32 s26, $0x1;
	_ =	strace $0x80000046;
	[dreg:$0x1] =	wrdreg $0xFFFFFFFF  }
0xad: {  	s28 =	simm.s32 $_size_execute0_lowered;
	s3 =	sadd.s32 s3, s5;
	[dreg:$0x0] =	wrdreg $0x0  }
0xae: {  	s5 =	sshll.u32 s28, $0x1;
	[dreg:$0x2] =	wrdreg s3  }
0xaf: {  	[dreg:$0x3] =	wrdreg s5  }
0xb0: {  	[dreg:$0x4] =	wrdreg $0xC0  }
0xb1: {  	_ =	task [dreg:s7], $0x5FFFF  }
0xb2: {  	[dreg:$0x1] =	wrdreg $0xFFFFFFFF  }
0xb3: {  	[dreg:$0x0] =	wrdreg $0x60  }
0xb4: {  	[dreg:$0x2] =	wrdreg s16  }
0xb5: {  	[dreg:$0x3] =	wrdreg s24  }
0xb6: {  	[dreg:$0x4] =	wrdreg $0x28800  }
0xb7: {  	[dreg:$0x5] =	wrdreg $0x9  }
0xb8: {  	_ =	task.clear_ibuf [dreg:s7], $0x6FFFF;
	_ =	strace $0x90000046  }
0xb9: {  	s29 =	simm.s32 $0x9;
	_ =	strace $0x80000048  }
0xba: {  	_ =	swait.ge [sflag:s29], $0x1  }
0xbb: {  	[sflag:s29] =	ssyncadd.s32 $0xFFFFFFFF  }
0xbc: {  	_ =	strace $0x90000048  }
0xbd: {  	_ =	sfence  }
0xbe: {  	s30 =	sld [smem:$0x0];
	_ =	sdelay $0x2  }
0xbf: {  	s31 =	sshll.u32 s1, $0xD;
	s1 =	sshrl.u32 s1, $0x2  }
0xc0: {  	s3 =	sand.u32 $0x4000, s31;
	s1 =	sadd.s32 s1, s30  }
0xc1: {  	s0 =	sor.u32 s3, s0;
	s1 =	sshll.u32 s1, $0x11  }
0xc2: {  	s0 =	sor.u32 s1, s0  }
0xc3: {  	s0 =	sadd.s32 $0x8F2B, s0  }
0xc4: {  	[sflag:s0] =	ssyncadd.remote.s32 $0x1  }
0xc5: {  	_ =	sfence.sel $0xFFFF  }
0xc6: {  	[dreg:$0x0] =	wrdreg $0xFFFFFFFF;
	(pc) =	sbr.abs _section_cstart, $3  }
0xc7: {  	[dreg:$0x1] =	wrdreg $0xFFFFFFFF  }
0xc8: {  	_ =	task.clear_ibuf [dreg:s7], $0x2FFFF;
	_ =	strace $0x9FFFFFFF  }
0xc9: {  	(tm) =	ssettm $0x7FFFFFFF  }
tec
execute0_lowered:
.L_overlay_start_1:
0x0: {  	(tag) =	ssettag $0x1  }
0x1: {  	s4 =	rddreg [dreg:$0x0]  }
0x2: {  	s5 =	rddreg [dreg:$0x1]  }
0x3: {  	s2 =	rddreg [dreg:$0x2]  }
0x4: {  	s0 =	rddreg [dreg:$0x3];
	s3 =	simm.s32 $0x0;
	s1 =	stileid.u32  }
0x5: {  	s7 =	srdreg.scid;
	s12 =	simm.s32 $0x2800;
	s13 =	simm.s32 $0x1  }
0x6: {  	s14 =	simm.s32 $0x20;
	s15 =	simm.s32 $0x10;
	s16 =	simm.s32 $0x0  }
0x7: {  	[smem:$0x7FF] =	sst s3;
	s6 =	smul.u32 $0x280, s1;
	s7 =	sand.u32 $0x1, s7  }
0x8: {  	s8 =	smul.u32 $0x500, s1;
	s31 =	sshll.u32 s1, $0x6;
	_ =	strace $0x80000047  }
0x9: {  	s10 =	sshll.u32 s7, $0x7;
	s11 =	sshll.u32 s7, $0x4;
	s7 =	ssub.s32 $0x2, s7  }
0xa: {  	s9 =	sshrl.u32 s6, $0x3;
	s8 =	sor.u32 s10, s8;
	s28 =	sor.u32 s1, s11  }
0xb: {  	s29 =	sshrl.u32 s7, $0x1;
	s30 =	sadd.s32 s6, s2;
	s11 =	simm.s32 $0x80  }
0xc: {  	s8 =	sshrl.u32 s8, $0x3;
	s10 =	smul.u32 $0x500, s28;
	s9 =	sadd.s32 s9, s5  }
0xd: {  	s7 =	ssub.s32 s7, s29;
	s8 =	sadd.s32 s8, s5;
	s5 =	sadd.s32 $0x2C00, s9  }
0xe: {  	s7 =	smax.u32 s7, $0x1;
	s9 =	sor.u32 $0x1C02, s31;
	s4 =	sadd.s32 s4, s10  }
0xf: {  	v0 =	vimm.f32 $1.000000000e+00;
	s6 =	sadd.s32 $0x3200, s8;
	s8 =	simm.s32 $0x2;
	s10 =	sshrl.u32 s30, $0x3  }
.LBB2_1:
0x10: {  	[tilespmem:$0x2800] =	vst v0  }
0x11: {  	[tilespmem:$0x2810] =	vst v0  }
0x12: {  	[tilespmem:$0x2820] =	vst v0  }
0x13: {  	[tilespmem:$0x2830] =	vst v0  }
0x14: {  	[tilespmem:$0x2840] =	vst v0  }
0x15: {  	[tilespmem:$0x2850] =	vst v0  }
0x16: {  	[tilespmem:$0x2860] =	vst v0  }
0x17: {  	[tilespmem:$0x2870] =	vst v0  }
0x18: {  	[tilespmem:s3], [sflag:$0x2] =	stream.linear.gather [hbm4b:s4+s3], $0x2800, $0x38;
	[tilespmem:$0x2B00] =	vst v63  }
0x19: {  	_ =	swait.ge [sflag:s8], $0x2800  }
0x1a: {  	[sflag:s8] =	ssyncset.done $0x0  }
0x1b: {  	[sflag:s8] =	ssyncadd.s32 $0xFFFFD800  }
0x1c: {  	[spmem:s10], [sflag:s9] =	dma.local [hbm:s5], $0x50  }
0x1d: {  	_ =	swait.ge [sflag:s8], $0x50  }
0x1e: {  	[sflag:s8] =	ssyncset.done $0x0  }
0x1f: {  	p0 =	por $0x1, $0x1;
	[sflag:s8] =	ssyncadd.s32 $0xFFFFFFB0  }
0x20: {  	s19 =	simm.s32 @!p0 $0x1;
	[bflag:$0x0] =	sbarrier.arrive $0xFFFF  }
0x21: {  	[spmem:s2] =	stream.indirect.scatter.add.f32 [tilespmem:s12], [sflag:$0x1], $0x1, s3, s11, $0xb8;
	[tilespmem:$0x2B00] =	vst v63  }
0x22: {  	_ =	swait.ge @!p0 [sflag:s19], $0x80  }
0x23: {  	s17 =	simm.s32 $0x1;
	s18 =	simm.s32 $0x0;
	[sflag:s19] =	ssyncset.done @!p0 $0x0  }
.LBB2_2:
0x24: {  	[sflag:s19] =	ssyncadd.s32 @!p0 $0xFFFFFF80  }
0x25: {  	s18 =	sadd.s32 $0x80, s18;
	s19 =	smov.u32 s17;
	s17 =	sadd.s32 $0x1, s17  }
0x26: {  	p1 =	sne.s32 s17, $0x50  }
0x27: {  	[spmem:s2] =	stream.indirect.scatter.add.f32 [tilespmem:s12], [sflag:$0x1], $0x1, s18, s11, $0xb8;
	[tilespmem:$0x2B00] =	vst v63  }
.Ltmp0:
0x28: {  	_ = 	snop;
	(pc) =	sbr.rel @p1 .LBB2_2-.Ltmp0, $4  }
0x29: {  	p0 =	slt.u32 s19, $0x8  }
0x2a: {  	s19 =	simm.s32 @!p0 $0x1  }
0x2b: {  	_ =	swait.ge @!p0 [sflag:s19], $0x80  }
0x2c: {  	[sflag:s19] =	ssyncset.done @!p0 $0x0  }
0x2d: {  	[sflag:s19] =	ssyncadd.s32 @!p0 $0xFFFFFF80  }
0x2e: {  	_ =	swait.ge [sflag:s13], $0x80  }
0x2f: {  	[sflag:s13] =	ssyncset.done $0x0  }
0x30: {  	[sflag:s13] =	ssyncadd.s32 $0xFFFFFF80  }
0x31: {  	_ =	swait.ge [sflag:s13], $0x80  }
0x32: {  	[sflag:s13] =	ssyncset.done $0x0  }
0x33: {  	[sflag:s13] =	ssyncadd.s32 $0xFFFFFF80  }
0x34: {  	_ =	swait.ge [sflag:s13], $0x80  }
0x35: {  	[sflag:s13] =	ssyncset.done $0x0  }
0x36: {  	[sflag:s13] =	ssyncadd.s32 $0xFFFFFF80  }
0x37: {  	_ =	swait.ge [sflag:s13], $0x80  }
0x38: {  	[sflag:s13] =	ssyncset.done $0x0  }
0x39: {  	[sflag:s13] =	ssyncadd.s32 $0xFFFFFF80  }
0x3a: {  	_ =	swait.ge [sflag:s13], $0x80  }
0x3b: {  	[sflag:s13] =	ssyncset.done $0x0  }
0x3c: {  	[sflag:s13] =	ssyncadd.s32 $0xFFFFFF80  }
0x3d: {  	_ =	swait.ge [sflag:s13], $0x80  }
0x3e: {  	[sflag:s13] =	ssyncset.done $0x0  }
0x3f: {  	[sflag:s13] =	ssyncadd.s32 $0xFFFFFF80  }
0x40: {  	_ =	swait.ge [sflag:s13], $0x80  }
0x41: {  	[sflag:s13] =	ssyncset.done $0x0  }
0x42: {  	[sflag:s13] =	ssyncadd.s32 $0xFFFFFF80  }
0x43: {  	_ =	swait.ge [sflag:s13], $0x80  }
0x44: {  	s16 =	sadd.s32 $0x1, s16;
	[sflag:s13] =	ssyncset.done $0x0  }
0x45: {  	p0 =	sne.s32 s16, s7;
	[sflag:s13] =	ssyncadd.s32 $0xFFFFFF80  }
.Ltmp1:
0x46: {  	[bflag:$0x0] =	sbarrier.arrive $0xFFFF;
	(pc) =	sbr.rel @p0 .LBB2_1-.Ltmp1, $4  }
0x47: {  	[hbm:s6@s14], [sflag:s9] =	dma.strided [spmem:s10@s15], $0x50, s13, $0x10   }
0x48: {  	_ =	swait.ge [sflag:s8], $0x50  }
0x49: {  	[sflag:s8] =	ssyncset.done $0x0  }
0x4a: {  	[sflag:s8] =	ssyncadd.s32 $0xFFFFFFB0  }
0x4b: {  	_ =	sfence.sel $0x180000  }
0x4c: {  	[bflag:$0x0] =	sbarrier.arrive $0xFFFF  }
0x4d: {  	p0 =	sne.s32 s1, $0x0;
	_ =	strace $0x90000047  }
0x4e: {  	s0 =	sadd.s32 @!p0 $0x100000, s0;
	[bflag:$0x2] =	sbarrier.arrive $0xFFFF  }
0x4f: {  	[sflag:s0] =	ssyncadd.tile.s32 @!p0 $0x1;
	_ =	shalt  }
.Lfunc_end2:
_tile_overlayer_lowered:
.L_overlay_start_2:
0x50: {  	(tag) =	ssettag $0x2  }
0x51: {  	s0 =	rddreg [dreg:$0x0];
	s2 =	stileid.u32  }
0x52: {  	s1 =	rddreg [dreg:$0x1];
	p0 =	sne.s32 s2, $0x0  }
0x53: {  	s3 =	rddreg [dreg:$0x2];
	[bflag:$0x3] =	sbarrier.arrive $0xFFFF;
	s2 =	simm.s32 @!p0 $0x1C02  }
0x54: {  	[timem:s3], [sflag:s2] =	dma.local @!p0 [hbm:s0], s1  }
0x55: {  	s0 =	simm.s32 @!p0 $0x2  }
0x56: {  	_ =	swait.ge @!p0 [sflag:s0], s1  }
0x57: {  	s1 =	ssub.s32 @!p0 $0x0, s1;
	[sflag:s0] =	ssyncset.done @!p0 $0x0  }
0x58: {  	[sflag:s0] =	ssyncadd.s32 @!p0 s1  }
0x59: {  	[bflag:$0x3] =	sbarrier.arrive $0xFFFF  }
0x5a: {  	_ =	shalt  }

</sc_bundles>
